<compile_context>
chip_gen: v7x
topology: tpu7x:2x2x1
jax: 0.10.2.dev20260603
libtpu: 0.0.44.dev20260713+nightly
codegen_flags: <defaults>
</compile_context>

<pallas_src>
import functools

import jax
import jax.numpy as jnp
from jax import lax
from jax.experimental import pallas as pl
from jax.experimental.pallas import tpu as pltpu
from jax.experimental.pallas import tpu_sc as plsc

EMBED_DIM = 32
NUM_WORKERS = 32
CHUNK = 1600


def _make_gather(num_idx: int):
  assert num_idx % (NUM_WORKERS * CHUNK) == 0
  b_per_w = num_idx // NUM_WORKERS
  n_chunks = b_per_w // CHUNK
  assert n_chunks >= 2

  mesh = plsc.VectorSubcoreMesh(core_axis_name="c", subcore_axis_name="s")

  @functools.partial(
      pl.kernel,
      mesh=mesh,
      out_type=jax.ShapeDtypeStruct((num_idx, EMBED_DIM), jnp.float32),
      scratch_types=[
          pltpu.VMEM((2, CHUNK), jnp.int32),
          pltpu.VMEM((2, CHUNK, EMBED_DIM), jnp.float32),
          pltpu.SemaphoreType.DMA((2,)),
          pltpu.SemaphoreType.DMA((2,)),
          pltpu.SemaphoreType.DMA((2,)),
      ],
      compiler_params=pltpu.CompilerParams(use_tc_tiling_on_sc=False),
  )
  def gather_kernel(idx_hbm, table_hbm, out_hbm, idx_v, rows_v, isem, gsem, ssem):
    wid = lax.axis_index("s") * 2 + lax.axis_index("c")
    base = wid * b_per_w

    def idx_copy(c, slot):
      return pltpu.make_async_copy(
          idx_hbm.at[pl.ds(base + c * CHUNK, CHUNK)], idx_v.at[slot],
          isem.at[slot])

    def gather_copy(slot):
      return pltpu.make_async_copy(
          table_hbm.at[idx_v.at[slot]], rows_v.at[slot], gsem.at[slot])

    def store_copy(c, slot):
      return pltpu.make_async_copy(
          rows_v.at[slot], out_hbm.at[pl.ds(base + c * CHUNK, CHUNK)],
          ssem.at[slot])

    idx_copy(0, 0).start()
    for c in range(n_chunks):
      slot = c & 1
      idx_copy(c, slot).wait()
      if c + 1 < n_chunks:
        idx_copy(c + 1, slot ^ 1).start()
      if c >= 2:
        store_copy(c - 2, slot).wait()
      g = gather_copy(slot)
      g.start()
      g.wait()
      store_copy(c, slot).start()
    store_copy(n_chunks - 2, (n_chunks - 2) & 1).wait()
    store_copy(n_chunks - 1, (n_chunks - 1) & 1).wait()

  return gather_kernel


def kernel(x, weight):
  b, s = x.shape
  flat_idx = x.reshape(b * s).astype(jnp.int32)
  out = _make_gather(b * s)(flat_idx, weight)
  return out.reshape(b, s, EMBED_DIM)

# --- scband reference (transcript-rebuilt; emitter-appended) ---
"""Pipeline reference for scband-embedding-82918638616718 (READ-ONLY COPY).

The authoritative reference and input builder live on the scoring server;
editing this copy changes nothing except your own understanding.
"""

import jax, jax.numpy as jnp
import numpy as np

NUM_EMBEDDINGS = 1000000
EMBEDDING_DIM = 32


def setup_inputs(seed: int = 0) -> dict:
    key = jax.random.key(seed)
    k_idx, k_w = jax.random.split(key)
    x = jax.random.randint(k_idx, (16384, 50), 0, NUM_EMBEDDINGS, dtype=jnp.int64 if jax.config.jax_enable_x64 else jnp.int32)
    weight = jax.random.normal(k_w, (NUM_EMBEDDINGS, EMBEDDING_DIM), dtype=jnp.float32) * (EMBEDDING_DIM ** -0.5)
    return {"x": x, "weight": weight}


def reference(x, weight):
    # F.embedding(x, weight) -> gather rows of weight at indices x
    return jnp.take(weight, x, axis=0)

if __name__ == "__main__":
    import jax
    _d = setup_inputs()
    print(jax.jit(kernel)(*tuple(_d.values())))

</pallas_src>

<mosaic_0001>
#map = affine_map<(d0, d1) -> (0)>
#map1 = affine_map<(d0, d1) -> (0, 0)>
module attributes {stable_mosaic.version = 14 : i64} {
  func.func @gather_kernel(%arg0: i32, %arg1: i32, %arg2: memref<819200xi32, #tpu.memory_space<hbm>>, %arg3: memref<1000000x32xf32, #tpu.memory_space<hbm>>, %arg4: memref<819200x32xf32, #tpu.memory_space<hbm>>, %arg5: memref<2x1600xi32, #tpu.memory_space<vmem>>, %arg6: memref<2x1600x32xf32, #tpu.memory_space<vmem>>, %arg7: memref<2x!tpu.dma_semaphore, #tpu.memory_space<semaphore_mem>>, %arg8: memref<2x!tpu.dma_semaphore, #tpu.memory_space<semaphore_mem>>, %arg9: memref<2x!tpu.dma_semaphore, #tpu.memory_space<semaphore_mem>>) attributes {dimension_semantics = [#tpu.dimension_semantics<core_parallel>, #tpu.dimension_semantics<subcore_parallel>], iteration_bounds = array<i64: 2, 16>, scalar_prefetch = 0 : i64, scratch_operands = 5 : i64, tpu.core_type = #tpu.core_type<sc_vector_subcore>, window_params = [{transform_indices = #map}, {transform_indices = #map1}, {transform_indices = #map1}]} {
    %mul3A = arith.constant 2 : i32
    %mul3A_0 = arith.muli %arg1, %mul3A : i32
    %add3A = arith.addi %mul3A_0, %arg0 : i32
    %mul3A_1 = arith.constant 25600 : i32
    %mul3A_2 = arith.muli %add3A, %mul3A_1 : i32
    %add3A_3 = arith.constant 0 : i32
    %add3A_4 = arith.addi %mul3A_2, %add3A_3 : i32
    %dma_start3A = arith.constant 0 : i32
    %dma_start3A_5 = arith.constant 0 : i32
    %dma_start3A_6 = arith.constant 0 : i32
    %dma_start3A_7 = tpu.memref_slice %arg5[%dma_start3A, %dma_start3A_6] : memref<2x1600xi32, #tpu.memory_space<vmem>> -> memref<1x1600xi32, #tpu.memory_space<vmem>>
    %dma_start3A_8 = tpu.memref_squeeze %dma_start3A_7 : memref<1x1600xi32, #tpu.memory_space<vmem>> -> memref<1600xi32, #tpu.memory_space<vmem>>
    %dma_start3A_9 = tpu.memref_slice %arg2[%add3A_4] : memref<819200xi32, #tpu.memory_space<hbm>> -> memref<1600xi32, #tpu.memory_space<hbm>>
    %dma_start3A_10 = tpu.memref_slice %arg7[%dma_start3A_5] : memref<2x!tpu.dma_semaphore, #tpu.memory_space<semaphore_mem>> -> memref<1x!tpu.dma_semaphore, #tpu.memory_space<semaphore_mem>>
    %dma_start3A_11 = tpu.memref_squeeze %dma_start3A_10 : memref<1x!tpu.dma_semaphore, #tpu.memory_space<semaphore_mem>> -> memref<!tpu.dma_semaphore, #tpu.memory_space<semaphore_mem>>
    %dma_start3A_12 = arith.constant 0 : i32
    %dma_start3A_13 = tpu.memref_slice %arg5[%dma_start3A, %dma_start3A_12] : memref<2x1600xi32, #tpu.memory_space<vmem>> -> memref<1x1600xi32, #tpu.memory_space<vmem>>
    %dma_start3A_14 = tpu.memref_squeeze %dma_start3A_13 : memref<1x1600xi32, #tpu.memory_space<vmem>> -> memref<1600xi32, #tpu.memory_space<vmem>>
    %dma_start3A_15 = tpu.memref_slice %arg2[%add3A_4] : memref<819200xi32, #tpu.memory_space<hbm>> -> memref<1600xi32, #tpu.memory_space<hbm>>
    tpu.enqueue_dma source(%dma_start3A_15 : memref<1600xi32, #tpu.memory_space<hbm>>) target(%dma_start3A_14 : memref<1600xi32, #tpu.memory_space<vmem>>) target_semaphore(%dma_start3A_11 : memref<!tpu.dma_semaphore, #tpu.memory_space<semaphore_mem>>)
    %add3A_16 = arith.constant 0 : i32
    %add3A_17 = arith.addi %mul3A_2, %add3A_16 : i32
    %dma_wait3A = arith.constant 0 : i32
    %dma_wait3A_18 = arith.constant 0 : i32
    %dma_wait3A_19 = arith.constant 0 : i32
    %dma_wait3A_20 = tpu.memref_slice %arg5[%dma_wait3A, %dma_wait3A_19] : memref<2x1600xi32, #tpu.memory_space<vmem>> -> memref<1x1600xi32, #tpu.memory_space<vmem>>
    %dma_wait3A_21 = tpu.memref_squeeze %dma_wait3A_20 : memref<1x1600xi32, #tpu.memory_space<vmem>> -> memref<1600xi32, #tpu.memory_space<vmem>>
    %dma_wait3A_22 = tpu.memref_slice %arg2[%add3A_17] : memref<819200xi32, #tpu.memory_space<hbm>> -> memref<1600xi32, #tpu.memory_space<hbm>>
    %dma_wait3A_23 = tpu.memref_slice %arg7[%dma_wait3A_18] : memref<2x!tpu.dma_semaphore, #tpu.memory_space<semaphore_mem>> -> memref<1x!tpu.dma_semaphore, #tpu.memory_space<semaphore_mem>>
    %dma_wait3A_24 = tpu.memref_squeeze %dma_wait3A_23 : memref<1x!tpu.dma_semaphore, #tpu.memory_space<semaphore_mem>> -> memref<!tpu.dma_semaphore, #tpu.memory_space<semaphore_mem>>
    %dma_wait3A_25 = arith.constant 0 : i32
    %dma_wait3A_26 = tpu.memref_slice %arg5[%dma_wait3A, %dma_wait3A_25] : memref<2x1600xi32, #tpu.memory_space<vmem>> -> memref<1x1600xi32, #tpu.memory_space<vmem>>
    %dma_wait3A_27 = tpu.memref_squeeze %dma_wait3A_26 : memref<1x1600xi32, #tpu.memory_space<vmem>> -> memref<1600xi32, #tpu.memory_space<vmem>>
    %dma_wait3A_28 = tpu.memref_slice %arg2[%add3A_17] : memref<819200xi32, #tpu.memory_space<hbm>> -> memref<1600xi32, #tpu.memory_space<hbm>>
    tpu.wait_dma2 semaphore(%dma_wait3A_24 : memref<!tpu.dma_semaphore, #tpu.memory_space<semaphore_mem>>) src(%dma_wait3A_28 : memref<1600xi32, #tpu.memory_space<hbm>>) dst(%dma_wait3A_27 : memref<1600xi32, #tpu.memory_space<vmem>>)
    %add3A_29 = arith.constant 1600 : i32
    %add3A_30 = arith.addi %mul3A_2, %add3A_29 : i32
    %dma_start3A_31 = arith.constant 1 : i32
    %dma_start3A_32 = arith.constant 1 : i32
    %dma_start3A_33 = arith.constant 0 : i32
    %dma_start3A_34 = tpu.memref_slice %arg5[%dma_start3A_31, %dma_start3A_33] : memref<2x1600xi32, #tpu.memory_space<vmem>> -> memref<1x1600xi32, #tpu.memory_space<vmem>>
    %dma_start3A_35 = tpu.memref_squeeze %dma_start3A_34 : memref<1x1600xi32, #tpu.memory_space<vmem>> -> memref<1600xi32, #tpu.memory_space<vmem>>
    %dma_start3A_36 = tpu.memref_slice %arg2[%add3A_30] : memref<819200xi32, #tpu.memory_space<hbm>> -> memref<1600xi32, #tpu.memory_space<hbm>>
    %dma_start3A_37 = tpu.memref_slice %arg7[%dma_start3A_32] : memref<2x!tpu.dma_semaphore, #tpu.memory_space<semaphore_mem>> -> memref<1x!tpu.dma_semaphore, #tpu.memory_space<semaphore_mem>>
    %dma_start3A_38 = tpu.memref_squeeze %dma_start3A_37 : memref<1x!tpu.dma_semaphore, #tpu.memory_space<semaphore_mem>> -> memref<!tpu.dma_semaphore, #tpu.memory_space<semaphore_mem>>
    %dma_start3A_39 = arith.constant 0 : i32
    %dma_start3A_40 = tpu.memref_slice %arg5[%dma_start3A_31, %dma_start3A_39] : memref<2x1600xi32, #tpu.memory_space<vmem>> -> memref<1x1600xi32, #tpu.memory_space<vmem>>
    %dma_start3A_41 = tpu.memref_squeeze %dma_start3A_40 : memref<1x1600xi32, #tpu.memory_space<vmem>> -> memref<1600xi32, #tpu.memory_space<vmem>>
    %dma_start3A_42 = tpu.memref_slice %arg2[%add3A_30] : memref<819200xi32, #tpu.memory_space<hbm>> -> memref<1600xi32, #tpu.memory_space<hbm>>
    tpu.enqueue_dma source(%dma_start3A_42 : memref<1600xi32, #tpu.memory_space<hbm>>) target(%dma_start3A_41 : memref<1600xi32, #tpu.memory_space<vmem>>) target_semaphore(%dma_start3A_38 : memref<!tpu.dma_semaphore, #tpu.memory_space<semaphore_mem>>)
    %dma_start3A_43 = arith.constant 0 : i32
    %dma_start3A_44 = arith.constant 0 : i32
    %dma_start3A_45 = arith.constant 0 : i32
    %dma_start3A_46 = arith.constant 0 : i32
    %dma_start3A_47 = arith.constant 0 : i32
    %dma_start3A_48 = tpu.memref_slice %arg6[%dma_start3A_44, %dma_start3A_46, %dma_start3A_47] : memref<2x1600x32xf32, #tpu.memory_space<vmem>> -> memref<1x1600x32xf32, #tpu.memory_space<vmem>>
    %dma_start3A_49 = tpu.memref_squeeze %dma_start3A_48 : memref<1x1600x32xf32, #tpu.memory_space<vmem>> -> memref<1600x32xf32, #tpu.memory_space<vmem>>
    %dma_start3A_50 = arith.constant 0 : i32
    %dma_start3A_51 = tpu.memref_slice %arg5[%dma_start3A_43, %dma_start3A_50] : memref<2x1600xi32, #tpu.memory_space<vmem>> -> memref<1x1600xi32, #tpu.memory_space<vmem>>
    %dma_start3A_52 = tpu.memref_squeeze %dma_start3A_51 : memref<1x1600xi32, #tpu.memory_space<vmem>> -> memref<1600xi32, #tpu.memory_space<vmem>>
    %dma_start3A_53 = arith.constant 0 : i32
    %dma_start3A_54 = arith.constant 0 : i32
    %dma_start3A_55 = tpu.memref_slice %arg3[%dma_start3A_53, %dma_start3A_54] : memref<1000000x32xf32, #tpu.memory_space<hbm>> -> memref<1000000x32xf32, #tpu.memory_space<hbm>>
    %dma_start3A_56 = tpu.memref_slice %arg8[%dma_start3A_45] : memref<2x!tpu.dma_semaphore, #tpu.memory_space<semaphore_mem>> -> memref<1x!tpu.dma_semaphore, #tpu.memory_space<semaphore_mem>>
    %dma_start3A_57 = tpu.memref_squeeze %dma_start3A_56 : memref<1x!tpu.dma_semaphore, #tpu.memory_space<semaphore_mem>> -> memref<!tpu.dma_semaphore, #tpu.memory_space<semaphore_mem>>
    tpu.enqueue_indirect_dma source(%dma_start3A_55 : memref<1000000x32xf32, #tpu.memory_space<hbm>>) target(%dma_start3A_49 : memref<1600x32xf32, #tpu.memory_space<vmem>>) offsets(%dma_start3A_52 : memref<1600xi32, #tpu.memory_space<vmem>>) semaphore(%dma_start3A_57 : memref<!tpu.dma_semaphore, #tpu.memory_space<semaphore_mem>>)
    %dma_wait3A_58 = arith.constant 0 : i32
    %dma_wait3A_59 = arith.constant 0 : i32
    %dma_wait3A_60 = arith.constant 0 : i32
    %dma_wait3A_61 = arith.constant 0 : i32
    %dma_wait3A_62 = arith.constant 0 : i32
    %dma_wait3A_63 = tpu.memref_slice %arg6[%dma_wait3A_59, %dma_wait3A_61, %dma_wait3A_62] : memref<2x1600x32xf32, #tpu.memory_space<vmem>> -> memref<1x1600x32xf32, #tpu.memory_space<vmem>>
    %dma_wait3A_64 = tpu.memref_squeeze %dma_wait3A_63 : memref<1x1600x32xf32, #tpu.memory_space<vmem>> -> memref<1600x32xf32, #tpu.memory_space<vmem>>
    %dma_wait3A_65 = arith.constant 0 : i32
    %dma_wait3A_66 = tpu.memref_slice %arg5[%dma_wait3A_58, %dma_wait3A_65] : memref<2x1600xi32, #tpu.memory_space<vmem>> -> memref<1x1600xi32, #tpu.memory_space<vmem>>
    %dma_wait3A_67 = tpu.memref_squeeze %dma_wait3A_66 : memref<1x1600xi32, #tpu.memory_space<vmem>> -> memref<1600xi32, #tpu.memory_space<vmem>>
    %dma_wait3A_68 = arith.constant 0 : i32
    %dma_wait3A_69 = arith.constant 0 : i32
    %dma_wait3A_70 = tpu.memref_slice %arg3[%dma_wait3A_68, %dma_wait3A_69] : memref<1000000x32xf32, #tpu.memory_space<hbm>> -> memref<1000000x32xf32, #tpu.memory_space<hbm>>
    %dma_wait3A_71 = tpu.memref_slice %arg8[%dma_wait3A_60] : memref<2x!tpu.dma_semaphore, #tpu.memory_space<semaphore_mem>> -> memref<1x!tpu.dma_semaphore, #tpu.memory_space<semaphore_mem>>
    %dma_wait3A_72 = tpu.memref_squeeze %dma_wait3A_71 : memref<1x!tpu.dma_semaphore, #tpu.memory_space<semaphore_mem>> -> memref<!tpu.dma_semaphore, #tpu.memory_space<semaphore_mem>>
    tpu.wait_indirect_dma semaphore(%dma_wait3A_72 : memref<!tpu.dma_semaphore, #tpu.memory_space<semaphore_mem>>) src(%dma_wait3A_70 : memref<1000000x32xf32, #tpu.memory_space<hbm>>) dst(%dma_wait3A_64 : memref<1600x32xf32, #tpu.memory_space<vmem>>)
    %add3A_73 = arith.constant 0 : i32
    %add3A_74 = arith.addi %mul3A_2, %add3A_73 : i32
    %dma_start3A_75 = arith.constant 0 : i32
    %dma_start3A_76 = arith.constant 0 : i32
    %dma_start3A_77 = arith.constant 0 : i32
    %dma_start3A_78 = arith.constant 0 : i32
    %dma_start3A_79 = tpu.memref_slice %arg6[%dma_start3A_75, %dma_start3A_77, %dma_start3A_78] : memref<2x1600x32xf32, #tpu.memory_space<vmem>> -> memref<1x1600x32xf32, #tpu.memory_space<vmem>>
    %dma_start3A_80 = tpu.memref_squeeze %dma_start3A_79 : memref<1x1600x32xf32, #tpu.memory_space<vmem>> -> memref<1600x32xf32, #tpu.memory_space<vmem>>
    %dma_start3A_81 = arith.constant 0 : i32
    %dma_start3A_82 = tpu.memref_slice %arg4[%add3A_74, %dma_start3A_81] : memref<819200x32xf32, #tpu.memory_space<hbm>> -> memref<1600x32xf32, #tpu.memory_space<hbm>>
    %dma_start3A_83 = tpu.memref_slice %arg9[%dma_start3A_76] : memref<2x!tpu.dma_semaphore, #tpu.memory_space<semaphore_mem>> -> memref<1x!tpu.dma_semaphore, #tpu.memory_space<semaphore_mem>>
    %dma_start3A_84 = tpu.memref_squeeze %dma_start3A_83 : memref<1x!tpu.dma_semaphore, #tpu.memory_space<semaphore_mem>> -> memref<!tpu.dma_semaphore, #tpu.memory_space<semaphore_mem>>
    %dma_start3A_85 = arith.constant 0 : i32
    %dma_start3A_86 = tpu.memref_slice %arg4[%add3A_74, %dma_start3A_85] : memref<819200x32xf32, #tpu.memory_space<hbm>> -> memref<1600x32xf32, #tpu.memory_space<hbm>>
    %dma_start3A_87 = arith.constant 0 : i32
    %dma_start3A_88 = arith.constant 0 : i32
    %dma_start3A_89 = tpu.memref_slice %arg6[%dma_start3A_75, %dma_start3A_87, %dma_start3A_88] : memref<2x1600x32xf32, #tpu.memory_space<vmem>> -> memref<1x1600x32xf32, #tpu.memory_space<vmem>>
    %dma_start3A_90 = tpu.memref_squeeze %dma_start3A_89 : memref<1x1600x32xf32, #tpu.memory_space<vmem>> -> memref<1600x32xf32, #tpu.memory_space<vmem>>
    tpu.enqueue_dma source(%dma_start3A_90 : memref<1600x32xf32, #tpu.memory_space<vmem>>) target(%dma_start3A_86 : memref<1600x32xf32, #tpu.memory_space<hbm>>) target_semaphore(%dma_start3A_84 : memref<!tpu.dma_semaphore, #tpu.memory_space<semaphore_mem>>)
    %add3A_91 = arith.constant 1600 : i32
    %add3A_92 = arith.addi %mul3A_2, %add3A_91 : i32
    %dma_wait3A_93 = arith.constant 1 : i32
    %dma_wait3A_94 = arith.constant 1 : i32
    %dma_wait3A_95 = arith.constant 0 : i32
    %dma_wait3A_96 = tpu.memref_slice %arg5[%dma_wait3A_93, %dma_wait3A_95] : memref<2x1600xi32, #tpu.memory_space<vmem>> -> memref<1x1600xi32, #tpu.memory_space<vmem>>
    %dma_wait3A_97 = tpu.memref_squeeze %dma_wait3A_96 : memref<1x1600xi32, #tpu.memory_space<vmem>> -> memref<1600xi32, #tpu.memory_space<vmem>>
    %dma_wait3A_98 = tpu.memref_slice %arg2[%add3A_92] : memref<819200xi32, #tpu.memory_space<hbm>> -> memref<1600xi32, #tpu.memory_space<hbm>>
    %dma_wait3A_99 = tpu.memref_slice %arg7[%dma_wait3A_94] : memref<2x!tpu.dma_semaphore, #tpu.memory_space<semaphore_mem>> -> memref<1x!tpu.dma_semaphore, #tpu.memory_space<semaphore_mem>>
    %dma_wait3A_100 = tpu.memref_squeeze %dma_wait3A_99 : memref<1x!tpu.dma_semaphore, #tpu.memory_space<semaphore_mem>> -> memref<!tpu.dma_semaphore, #tpu.memory_space<semaphore_mem>>
    %dma_wait3A_101 = arith.constant 0 : i32
    %dma_wait3A_102 = tpu.memref_slice %arg5[%dma_wait3A_93, %dma_wait3A_101] : memref<2x1600xi32, #tpu.memory_space<vmem>> -> memref<1x1600xi32, #tpu.memory_space<vmem>>
    %dma_wait3A_103 = tpu.memref_squeeze %dma_wait3A_102 : memref<1x1600xi32, #tpu.memory_space<vmem>> -> memref<1600xi32, #tpu.memory_space<vmem>>
    %dma_wait3A_104 = tpu.memref_slice %arg2[%add3A_92] : memref<819200xi32, #tpu.memory_space<hbm>> -> memref<1600xi32, #tpu.memory_space<hbm>>
    tpu.wait_dma2 semaphore(%dma_wait3A_100 : memref<!tpu.dma_semaphore, #tpu.memory_space<semaphore_mem>>) src(%dma_wait3A_104 : memref<1600xi32, #tpu.memory_space<hbm>>) dst(%dma_wait3A_103 : memref<1600xi32, #tpu.memory_space<vmem>>)
    %add3A_105 = arith.constant 3200 : i32
    %add3A_106 = arith.addi %mul3A_2, %add3A_105 : i32
    %dma_start3A_107 = arith.constant 0 : i32
    %dma_start3A_108 = arith.constant 0 : i32
    %dma_start3A_109 = arith.constant 0 : i32
    %dma_start3A_110 = tpu.memref_slice %arg5[%dma_start3A_107, %dma_start3A_109] : memref<2x1600xi32, #tpu.memory_space<vmem>> -> memref<1x1600xi32, #tpu.memory_space<vmem>>
    %dma_start3A_111 = tpu.memref_squeeze %dma_start3A_110 : memref<1x1600xi32, #tpu.memory_space<vmem>> -> memref<1600xi32, #tpu.memory_space<vmem>>
    %dma_start3A_112 = tpu.memref_slice %arg2[%add3A_106] : memref<819200xi32, #tpu.memory_space<hbm>> -> memref<1600xi32, #tpu.memory_space<hbm>>
    %dma_start3A_113 = tpu.memref_slice %arg7[%dma_start3A_108] : memref<2x!tpu.dma_semaphore, #tpu.memory_space<semaphore_mem>> -> memref<1x!tpu.dma_semaphore, #tpu.memory_space<semaphore_mem>>
    %dma_start3A_114 = tpu.memref_squeeze %dma_start3A_113 : memref<1x!tpu.dma_semaphore, #tpu.memory_space<semaphore_mem>> -> memref<!tpu.dma_semaphore, #tpu.memory_space<semaphore_mem>>
    %dma_start3A_115 = arith.constant 0 : i32
    %dma_start3A_116 = tpu.memref_slice %arg5[%dma_start3A_107, %dma_start3A_115] : memref<2x1600xi32, #tpu.memory_space<vmem>> -> memref<1x1600xi32, #tpu.memory_space<vmem>>
    %dma_start3A_117 = tpu.memref_squeeze %dma_start3A_116 : memref<1x1600xi32, #tpu.memory_space<vmem>> -> memref<1600xi32, #tpu.memory_space<vmem>>
    %dma_start3A_118 = tpu.memref_slice %arg2[%add3A_106] : memref<819200xi32, #tpu.memory_space<hbm>> -> memref<1600xi32, #tpu.memory_space<hbm>>
    tpu.enqueue_dma source(%dma_start3A_118 : memref<1600xi32, #tpu.memory_space<hbm>>) target(%dma_start3A_117 : memref<1600xi32, #tpu.memory_space<vmem>>) target_semaphore(%dma_start3A_114 : memref<!tpu.dma_semaphore, #tpu.memory_space<semaphore_mem>>)
    %dma_start3A_119 = arith.constant 1 : i32
    %dma_start3A_120 = arith.constant 1 : i32
    %dma_start3A_121 = arith.constant 1 : i32
    %dma_start3A_122 = arith.constant 0 : i32
    %dma_start3A_123 = arith.constant 0 : i32
    %dma_start3A_124 = tpu.memref_slice %arg6[%dma_start3A_120, %dma_start3A_122, %dma_start3A_123] : memref<2x1600x32xf32, #tpu.memory_space<vmem>> -> memref<1x1600x32xf32, #tpu.memory_space<vmem>>
    %dma_start3A_125 = tpu.memref_squeeze %dma_start3A_124 : memref<1x1600x32xf32, #tpu.memory_space<vmem>> -> memref<1600x32xf32, #tpu.memory_space<vmem>>
    %dma_start3A_126 = arith.constant 0 : i32
    %dma_start3A_127 = tpu.memref_slice %arg5[%dma_start3A_119, %dma_start3A_126] : memref<2x1600xi32, #tpu.memory_space<vmem>> -> memref<1x1600xi32, #tpu.memory_space<vmem>>
    %dma_start3A_128 = tpu.memref_squeeze %dma_start3A_127 : memref<1x1600xi32, #tpu.memory_space<vmem>> -> memref<1600xi32, #tpu.memory_space<vmem>>
    %dma_start3A_129 = arith.constant 0 : i32
    %dma_start3A_130 = arith.constant 0 : i32
    %dma_start3A_131 = tpu.memref_slice %arg3[%dma_start3A_129, %dma_start3A_130] : memref<1000000x32xf32, #tpu.memory_space<hbm>> -> memref<1000000x32xf32, #tpu.memory_space<hbm>>
    %dma_start3A_132 = tpu.memref_slice %arg8[%dma_start3A_121] : memref<2x!tpu.dma_semaphore, #tpu.memory_space<semaphore_mem>> -> memref<1x!tpu.dma_semaphore, #tpu.memory_space<semaphore_mem>>
    %dma_start3A_133 = tpu.memref_squeeze %dma_start3A_132 : memref<1x!tpu.dma_semaphore, #tpu.memory_space<semaphore_mem>> -> memref<!tpu.dma_semaphore, #tpu.memory_space<semaphore_mem>>
    tpu.enqueue_indirect_dma source(%dma_start3A_131 : memref<1000000x32xf32, #tpu.memory_space<hbm>>) target(%dma_start3A_125 : memref<1600x32xf32, #tpu.memory_space<vmem>>) offsets(%dma_start3A_128 : memref<1600xi32, #tpu.memory_space<vmem>>) semaphore(%dma_start3A_133 : memref<!tpu.dma_semaphore, #tpu.memory_space<semaphore_mem>>)
    %dma_wait3A_134 = arith.constant 1 : i32
    %dma_wait3A_135 = arith.constant 1 : i32
    %dma_wait3A_136 = arith.constant 1 : i32
    %dma_wait3A_137 = arith.constant 0 : i32
    %dma_wait3A_138 = arith.constant 0 : i32
    %dma_wait3A_139 = tpu.memref_slice %arg6[%dma_wait3A_135, %dma_wait3A_137, %dma_wait3A_138] : memref<2x1600x32xf32, #tpu.memory_space<vmem>> -> memref<1x1600x32xf32, #tpu.memory_space<vmem>>
    %dma_wait3A_140 = tpu.memref_squeeze %dma_wait3A_139 : memref<1x1600x32xf32, #tpu.memory_space<vmem>> -> memref<1600x32xf32, #tpu.memory_space<vmem>>
    %dma_wait3A_141 = arith.constant 0 : i32
    %dma_wait3A_142 = tpu.memref_slice %arg5[%dma_wait3A_134, %dma_wait3A_141] : memref<2x1600xi32, #tpu.memory_space<vmem>> -> memref<1x1600xi32, #tpu.memory_space<vmem>>
    %dma_wait3A_143 = tpu.memref_squeeze %dma_wait3A_142 : memref<1x1600xi32, #tpu.memory_space<vmem>> -> memref<1600xi32, #tpu.memory_space<vmem>>
    %dma_wait3A_144 = arith.constant 0 : i32
    %dma_wait3A_145 = arith.constant 0 : i32
    %dma_wait3A_146 = tpu.memref_slice %arg3[%dma_wait3A_144, %dma_wait3A_145] : memref<1000000x32xf32, #tpu.memory_space<hbm>> -> memref<1000000x32xf32, #tpu.memory_space<hbm>>
    %dma_wait3A_147 = tpu.memref_slice %arg8[%dma_wait3A_136] : memref<2x!tpu.dma_semaphore, #tpu.memory_space<semaphore_mem>> -> memref<1x!tpu.dma_semaphore, #tpu.memory_space<semaphore_mem>>
    %dma_wait3A_148 = tpu.memref_squeeze %dma_wait3A_147 : memref<1x!tpu.dma_semaphore, #tpu.memory_space<semaphore_mem>> -> memref<!tpu.dma_semaphore, #tpu.memory_space<semaphore_mem>>
    tpu.wait_indirect_dma semaphore(%dma_wait3A_148 : memref<!tpu.dma_semaphore, #tpu.memory_space<semaphore_mem>>) src(%dma_wait3A_146 : memref<1000000x32xf32, #tpu.memory_space<hbm>>) dst(%dma_wait3A_140 : memref<1600x32xf32, #tpu.memory_space<vmem>>)
    %add3A_149 = arith.constant 1600 : i32
    %add3A_150 = arith.addi %mul3A_2, %add3A_149 : i32
    %dma_start3A_151 = arith.constant 1 : i32
    %dma_start3A_152 = arith.constant 1 : i32
    %dma_start3A_153 = arith.constant 0 : i32
    %dma_start3A_154 = arith.constant 0 : i32
    %dma_start3A_155 = tpu.memref_slice %arg6[%dma_start3A_151, %dma_start3A_153, %dma_start3A_154] : memref<2x1600x32xf32, #tpu.memory_space<vmem>> -> memref<1x1600x32xf32, #tpu.memory_space<vmem>>
    %dma_start3A_156 = tpu.memref_squeeze %dma_start3A_155 : memref<1x1600x32xf32, #tpu.memory_space<vmem>> -> memref<1600x32xf32, #tpu.memory_space<vmem>>
    %dma_start3A_157 = arith.constant 0 : i32
    %dma_start3A_158 = tpu.memref_slice %arg4[%add3A_150, %dma_start3A_157] : memref<819200x32xf32, #tpu.memory_space<hbm>> -> memref<1600x32xf32, #tpu.memory_space<hbm>>
    %dma_start3A_159 = tpu.memref_slice %arg9[%dma_start3A_152] : memref<2x!tpu.dma_semaphore, #tpu.memory_space<semaphore_mem>> -> memref<1x!tpu.dma_semaphore, #tpu.memory_space<semaphore_mem>>
    %dma_start3A_160 = tpu.memref_squeeze %dma_start3A_159 : memref<1x!tpu.dma_semaphore, #tpu.memory_space<semaphore_mem>> -> memref<!tpu.dma_semaphore, #tpu.memory_space<semaphore_mem>>
    %dma_start3A_161 = arith.constant 0 : i32
    %dma_start3A_162 = tpu.memref_slice %arg4[%add3A_150, %dma_start3A_161] : memref<819200x32xf32, #tpu.memory_space<hbm>> -> memref<1600x32xf32, #tpu.memory_space<hbm>>
    %dma_start3A_163 = arith.constant 0 : i32
    %dma_start3A_164 = arith.constant 0 : i32
    %dma_start3A_165 = tpu.memref_slice %arg6[%dma_start3A_151, %dma_start3A_163, %dma_start3A_164] : memref<2x1600x32xf32, #tpu.memory_space<vmem>> -> memref<1x1600x32xf32, #tpu.memory_space<vmem>>
    %dma_start3A_166 = tpu.memref_squeeze %dma_start3A_165 : memref<1x1600x32xf32, #tpu.memory_space<vmem>> -> memref<1600x32xf32, #tpu.memory_space<vmem>>
    tpu.enqueue_dma source(%dma_start3A_166 : memref<1600x32xf32, #tpu.memory_space<vmem>>) target(%dma_start3A_162 : memref<1600x32xf32, #tpu.memory_space<hbm>>) target_semaphore(%dma_start3A_160 : memref<!tpu.dma_semaphore, #tpu.memory_space<semaphore_mem>>)
    %add3A_167 = arith.constant 3200 : i32
    %add3A_168 = arith.addi %mul3A_2, %add3A_167 : i32
    %dma_wait3A_169 = arith.constant 0 : i32
    %dma_wait3A_170 = arith.constant 0 : i32
    %dma_wait3A_171 = arith.constant 0 : i32
    %dma_wait3A_172 = tpu.memref_slice %arg5[%dma_wait3A_169, %dma_wait3A_171] : memref<2x1600xi32, #tpu.memory_space<vmem>> -> memref<1x1600xi32, #tpu.memory_space<vmem>>
    %dma_wait3A_173 = tpu.memref_squeeze %dma_wait3A_172 : memref<1x1600xi32, #tpu.memory_space<vmem>> -> memref<1600xi32, #tpu.memory_space<vmem>>
    %dma_wait3A_174 = tpu.memref_slice %arg2[%add3A_168] : memref<819200xi32, #tpu.memory_space<hbm>> -> memref<1600xi32, #tpu.memory_space<hbm>>
    %dma_wait3A_175 = tpu.memref_slice %arg7[%dma_wait3A_170] : memref<2x!tpu.dma_semaphore, #tpu.memory_space<semaphore_mem>> -> memref<1x!tpu.dma_semaphore, #tpu.memory_space<semaphore_mem>>
    %dma_wait3A_176 = tpu.memref_squeeze %dma_wait3A_175 : memref<1x!tpu.dma_semaphore, #tpu.memory_space<semaphore_mem>> -> memref<!tpu.dma_semaphore, #tpu.memory_space<semaphore_mem>>
    %dma_wait3A_177 = arith.constant 0 : i32
    %dma_wait3A_178 = tpu.memref_slice %arg5[%dma_wait3A_169, %dma_wait3A_177] : memref<2x1600xi32, #tpu.memory_space<vmem>> -> memref<1x1600xi32, #tpu.memory_space<vmem>>
    %dma_wait3A_179 = tpu.memref_squeeze %dma_wait3A_178 : memref<1x1600xi32, #tpu.memory_space<vmem>> -> memref<1600xi32, #tpu.memory_space<vmem>>
    %dma_wait3A_180 = tpu.memref_slice %arg2[%add3A_168] : memref<819200xi32, #tpu.memory_space<hbm>> -> memref<1600xi32, #tpu.memory_space<hbm>>
    tpu.wait_dma2 semaphore(%dma_wait3A_176 : memref<!tpu.dma_semaphore, #tpu.memory_space<semaphore_mem>>) src(%dma_wait3A_180 : memref<1600xi32, #tpu.memory_space<hbm>>) dst(%dma_wait3A_179 : memref<1600xi32, #tpu.memory_space<vmem>>)
    %add3A_181 = arith.constant 4800 : i32
    %add3A_182 = arith.addi %mul3A_2, %add3A_181 : i32
    %dma_start3A_183 = arith.constant 1 : i32
    %dma_start3A_184 = arith.constant 1 : i32
    %dma_start3A_185 = arith.constant 0 : i32
    %dma_start3A_186 = tpu.memref_slice %arg5[%dma_start3A_183, %dma_start3A_185] : memref<2x1600xi32, #tpu.memory_space<vmem>> -> memref<1x1600xi32, #tpu.memory_space<vmem>>
    %dma_start3A_187 = tpu.memref_squeeze %dma_start3A_186 : memref<1x1600xi32, #tpu.memory_space<vmem>> -> memref<1600xi32, #tpu.memory_space<vmem>>
    %dma_start3A_188 = tpu.memref_slice %arg2[%add3A_182] : memref<819200xi32, #tpu.memory_space<hbm>> -> memref<1600xi32, #tpu.memory_space<hbm>>
    %dma_start3A_189 = tpu.memref_slice %arg7[%dma_start3A_184] : memref<2x!tpu.dma_semaphore, #tpu.memory_space<semaphore_mem>> -> memref<1x!tpu.dma_semaphore, #tpu.memory_space<semaphore_mem>>
    %dma_start3A_190 = tpu.memref_squeeze %dma_start3A_189 : memref<1x!tpu.dma_semaphore, #tpu.memory_space<semaphore_mem>> -> memref<!tpu.dma_semaphore, #tpu.memory_space<semaphore_mem>>
    %dma_start3A_191 = arith.constant 0 : i32
    %dma_start3A_192 = tpu.memref_slice %arg5[%dma_start3A_183, %dma_start3A_191] : memref<2x1600xi32, #tpu.memory_space<vmem>> -> memref<1x1600xi32, #tpu.memory_space<vmem>>
    %dma_start3A_193 = tpu.memref_squeeze %dma_start3A_192 : memref<1x1600xi32, #tpu.memory_space<vmem>> -> memref<1600xi32, #tpu.memory_space<vmem>>
    %dma_start3A_194 = tpu.memref_slice %arg2[%add3A_182] : memref<819200xi32, #tpu.memory_space<hbm>> -> memref<1600xi32, #tpu.memory_space<hbm>>
    tpu.enqueue_dma source(%dma_start3A_194 : memref<1600xi32, #tpu.memory_space<hbm>>) target(%dma_start3A_193 : memref<1600xi32, #tpu.memory_space<vmem>>) target_semaphore(%dma_start3A_190 : memref<!tpu.dma_semaphore, #tpu.memory_space<semaphore_mem>>)
    %add3A_195 = arith.constant 0 : i32
    %add3A_196 = arith.addi %mul3A_2, %add3A_195 : i32
    %dma_wait3A_197 = arith.constant 0 : i32
    %dma_wait3A_198 = arith.constant 0 : i32
    %dma_wait3A_199 = arith.constant 0 : i32
    %dma_wait3A_200 = arith.constant 0 : i32
    %dma_wait3A_201 = tpu.memref_slice %arg6[%dma_wait3A_197, %dma_wait3A_199, %dma_wait3A_200] : memref<2x1600x32xf32, #tpu.memory_space<vmem>> -> memref<1x1600x32xf32, #tpu.memory_space<vmem>>
    %dma_wait3A_202 = tpu.memref_squeeze %dma_wait3A_201 : memref<1x1600x32xf32, #tpu.memory_space<vmem>> -> memref<1600x32xf32, #tpu.memory_space<vmem>>
    %dma_wait3A_203 = arith.constant 0 : i32
    %dma_wait3A_204 = tpu.memref_slice %arg4[%add3A_196, %dma_wait3A_203] : memref<819200x32xf32, #tpu.memory_space<hbm>> -> memref<1600x32xf32, #tpu.memory_space<hbm>>
    %dma_wait3A_205 = tpu.memref_slice %arg9[%dma_wait3A_198] : memref<2x!tpu.dma_semaphore, #tpu.memory_space<semaphore_mem>> -> memref<1x!tpu.dma_semaphore, #tpu.memory_space<semaphore_mem>>
    %dma_wait3A_206 = tpu.memref_squeeze %dma_wait3A_205 : memref<1x!tpu.dma_semaphore, #tpu.memory_space<semaphore_mem>> -> memref<!tpu.dma_semaphore, #tpu.memory_space<semaphore_mem>>
    %dma_wait3A_207 = arith.constant 0 : i32
    %dma_wait3A_208 = tpu.memref_slice %arg4[%add3A_196, %dma_wait3A_207] : memref<819200x32xf32, #tpu.memory_space<hbm>> -> memref<1600x32xf32, #tpu.memory_space<hbm>>
    %dma_wait3A_209 = arith.constant 0 : i32
    %dma_wait3A_210 = arith.constant 0 : i32
    %dma_wait3A_211 = tpu.memref_slice %arg6[%dma_wait3A_197, %dma_wait3A_209, %dma_wait3A_210] : memref<2x1600x32xf32, #tpu.memory_space<vmem>> -> memref<1x1600x32xf32, #tpu.memory_space<vmem>>
    %dma_wait3A_212 = tpu.memref_squeeze %dma_wait3A_211 : memref<1x1600x32xf32, #tpu.memory_space<vmem>> -> memref<1600x32xf32, #tpu.memory_space<vmem>>
    tpu.wait_dma2 semaphore(%dma_wait3A_206 : memref<!tpu.dma_semaphore, #tpu.memory_space<semaphore_mem>>) src(%dma_wait3A_212 : memref<1600x32xf32, #tpu.memory_space<vmem>>) dst(%dma_wait3A_208 : memref<1600x32xf32, #tpu.memory_space<hbm>>)
    %dma_start3A_213 = arith.constant 0 : i32
    %dma_start3A_214 = arith.constant 0 : i32
    %dma_start3A_215 = arith.constant 0 : i32
    %dma_start3A_216 = arith.constant 0 : i32
    %dma_start3A_217 = arith.constant 0 : i32
    %dma_start3A_218 = tpu.memref_slice %arg6[%dma_start3A_214, %dma_start3A_216, %dma_start3A_217] : memref<2x1600x32xf32, #tpu.memory_space<vmem>> -> memref<1x1600x32xf32, #tpu.memory_space<vmem>>
    %dma_start3A_219 = tpu.memref_squeeze %dma_start3A_218 : memref<1x1600x32xf32, #tpu.memory_space<vmem>> -> memref<1600x32xf32, #tpu.memory_space<vmem>>
    %dma_start3A_220 = arith.constant 0 : i32
    %dma_start3A_221 = tpu.memref_slice %arg5[%dma_start3A_213, %dma_start3A_220] : memref<2x1600xi32, #tpu.memory_space<vmem>> -> memref<1x1600xi32, #tpu.memory_space<vmem>>
    %dma_start3A_222 = tpu.memref_squeeze %dma_start3A_221 : memref<1x1600xi32, #tpu.memory_space<vmem>> -> memref<1600xi32, #tpu.memory_space<vmem>>
    %dma_start3A_223 = arith.constant 0 : i32
    %dma_start3A_224 = arith.constant 0 : i32
    %dma_start3A_225 = tpu.memref_slice %arg3[%dma_start3A_223, %dma_start3A_224] : memref<1000000x32xf32, #tpu.memory_space<hbm>> -> memref<1000000x32xf32, #tpu.memory_space<hbm>>
    %dma_start3A_226 = tpu.memref_slice %arg8[%dma_start3A_215] : memref<2x!tpu.dma_semaphore, #tpu.memory_space<semaphore_mem>> -> memref<1x!tpu.dma_semaphore, #tpu.memory_space<semaphore_mem>>
    %dma_start3A_227 = tpu.memref_squeeze %dma_start3A_226 : memref<1x!tpu.dma_semaphore, #tpu.memory_space<semaphore_mem>> -> memref<!tpu.dma_semaphore, #tpu.memory_space<semaphore_mem>>
    tpu.enqueue_indirect_dma source(%dma_start3A_225 : memref<1000000x32xf32, #tpu.memory_space<hbm>>) target(%dma_start3A_219 : memref<1600x32xf32, #tpu.memory_space<vmem>>) offsets(%dma_start3A_222 : memref<1600xi32, #tpu.memory_space<vmem>>) semaphore(%dma_start3A_227 : memref<!tpu.dma_semaphore, #tpu.memory_space<semaphore_mem>>)
    %dma_wait3A_228 = arith.constant 0 : i32
    %dma_wait3A_229 = arith.constant 0 : i32
    %dma_wait3A_230 = arith.constant 0 : i32
    %dma_wait3A_231 = arith.constant 0 : i32
    %dma_wait3A_232 = arith.constant 0 : i32
    %dma_wait3A_233 = tpu.memref_slice %arg6[%dma_wait3A_229, %dma_wait3A_231, %dma_wait3A_232] : memref<2x1600x32xf32, #tpu.memory_space<vmem>> -> memref<1x1600x32xf32, #tpu.memory_space<vmem>>
    %dma_wait3A_234 = tpu.memref_squeeze %dma_wait3A_233 : memref<1x1600x32xf32, #tpu.memory_space<vmem>> -> memref<1600x32xf32, #tpu.memory_space<vmem>>
    %dma_wait3A_235 = arith.constant 0 : i32
    %dma_wait3A_236 = tpu.memref_slice %arg5[%dma_wait3A_228, %dma_wait3A_235] : memref<2x1600xi32, #tpu.memory_space<vmem>> -> memref<1x1600xi32, #tpu.memory_space<vmem>>
    %dma_wait3A_237 = tpu.memref_squeeze %dma_wait3A_236 : memref<1x1600xi32, #tpu.memory_space<vmem>> -> memref<1600xi32, #tpu.memory_space<vmem>>
    %dma_wait3A_238 = arith.constant 0 : i32
    %dma_wait3A_239 = arith.constant 0 : i32
    %dma_wait3A_240 = tpu.memref_slice %arg3[%dma_wait3A_238, %dma_wait3A_239] : memref<1000000x32xf32, #tpu.memory_space<hbm>> -> memref<1000000x32xf32, #tpu.memory_space<hbm>>
    %dma_wait3A_241 = tpu.memref_slice %arg8[%dma_wait3A_230] : memref<2x!tpu.dma_semaphore, #tpu.memory_space<semaphore_mem>> -> memref<1x!tpu.dma_semaphore, #tpu.memory_space<semaphore_mem>>
    %dma_wait3A_242 = tpu.memref_squeeze %dma_wait3A_241 : memref<1x!tpu.dma_semaphore, #tpu.memory_space<semaphore_mem>> -> memref<!tpu.dma_semaphore, #tpu.memory_space<semaphore_mem>>
    tpu.wait_indirect_dma semaphore(%dma_wait3A_242 : memref<!tpu.dma_semaphore, #tpu.memory_space<semaphore_mem>>) src(%dma_wait3A_240 : memref<1000000x32xf32, #tpu.memory_space<hbm>>) dst(%dma_wait3A_234 : memref<1600x32xf32, #tpu.memory_space<vmem>>)
    %add3A_243 = arith.constant 3200 : i32
    %add3A_244 = arith.addi %mul3A_2, %add3A_243 : i32
    %dma_start3A_245 = arith.constant 0 : i32
    %dma_start3A_246 = arith.constant 0 : i32
    %dma_start3A_247 = arith.constant 0 : i32
    %dma_start3A_248 = arith.constant 0 : i32
    %dma_start3A_249 = tpu.memref_slice %arg6[%dma_start3A_245, %dma_start3A_247, %dma_start3A_248] : memref<2x1600x32xf32, #tpu.memory_space<vmem>> -> memref<1x1600x32xf32, #tpu.memory_space<vmem>>
    %dma_start3A_250 = tpu.memref_squeeze %dma_start3A_249 : memref<1x1600x32xf32, #tpu.memory_space<vmem>> -> memref<1600x32xf32, #tpu.memory_space<vmem>>
    %dma_start3A_251 = arith.constant 0 : i32
    %dma_start3A_252 = tpu.memref_slice %arg4[%add3A_244, %dma_start3A_251] : memref<819200x32xf32, #tpu.memory_space<hbm>> -> memref<1600x32xf32, #tpu.memory_space<hbm>>
    %dma_start3A_253 = tpu.memref_slice %arg9[%dma_start3A_246] : memref<2x!tpu.dma_semaphore, #tpu.memory_space<semaphore_mem>> -> memref<1x!tpu.dma_semaphore, #tpu.memory_space<semaphore_mem>>
    %dma_start3A_254 = tpu.memref_squeeze %dma_start3A_253 : memref<1x!tpu.dma_semaphore, #tpu.memory_space<semaphore_mem>> -> memref<!tpu.dma_semaphore, #tpu.memory_space<semaphore_mem>>
    %dma_start3A_255 = arith.constant 0 : i32
    %dma_start3A_256 = tpu.memref_slice %arg4[%add3A_244, %dma_start3A_255] : memref<819200x32xf32, #tpu.memory_space<hbm>> -> memref<1600x32xf32, #tpu.memory_space<hbm>>
    %dma_start3A_257 = arith.constant 0 : i32
    %dma_start3A_258 = arith.constant 0 : i32
    %dma_start3A_259 = tpu.memref_slice %arg6[%dma_start3A_245, %dma_start3A_257, %dma_start3A_258] : memref<2x1600x32xf32, #tpu.memory_space<vmem>> -> memref<1x1600x32xf32, #tpu.memory_space<vmem>>
    %dma_start3A_260 = tpu.memref_squeeze %dma_start3A_259 : memref<1x1600x32xf32, #tpu.memory_space<vmem>> -> memref<1600x32xf32, #tpu.memory_space<vmem>>
    tpu.enqueue_dma source(%dma_start3A_260 : memref<1600x32xf32, #tpu.memory_space<vmem>>) target(%dma_start3A_256 : memref<1600x32xf32, #tpu.memory_space<hbm>>) target_semaphore(%dma_start3A_254 : memref<!tpu.dma_semaphore, #tpu.memory_space<semaphore_mem>>)
    %add3A_261 = arith.constant 4800 : i32
    %add3A_262 = arith.addi %mul3A_2, %add3A_261 : i32
    %dma_wait3A_263 = arith.constant 1 : i32
    %dma_wait3A_264 = arith.constant 1 : i32
    %dma_wait3A_265 = arith.constant 0 : i32
    %dma_wait3A_266 = tpu.memref_slice %arg5[%dma_wait3A_263, %dma_wait3A_265] : memref<2x1600xi32, #tpu.memory_space<vmem>> -> memref<1x1600xi32, #tpu.memory_space<vmem>>
    %dma_wait3A_267 = tpu.memref_squeeze %dma_wait3A_266 : memref<1x1600xi32, #tpu.memory_space<vmem>> -> memref<1600xi32, #tpu.memory_space<vmem>>
    %dma_wait3A_268 = tpu.memref_slice %arg2[%add3A_262] : memref<819200xi32, #tpu.memory_space<hbm>> -> memref<1600xi32, #tpu.memory_space<hbm>>
    %dma_wait3A_269 = tpu.memref_slice %arg7[%dma_wait3A_264] : memref<2x!tpu.dma_semaphore, #tpu.memory_space<semaphore_mem>> -> memref<1x!tpu.dma_semaphore, #tpu.memory_space<semaphore_mem>>
    %dma_wait3A_270 = tpu.memref_squeeze %dma_wait3A_269 : memref<1x!tpu.dma_semaphore, #tpu.memory_space<semaphore_mem>> -> memref<!tpu.dma_semaphore, #tpu.memory_space<semaphore_mem>>
    %dma_wait3A_271 = arith.constant 0 : i32
    %dma_wait3A_272 = tpu.memref_slice %arg5[%dma_wait3A_263, %dma_wait3A_271] : memref<2x1600xi32, #tpu.memory_space<vmem>> -> memref<1x1600xi32, #tpu.memory_space<vmem>>
    %dma_wait3A_273 = tpu.memref_squeeze %dma_wait3A_272 : memref<1x1600xi32, #tpu.memory_space<vmem>> -> memref<1600xi32, #tpu.memory_space<vmem>>
    %dma_wait3A_274 = tpu.memref_slice %arg2[%add3A_262] : memref<819200xi32, #tpu.memory_space<hbm>> -> memref<1600xi32, #tpu.memory_space<hbm>>
    tpu.wait_dma2 semaphore(%dma_wait3A_270 : memref<!tpu.dma_semaphore, #tpu.memory_space<semaphore_mem>>) src(%dma_wait3A_274 : memref<1600xi32, #tpu.memory_space<hbm>>) dst(%dma_wait3A_273 : memref<1600xi32, #tpu.memory_space<vmem>>)
    %add3A_275 = arith.constant 6400 : i32
    %add3A_276 = arith.addi %mul3A_2, %add3A_275 : i32
    %dma_start3A_277 = arith.constant 0 : i32
    %dma_start3A_278 = arith.constant 0 : i32
    %dma_start3A_279 = arith.constant 0 : i32
    %dma_start3A_280 = tpu.memref_slice %arg5[%dma_start3A_277, %dma_start3A_279] : memref<2x1600xi32, #tpu.memory_space<vmem>> -> memref<1x1600xi32, #tpu.memory_space<vmem>>
    %dma_start3A_281 = tpu.memref_squeeze %dma_start3A_280 : memref<1x1600xi32, #tpu.memory_space<vmem>> -> memref<1600xi32, #tpu.memory_space<vmem>>
    %dma_start3A_282 = tpu.memref_slice %arg2[%add3A_276] : memref<819200xi32, #tpu.memory_space<hbm>> -> memref<1600xi32, #tpu.memory_space<hbm>>
    %dma_start3A_283 = tpu.memref_slice %arg7[%dma_start3A_278] : memref<2x!tpu.dma_semaphore, #tpu.memory_space<semaphore_mem>> -> memref<1x!tpu.dma_semaphore, #tpu.memory_space<semaphore_mem>>
    %dma_start3A_284 = tpu.memref_squeeze %dma_start3A_283 : memref<1x!tpu.dma_semaphore, #tpu.memory_space<semaphore_mem>> -> memref<!tpu.dma_semaphore, #tpu.memory_space<semaphore_mem>>
    %dma_start3A_285 = arith.constant 0 : i32
    %dma_start3A_286 = tpu.memref_slice %arg5[%dma_start3A_277, %dma_start3A_285] : memref<2x1600xi32, #tpu.memory_space<vmem>> -> memref<1x1600xi32, #tpu.memory_space<vmem>>
    %dma_start3A_287 = tpu.memref_squeeze %dma_start3A_286 : memref<1x1600xi32, #tpu.memory_space<vmem>> -> memref<1600xi32, #tpu.memory_space<vmem>>
    %dma_start3A_288 = tpu.memref_slice %arg2[%add3A_276] : memref<819200xi32, #tpu.memory_space<hbm>> -> memref<1600xi32, #tpu.memory_space<hbm>>
    tpu.enqueue_dma source(%dma_start3A_288 : memref<1600xi32, #tpu.memory_space<hbm>>) target(%dma_start3A_287 : memref<1600xi32, #tpu.memory_space<vmem>>) target_semaphore(%dma_start3A_284 : memref<!tpu.dma_semaphore, #tpu.memory_space<semaphore_mem>>)
    %add3A_289 = arith.constant 1600 : i32
    %add3A_290 = arith.addi %mul3A_2, %add3A_289 : i32
    %dma_wait3A_291 = arith.constant 1 : i32
    %dma_wait3A_292 = arith.constant 1 : i32
    %dma_wait3A_293 = arith.constant 0 : i32
    %dma_wait3A_294 = arith.constant 0 : i32
    %dma_wait3A_295 = tpu.memref_slice %arg6[%dma_wait3A_291, %dma_wait3A_293, %dma_wait3A_294] : memref<2x1600x32xf32, #tpu.memory_space<vmem>> -> memref<1x1600x32xf32, #tpu.memory_space<vmem>>
    %dma_wait3A_296 = tpu.memref_squeeze %dma_wait3A_295 : memref<1x1600x32xf32, #tpu.memory_space<vmem>> -> memref<1600x32xf32, #tpu.memory_space<vmem>>
    %dma_wait3A_297 = arith.constant 0 : i32
    %dma_wait3A_298 = tpu.memref_slice %arg4[%add3A_290, %dma_wait3A_297] : memref<819200x32xf32, #tpu.memory_space<hbm>> -> memref<1600x32xf32, #tpu.memory_space<hbm>>
    %dma_wait3A_299 = tpu.memref_slice %arg9[%dma_wait3A_292] : memref<2x!tpu.dma_semaphore, #tpu.memory_space<semaphore_mem>> -> memref<1x!tpu.dma_semaphore, #tpu.memory_space<semaphore_mem>>
    %dma_wait3A_300 = tpu.memref_squeeze %dma_wait3A_299 : memref<1x!tpu.dma_semaphore, #tpu.memory_space<semaphore_mem>> -> memref<!tpu.dma_semaphore, #tpu.memory_space<semaphore_mem>>
    %dma_wait3A_301 = arith.constant 0 : i32
    %dma_wait3A_302 = tpu.memref_slice %arg4[%add3A_290, %dma_wait3A_301] : memref<819200x32xf32, #tpu.memory_space<hbm>> -> memref<1600x32xf32, #tpu.memory_space<hbm>>
    %dma_wait3A_303 = arith.constant 0 : i32
    %dma_wait3A_304 = arith.constant 0 : i32
    %dma_wait3A_305 = tpu.memref_slice %arg6[%dma_wait3A_291, %dma_wait3A_303, %dma_wait3A_304] : memref<2x1600x32xf32, #tpu.memory_space<vmem>> -> memref<1x1600x32xf32, #tpu.memory_space<vmem>>
    %dma_wait3A_306 = tpu.memref_squeeze %dma_wait3A_305 : memref<1x1600x32xf32, #tpu.memory_space<vmem>> -> memref<1600x32xf32, #tpu.memory_space<vmem>>
    tpu.wait_dma2 semaphore(%dma_wait3A_300 : memref<!tpu.dma_semaphore, #tpu.memory_space<semaphore_mem>>) src(%dma_wait3A_306 : memref<1600x32xf32, #tpu.memory_space<vmem>>) dst(%dma_wait3A_302 : memref<1600x32xf32, #tpu.memory_space<hbm>>)
    %dma_start3A_307 = arith.constant 1 : i32
    %dma_start3A_308 = arith.constant 1 : i32
    %dma_start3A_309 = arith.constant 1 : i32
    %dma_start3A_310 = arith.constant 0 : i32
    %dma_start3A_311 = arith.constant 0 : i32
    %dma_start3A_312 = tpu.memref_slice %arg6[%dma_start3A_308, %dma_start3A_310, %dma_start3A_311] : memref<2x1600x32xf32, #tpu.memory_space<vmem>> -> memref<1x1600x32xf32, #tpu.memory_space<vmem>>
    %dma_start3A_313 = tpu.memref_squeeze %dma_start3A_312 : memref<1x1600x32xf32, #tpu.memory_space<vmem>> -> memref<1600x32xf32, #tpu.memory_space<vmem>>
    %dma_start3A_314 = arith.constant 0 : i32
    %dma_start3A_315 = tpu.memref_slice %arg5[%dma_start3A_307, %dma_start3A_314] : memref<2x1600xi32, #tpu.memory_space<vmem>> -> memref<1x1600xi32, #tpu.memory_space<vmem>>
    %dma_start3A_316 = tpu.memref_squeeze %dma_start3A_315 : memref<1x1600xi32, #tpu.memory_space<vmem>> -> memref<1600xi32, #tpu.memory_space<vmem>>
    %dma_start3A_317 = arith.constant 0 : i32
    %dma_start3A_318 = arith.constant 0 : i32
    %dma_start3A_319 = tpu.memref_slice %arg3[%dma_start3A_317, %dma_start3A_318] : memref<1000000x32xf32, #tpu.memory_space<hbm>> -> memref<1000000x32xf32, #tpu.memory_space<hbm>>
    %dma_start3A_320 = tpu.memref_slice %arg8[%dma_start3A_309] : memref<2x!tpu.dma_semaphore, #tpu.memory_space<semaphore_mem>> -> memref<1x!tpu.dma_semaphore, #tpu.memory_space<semaphore_mem>>
    %dma_start3A_321 = tpu.memref_squeeze %dma_start3A_320 : memref<1x!tpu.dma_semaphore, #tpu.memory_space<semaphore_mem>> -> memref<!tpu.dma_semaphore, #tpu.memory_space<semaphore_mem>>
    tpu.enqueue_indirect_dma source(%dma_start3A_319 : memref<1000000x32xf32, #tpu.memory_space<hbm>>) target(%dma_start3A_313 : memref<1600x32xf32, #tpu.memory_space<vmem>>) offsets(%dma_start3A_316 : memref<1600xi32, #tpu.memory_space<vmem>>) semaphore(%dma_start3A_321 : memref<!tpu.dma_semaphore, #tpu.memory_space<semaphore_mem>>)
    %dma_wait3A_322 = arith.constant 1 : i32
    %dma_wait3A_323 = arith.constant 1 : i32
    %dma_wait3A_324 = arith.constant 1 : i32
    %dma_wait3A_325 = arith.constant 0 : i32
    %dma_wait3A_326 = arith.constant 0 : i32
    %dma_wait3A_327 = tpu.memref_slice %arg6[%dma_wait3A_323, %dma_wait3A_325, %dma_wait3A_326] : memref<2x1600x32xf32, #tpu.memory_space<vmem>> -> memref<1x1600x32xf32, #tpu.memory_space<vmem>>
    %dma_wait3A_328 = tpu.memref_squeeze %dma_wait3A_327 : memref<1x1600x32xf32, #tpu.memory_space<vmem>> -> memref<1600x32xf32, #tpu.memory_space<vmem>>
    %dma_wait3A_329 = arith.constant 0 : i32
    %dma_wait3A_330 = tpu.memref_slice %arg5[%dma_wait3A_322, %dma_wait3A_329] : memref<2x1600xi32, #tpu.memory_space<vmem>> -> memref<1x1600xi32, #tpu.memory_space<vmem>>
    %dma_wait3A_331 = tpu.memref_squeeze %dma_wait3A_330 : memref<1x1600xi32, #tpu.memory_space<vmem>> -> memref<1600xi32, #tpu.memory_space<vmem>>
    %dma_wait3A_332 = arith.constant 0 : i32
    %dma_wait3A_333 = arith.constant 0 : i32
    %dma_wait3A_334 = tpu.memref_slice %arg3[%dma_wait3A_332, %dma_wait3A_333] : memref<1000000x32xf32, #tpu.memory_space<hbm>> -> memref<1000000x32xf32, #tpu.memory_space<hbm>>
    %dma_wait3A_335 = tpu.memref_slice %arg8[%dma_wait3A_324] : memref<2x!tpu.dma_semaphore, #tpu.memory_space<semaphore_mem>> -> memref<1x!tpu.dma_semaphore, #tpu.memory_space<semaphore_mem>>
    %dma_wait3A_336 = tpu.memref_squeeze %dma_wait3A_335 : memref<1x!tpu.dma_semaphore, #tpu.memory_space<semaphore_mem>> -> memref<!tpu.dma_semaphore, #tpu.memory_space<semaphore_mem>>
    tpu.wait_indirect_dma semaphore(%dma_wait3A_336 : memref<!tpu.dma_semaphore, #tpu.memory_space<semaphore_mem>>) src(%dma_wait3A_334 : memref<1000000x32xf32, #tpu.memory_space<hbm>>) dst(%dma_wait3A_328 : memref<1600x32xf32, #tpu.memory_space<vmem>>)
    %add3A_337 = arith.constant 4800 : i32
    %add3A_338 = arith.addi %mul3A_2, %add3A_337 : i32
    %dma_start3A_339 = arith.constant 1 : i32
    %dma_start3A_340 = arith.constant 1 : i32
    %dma_start3A_341 = arith.constant 0 : i32
    %dma_start3A_342 = arith.constant 0 : i32
    %dma_start3A_343 = tpu.memref_slice %arg6[%dma_start3A_339, %dma_start3A_341, %dma_start3A_342] : memref<2x1600x32xf32, #tpu.memory_space<vmem>> -> memref<1x1600x32xf32, #tpu.memory_space<vmem>>
    %dma_start3A_344 = tpu.memref_squeeze %dma_start3A_343 : memref<1x1600x32xf32, #tpu.memory_space<vmem>> -> memref<1600x32xf32, #tpu.memory_space<vmem>>
    %dma_start3A_345 = arith.constant 0 : i32
    %dma_start3A_346 = tpu.memref_slice %arg4[%add3A_338, %dma_start3A_345] : memref<819200x32xf32, #tpu.memory_space<hbm>> -> memref<1600x32xf32, #tpu.memory_space<hbm>>
    %dma_start3A_347 = tpu.memref_slice %arg9[%dma_start3A_340] : memref<2x!tpu.dma_semaphore, #tpu.memory_space<semaphore_mem>> -> memref<1x!tpu.dma_semaphore, #tpu.memory_space<semaphore_mem>>
    %dma_start3A_348 = tpu.memref_squeeze %dma_start3A_347 : memref<1x!tpu.dma_semaphore, #tpu.memory_space<semaphore_mem>> -> memref<!tpu.dma_semaphore, #tpu.memory_space<semaphore_mem>>
    %dma_start3A_349 = arith.constant 0 : i32
    %dma_start3A_350 = tpu.memref_slice %arg4[%add3A_338, %dma_start3A_349] : memref<819200x32xf32, #tpu.memory_space<hbm>> -> memref<1600x32xf32, #tpu.memory_space<hbm>>
    %dma_start3A_351 = arith.constant 0 : i32
    %dma_start3A_352 = arith.constant 0 : i32
    %dma_start3A_353 = tpu.memref_slice %arg6[%dma_start3A_339, %dma_start3A_351, %dma_start3A_352] : memref<2x1600x32xf32, #tpu.memory_space<vmem>> -> memref<1x1600x32xf32, #tpu.memory_space<vmem>>
    %dma_start3A_354 = tpu.memref_squeeze %dma_start3A_353 : memref<1x1600x32xf32, #tpu.memory_space<vmem>> -> memref<1600x32xf32, #tpu.memory_space<vmem>>
    tpu.enqueue_dma source(%dma_start3A_354 : memref<1600x32xf32, #tpu.memory_space<vmem>>) target(%dma_start3A_350 : memref<1600x32xf32, #tpu.memory_space<hbm>>) target_semaphore(%dma_start3A_348 : memref<!tpu.dma_semaphore, #tpu.memory_space<semaphore_mem>>)
    %add3A_355 = arith.constant 6400 : i32
    %add3A_356 = arith.addi %mul3A_2, %add3A_355 : i32
    %dma_wait3A_357 = arith.constant 0 : i32
    %dma_wait3A_358 = arith.constant 0 : i32
    %dma_wait3A_359 = arith.constant 0 : i32
    %dma_wait3A_360 = tpu.memref_slice %arg5[%dma_wait3A_357, %dma_wait3A_359] : memref<2x1600xi32, #tpu.memory_space<vmem>> -> memref<1x1600xi32, #tpu.memory_space<vmem>>
    %dma_wait3A_361 = tpu.memref_squeeze %dma_wait3A_360 : memref<1x1600xi32, #tpu.memory_space<vmem>> -> memref<1600xi32, #tpu.memory_space<vmem>>
    %dma_wait3A_362 = tpu.memref_slice %arg2[%add3A_356] : memref<819200xi32, #tpu.memory_space<hbm>> -> memref<1600xi32, #tpu.memory_space<hbm>>
    %dma_wait3A_363 = tpu.memref_slice %arg7[%dma_wait3A_358] : memref<2x!tpu.dma_semaphore, #tpu.memory_space<semaphore_mem>> -> memref<1x!tpu.dma_semaphore, #tpu.memory_space<semaphore_mem>>
    %dma_wait3A_364 = tpu.memref_squeeze %dma_wait3A_363 : memref<1x!tpu.dma_semaphore, #tpu.memory_space<semaphore_mem>> -> memref<!tpu.dma_semaphore, #tpu.memory_space<semaphore_mem>>
    %dma_wait3A_365 = arith.constant 0 : i32
    %dma_wait3A_366 = tpu.memref_slice %arg5[%dma_wait3A_357, %dma_wait3A_365] : memref<2x1600xi32, #tpu.memory_space<vmem>> -> memref<1x1600xi32, #tpu.memory_space<vmem>>
    %dma_wait3A_367 = tpu.memref_squeeze %dma_wait3A_366 : memref<1x1600xi32, #tpu.memory_space<vmem>> -> memref<1600xi32, #tpu.memory_space<vmem>>
    %dma_wait3A_368 = tpu.memref_slice %arg2[%add3A_356] : memref<819200xi32, #tpu.memory_space<hbm>> -> memref<1600xi32, #tpu.memory_space<hbm>>
    tpu.wait_dma2 semaphore(%dma_wait3A_364 : memref<!tpu.dma_semaphore, #tpu.memory_space<semaphore_mem>>) src(%dma_wait3A_368 : memref<1600xi32, #tpu.memory_space<hbm>>) dst(%dma_wait3A_367 : memref<1600xi32, #tpu.memory_space<vmem>>)
    %add3A_369 = arith.constant 8000 : i32
    %add3A_370 = arith.addi %mul3A_2, %add3A_369 : i32
    %dma_start3A_371 = arith.constant 1 : i32
    %dma_start3A_372 = arith.constant 1 : i32
    %dma_start3A_373 = arith.constant 0 : i32
    %dma_start3A_374 = tpu.memref_slice %arg5[%dma_start3A_371, %dma_start3A_373] : memref<2x1600xi32, #tpu.memory_space<vmem>> -> memref<1x1600xi32, #tpu.memory_space<vmem>>
    %dma_start3A_375 = tpu.memref_squeeze %dma_start3A_374 : memref<1x1600xi32, #tpu.memory_space<vmem>> -> memref<1600xi32, #tpu.memory_space<vmem>>
    %dma_start3A_376 = tpu.memref_slice %arg2[%add3A_370] : memref<819200xi32, #tpu.memory_space<hbm>> -> memref<1600xi32, #tpu.memory_space<hbm>>
    %dma_start3A_377 = tpu.memref_slice %arg7[%dma_start3A_372] : memref<2x!tpu.dma_semaphore, #tpu.memory_space<semaphore_mem>> -> memref<1x!tpu.dma_semaphore, #tpu.memory_space<semaphore_mem>>
    %dma_start3A_378 = tpu.memref_squeeze %dma_start3A_377 : memref<1x!tpu.dma_semaphore, #tpu.memory_space<semaphore_mem>> -> memref<!tpu.dma_semaphore, #tpu.memory_space<semaphore_mem>>
    %dma_start3A_379 = arith.constant 0 : i32
    %dma_start3A_380 = tpu.memref_slice %arg5[%dma_start3A_371, %dma_start3A_379] : memref<2x1600xi32, #tpu.memory_space<vmem>> -> memref<1x1600xi32, #tpu.memory_space<vmem>>
    %dma_start3A_381 = tpu.memref_squeeze %dma_start3A_380 : memref<1x1600xi32, #tpu.memory_space<vmem>> -> memref<1600xi32, #tpu.memory_space<vmem>>
    %dma_start3A_382 = tpu.memref_slice %arg2[%add3A_370] : memref<819200xi32, #tpu.memory_space<hbm>> -> memref<1600xi32, #tpu.memory_space<hbm>>
    tpu.enqueue_dma source(%dma_start3A_382 : memref<1600xi32, #tpu.memory_space<hbm>>) target(%dma_start3A_381 : memref<1600xi32, #tpu.memory_space<vmem>>) target_semaphore(%dma_start3A_378 : memref<!tpu.dma_semaphore, #tpu.memory_space<semaphore_mem>>)
    %add3A_383 = arith.constant 3200 : i32
    %add3A_384 = arith.addi %mul3A_2, %add3A_383 : i32
    %dma_wait3A_385 = arith.constant 0 : i32
    %dma_wait3A_386 = arith.constant 0 : i32
    %dma_wait3A_387 = arith.constant 0 : i32
    %dma_wait3A_388 = arith.constant 0 : i32
    %dma_wait3A_389 = tpu.memref_slice %arg6[%dma_wait3A_385, %dma_wait3A_387, %dma_wait3A_388] : memref<2x1600x32xf32, #tpu.memory_space<vmem>> -> memref<1x1600x32xf32, #tpu.memory_space<vmem>>
    %dma_wait3A_390 = tpu.memref_squeeze %dma_wait3A_389 : memref<1x1600x32xf32, #tpu.memory_space<vmem>> -> memref<1600x32xf32, #tpu.memory_space<vmem>>
    %dma_wait3A_391 = arith.constant 0 : i32
    %dma_wait3A_392 = tpu.memref_slice %arg4[%add3A_384, %dma_wait3A_391] : memref<819200x32xf32, #tpu.memory_space<hbm>> -> memref<1600x32xf32, #tpu.memory_space<hbm>>
    %dma_wait3A_393 = tpu.memref_slice %arg9[%dma_wait3A_386] : memref<2x!tpu.dma_semaphore, #tpu.memory_space<semaphore_mem>> -> memref<1x!tpu.dma_semaphore, #tpu.memory_space<semaphore_mem>>
    %dma_wait3A_394 = tpu.memref_squeeze %dma_wait3A_393 : memref<1x!tpu.dma_semaphore, #tpu.memory_space<semaphore_mem>> -> memref<!tpu.dma_semaphore, #tpu.memory_space<semaphore_mem>>
    %dma_wait3A_395 = arith.constant 0 : i32
    %dma_wait3A_396 = tpu.memref_slice %arg4[%add3A_384, %dma_wait3A_395] : memref<819200x32xf32, #tpu.memory_space<hbm>> -> memref<1600x32xf32, #tpu.memory_space<hbm>>
    %dma_wait3A_397 = arith.constant 0 : i32
    %dma_wait3A_398 = arith.constant 0 : i32
    %dma_wait3A_399 = tpu.memref_slice %arg6[%dma_wait3A_385, %dma_wait3A_397, %dma_wait3A_398] : memref<2x1600x32xf32, #tpu.memory_space<vmem>> -> memref<1x1600x32xf32, #tpu.memory_space<vmem>>
    %dma_wait3A_400 = tpu.memref_squeeze %dma_wait3A_399 : memref<1x1600x32xf32, #tpu.memory_space<vmem>> -> memref<1600x32xf32, #tpu.memory_space<vmem>>
    tpu.wait_dma2 semaphore(%dma_wait3A_394 : memref<!tpu.dma_semaphore, #tpu.memory_space<semaphore_mem>>) src(%dma_wait3A_400 : memref<1600x32xf32, #tpu.memory_space<vmem>>) dst(%dma_wait3A_396 : memref<1600x32xf32, #tpu.memory_space<hbm>>)
    %dma_start3A_401 = arith.constant 0 : i32
    %dma_start3A_402 = arith.constant 0 : i32
    %dma_start3A_403 = arith.constant 0 : i32
    %dma_start3A_404 = arith.constant 0 : i32
    %dma_start3A_405 = arith.constant 0 : i32
    %dma_start3A_406 = tpu.memref_slice %arg6[%dma_start3A_402, %dma_start3A_404, %dma_start3A_405] : memref<2x1600x32xf32, #tpu.memory_space<vmem>> -> memref<1x1600x32xf32, #tpu.memory_space<vmem>>
    %dma_start3A_407 = tpu.memref_squeeze %dma_start3A_406 : memref<1x1600x32xf32, #tpu.memory_space<vmem>> -> memref<1600x32xf32, #tpu.memory_space<vmem>>
    %dma_start3A_408 = arith.constant 0 : i32
    %dma_start3A_409 = tpu.memref_slice %arg5[%dma_start3A_401, %dma_start3A_408] : memref<2x1600xi32, #tpu.memory_space<vmem>> -> memref<1x1600xi32, #tpu.memory_space<vmem>>
    %dma_start3A_410 = tpu.memref_squeeze %dma_start3A_409 : memref<1x1600xi32, #tpu.memory_space<vmem>> -> memref<1600xi32, #tpu.memory_space<vmem>>
    %dma_start3A_411 = arith.constant 0 : i32
    %dma_start3A_412 = arith.constant 0 : i32
    %dma_start3A_413 = tpu.memref_slice %arg3[%dma_start3A_411, %dma_start3A_412] : memref<1000000x32xf32, #tpu.memory_space<hbm>> -> memref<1000000x32xf32, #tpu.memory_space<hbm>>
    %dma_start3A_414 = tpu.memref_slice %arg8[%dma_start3A_403] : memref<2x!tpu.dma_semaphore, #tpu.memory_space<semaphore_mem>> -> memref<1x!tpu.dma_semaphore, #tpu.memory_space<semaphore_mem>>
    %dma_start3A_415 = tpu.memref_squeeze %dma_start3A_414 : memref<1x!tpu.dma_semaphore, #tpu.memory_space<semaphore_mem>> -> memref<!tpu.dma_semaphore, #tpu.memory_space<semaphore_mem>>
    tpu.enqueue_indirect_dma source(%dma_start3A_413 : memref<1000000x32xf32, #tpu.memory_space<hbm>>) target(%dma_start3A_407 : memref<1600x32xf32, #tpu.memory_space<vmem>>) offsets(%dma_start3A_410 : memref<1600xi32, #tpu.memory_space<vmem>>) semaphore(%dma_start3A_415 : memref<!tpu.dma_semaphore, #tpu.memory_space<semaphore_mem>>)
    %dma_wait3A_416 = arith.constant 0 : i32
    %dma_wait3A_417 = arith.constant 0 : i32
    %dma_wait3A_418 = arith.constant 0 : i32
    %dma_wait3A_419 = arith.constant 0 : i32
    %dma_wait3A_420 = arith.constant 0 : i32
    %dma_wait3A_421 = tpu.memref_slice %arg6[%dma_wait3A_417, %dma_wait3A_419, %dma_wait3A_420] : memref<2x1600x32xf32, #tpu.memory_space<vmem>> -> memref<1x1600x32xf32, #tpu.memory_space<vmem>>
    %dma_wait3A_422 = tpu.memref_squeeze %dma_wait3A_421 : memref<1x1600x32xf32, #tpu.memory_space<vmem>> -> memref<1600x32xf32, #tpu.memory_space<vmem>>
    %dma_wait3A_423 = arith.constant 0 : i32
    %dma_wait3A_424 = tpu.memref_slice %arg5[%dma_wait3A_416, %dma_wait3A_423] : memref<2x1600xi32, #tpu.memory_space<vmem>> -> memref<1x1600xi32, #tpu.memory_space<vmem>>
    %dma_wait3A_425 = tpu.memref_squeeze %dma_wait3A_424 : memref<1x1600xi32, #tpu.memory_space<vmem>> -> memref<1600xi32, #tpu.memory_space<vmem>>
    %dma_wait3A_426 = arith.constant 0 : i32
    %dma_wait3A_427 = arith.constant 0 : i32
    %dma_wait3A_428 = tpu.memref_slice %arg3[%dma_wait3A_426, %dma_wait3A_427] : memref<1000000x32xf32, #tpu.memory_space<hbm>> -> memref<1000000x32xf32, #tpu.memory_space<hbm>>
    %dma_wait3A_429 = tpu.memref_slice %arg8[%dma_wait3A_418] : memref<2x!tpu.dma_semaphore, #tpu.memory_space<semaphore_mem>> -> memref<1x!tpu.dma_semaphore, #tpu.memory_space<semaphore_mem>>
    %dma_wait3A_430 = tpu.memref_squeeze %dma_wait3A_429 : memref<1x!tpu.dma_semaphore, #tpu.memory_space<semaphore_mem>> -> memref<!tpu.dma_semaphore, #tpu.memory_space<semaphore_mem>>
    tpu.wait_indirect_dma semaphore(%dma_wait3A_430 : memref<!tpu.dma_semaphore, #tpu.memory_space<semaphore_mem>>) src(%dma_wait3A_428 : memref<1000000x32xf32, #tpu.memory_space<hbm>>) dst(%dma_wait3A_422 : memref<1600x32xf32, #tpu.memory_space<vmem>>)
    %add3A_431 = arith.constant 6400 : i32
    %add3A_432 = arith.addi %mul3A_2, %add3A_431 : i32
    %dma_start3A_433 = arith.constant 0 : i32
    %dma_start3A_434 = arith.constant 0 : i32
    %dma_start3A_435 = arith.constant 0 : i32
    %dma_start3A_436 = arith.constant 0 : i32
    %dma_start3A_437 = tpu.memref_slice %arg6[%dma_start3A_433, %dma_start3A_435, %dma_start3A_436] : memref<2x1600x32xf32, #tpu.memory_space<vmem>> -> memref<1x1600x32xf32, #tpu.memory_space<vmem>>
    %dma_start3A_438 = tpu.memref_squeeze %dma_start3A_437 : memref<1x1600x32xf32, #tpu.memory_space<vmem>> -> memref<1600x32xf32, #tpu.memory_space<vmem>>
    %dma_start3A_439 = arith.constant 0 : i32
    %dma_start3A_440 = tpu.memref_slice %arg4[%add3A_432, %dma_start3A_439] : memref<819200x32xf32, #tpu.memory_space<hbm>> -> memref<1600x32xf32, #tpu.memory_space<hbm>>
    %dma_start3A_441 = tpu.memref_slice %arg9[%dma_start3A_434] : memref<2x!tpu.dma_semaphore, #tpu.memory_space<semaphore_mem>> -> memref<1x!tpu.dma_semaphore, #tpu.memory_space<semaphore_mem>>
    %dma_start3A_442 = tpu.memref_squeeze %dma_start3A_441 : memref<1x!tpu.dma_semaphore, #tpu.memory_space<semaphore_mem>> -> memref<!tpu.dma_semaphore, #tpu.memory_space<semaphore_mem>>
    %dma_start3A_443 = arith.constant 0 : i32
    %dma_start3A_444 = tpu.memref_slice %arg4[%add3A_432, %dma_start3A_443] : memref<819200x32xf32, #tpu.memory_space<hbm>> -> memref<1600x32xf32, #tpu.memory_space<hbm>>
    %dma_start3A_445 = arith.constant 0 : i32
    %dma_start3A_446 = arith.constant 0 : i32
    %dma_start3A_447 = tpu.memref_slice %arg6[%dma_start3A_433, %dma_start3A_445, %dma_start3A_446] : memref<2x1600x32xf32, #tpu.memory_space<vmem>> -> memref<1x1600x32xf32, #tpu.memory_space<vmem>>
    %dma_start3A_448 = tpu.memref_squeeze %dma_start3A_447 : memref<1x1600x32xf32, #tpu.memory_space<vmem>> -> memref<1600x32xf32, #tpu.memory_space<vmem>>
    tpu.enqueue_dma source(%dma_start3A_448 : memref<1600x32xf32, #tpu.memory_space<vmem>>) target(%dma_start3A_444 : memref<1600x32xf32, #tpu.memory_space<hbm>>) target_semaphore(%dma_start3A_442 : memref<!tpu.dma_semaphore, #tpu.memory_space<semaphore_mem>>)
    %add3A_449 = arith.constant 8000 : i32
    %add3A_450 = arith.addi %mul3A_2, %add3A_449 : i32
    %dma_wait3A_451 = arith.constant 1 : i32
    %dma_wait3A_452 = arith.constant 1 : i32
    %dma_wait3A_453 = arith.constant 0 : i32
    %dma_wait3A_454 = tpu.memref_slice %arg5[%dma_wait3A_451, %dma_wait3A_453] : memref<2x1600xi32, #tpu.memory_space<vmem>> -> memref<1x1600xi32, #tpu.memory_space<vmem>>
    %dma_wait3A_455 = tpu.memref_squeeze %dma_wait3A_454 : memref<1x1600xi32, #tpu.memory_space<vmem>> -> memref<1600xi32, #tpu.memory_space<vmem>>
    %dma_wait3A_456 = tpu.memref_slice %arg2[%add3A_450] : memref<819200xi32, #tpu.memory_space<hbm>> -> memref<1600xi32, #tpu.memory_space<hbm>>
    %dma_wait3A_457 = tpu.memref_slice %arg7[%dma_wait3A_452] : memref<2x!tpu.dma_semaphore, #tpu.memory_space<semaphore_mem>> -> memref<1x!tpu.dma_semaphore, #tpu.memory_space<semaphore_mem>>
    %dma_wait3A_458 = tpu.memref_squeeze %dma_wait3A_457 : memref<1x!tpu.dma_semaphore, #tpu.memory_space<semaphore_mem>> -> memref<!tpu.dma_semaphore, #tpu.memory_space<semaphore_mem>>
    %dma_wait3A_459 = arith.constant 0 : i32
    %dma_wait3A_460 = tpu.memref_slice %arg5[%dma_wait3A_451, %dma_wait3A_459] : memref<2x1600xi32, #tpu.memory_space<vmem>> -> memref<1x1600xi32, #tpu.memory_space<vmem>>
    %dma_wait3A_461 = tpu.memref_squeeze %dma_wait3A_460 : memref<1x1600xi32, #tpu.memory_space<vmem>> -> memref<1600xi32, #tpu.memory_space<vmem>>
    %dma_wait3A_462 = tpu.memref_slice %arg2[%add3A_450] : memref<819200xi32, #tpu.memory_space<hbm>> -> memref<1600xi32, #tpu.memory_space<hbm>>
    tpu.wait_dma2 semaphore(%dma_wait3A_458 : memref<!tpu.dma_semaphore, #tpu.memory_space<semaphore_mem>>) src(%dma_wait3A_462 : memref<1600xi32, #tpu.memory_space<hbm>>) dst(%dma_wait3A_461 : memref<1600xi32, #tpu.memory_space<vmem>>)
    %add3A_463 = arith.constant 9600 : i32
    %add3A_464 = arith.addi %mul3A_2, %add3A_463 : i32
    %dma_start3A_465 = arith.constant 0 : i32
    %dma_start3A_466 = arith.constant 0 : i32
    %dma_start3A_467 = arith.constant 0 : i32
    %dma_start3A_468 = tpu.memref_slice %arg5[%dma_start3A_465, %dma_start3A_467] : memref<2x1600xi32, #tpu.memory_space<vmem>> -> memref<1x1600xi32, #tpu.memory_space<vmem>>
    %dma_start3A_469 = tpu.memref_squeeze %dma_start3A_468 : memref<1x1600xi32, #tpu.memory_space<vmem>> -> memref<1600xi32, #tpu.memory_space<vmem>>
    %dma_start3A_470 = tpu.memref_slice %arg2[%add3A_464] : memref<819200xi32, #tpu.memory_space<hbm>> -> memref<1600xi32, #tpu.memory_space<hbm>>
    %dma_start3A_471 = tpu.memref_slice %arg7[%dma_start3A_466] : memref<2x!tpu.dma_semaphore, #tpu.memory_space<semaphore_mem>> -> memref<1x!tpu.dma_semaphore, #tpu.memory_space<semaphore_mem>>
    %dma_start3A_472 = tpu.memref_squeeze %dma_start3A_471 : memref<1x!tpu.dma_semaphore, #tpu.memory_space<semaphore_mem>> -> memref<!tpu.dma_semaphore, #tpu.memory_space<semaphore_mem>>
    %dma_start3A_473 = arith.constant 0 : i32
    %dma_start3A_474 = tpu.memref_slice %arg5[%dma_start3A_465, %dma_start3A_473] : memref<2x1600xi32, #tpu.memory_space<vmem>> -> memref<1x1600xi32, #tpu.memory_space<vmem>>
    %dma_start3A_475 = tpu.memref_squeeze %dma_start3A_474 : memref<1x1600xi32, #tpu.memory_space<vmem>> -> memref<1600xi32, #tpu.memory_space<vmem>>
    %dma_start3A_476 = tpu.memref_slice %arg2[%add3A_464] : memref<819200xi32, #tpu.memory_space<hbm>> -> memref<1600xi32, #tpu.memory_space<hbm>>
    tpu.enqueue_dma source(%dma_start3A_476 : memref<1600xi32, #tpu.memory_space<hbm>>) target(%dma_start3A_475 : memref<1600xi32, #tpu.memory_space<vmem>>) target_semaphore(%dma_start3A_472 : memref<!tpu.dma_semaphore, #tpu.memory_space<semaphore_mem>>)
    %add3A_477 = arith.constant 4800 : i32
    %add3A_478 = arith.addi %mul3A_2, %add3A_477 : i32
    %dma_wait3A_479 = arith.constant 1 : i32
    %dma_wait3A_480 = arith.constant 1 : i32
    %dma_wait3A_481 = arith.constant 0 : i32
    %dma_wait3A_482 = arith.constant 0 : i32
    %dma_wait3A_483 = tpu.memref_slice %arg6[%dma_wait3A_479, %dma_wait3A_481, %dma_wait3A_482] : memref<2x1600x32xf32, #tpu.memory_space<vmem>> -> memref<1x1600x32xf32, #tpu.memory_space<vmem>>
    %dma_wait3A_484 = tpu.memref_squeeze %dma_wait3A_483 : memref<1x1600x32xf32, #tpu.memory_space<vmem>> -> memref<1600x32xf32, #tpu.memory_space<vmem>>
    %dma_wait3A_485 = arith.constant 0 : i32
    %dma_wait3A_486 = tpu.memref_slice %arg4[%add3A_478, %dma_wait3A_485] : memref<819200x32xf32, #tpu.memory_space<hbm>> -> memref<1600x32xf32, #tpu.memory_space<hbm>>
    %dma_wait3A_487 = tpu.memref_slice %arg9[%dma_wait3A_480] : memref<2x!tpu.dma_semaphore, #tpu.memory_space<semaphore_mem>> -> memref<1x!tpu.dma_semaphore, #tpu.memory_space<semaphore_mem>>
    %dma_wait3A_488 = tpu.memref_squeeze %dma_wait3A_487 : memref<1x!tpu.dma_semaphore, #tpu.memory_space<semaphore_mem>> -> memref<!tpu.dma_semaphore, #tpu.memory_space<semaphore_mem>>
    %dma_wait3A_489 = arith.constant 0 : i32
    %dma_wait3A_490 = tpu.memref_slice %arg4[%add3A_478, %dma_wait3A_489] : memref<819200x32xf32, #tpu.memory_space<hbm>> -> memref<1600x32xf32, #tpu.memory_space<hbm>>
    %dma_wait3A_491 = arith.constant 0 : i32
    %dma_wait3A_492 = arith.constant 0 : i32
    %dma_wait3A_493 = tpu.memref_slice %arg6[%dma_wait3A_479, %dma_wait3A_491, %dma_wait3A_492] : memref<2x1600x32xf32, #tpu.memory_space<vmem>> -> memref<1x1600x32xf32, #tpu.memory_space<vmem>>
    %dma_wait3A_494 = tpu.memref_squeeze %dma_wait3A_493 : memref<1x1600x32xf32, #tpu.memory_space<vmem>> -> memref<1600x32xf32, #tpu.memory_space<vmem>>
    tpu.wait_dma2 semaphore(%dma_wait3A_488 : memref<!tpu.dma_semaphore, #tpu.memory_space<semaphore_mem>>) src(%dma_wait3A_494 : memref<1600x32xf32, #tpu.memory_space<vmem>>) dst(%dma_wait3A_490 : memref<1600x32xf32, #tpu.memory_space<hbm>>)
    %dma_start3A_495 = arith.constant 1 : i32
    %dma_start3A_496 = arith.constant 1 : i32
    %dma_start3A_497 = arith.constant 1 : i32
    %dma_start3A_498 = arith.constant 0 : i32
    %dma_start3A_499 = arith.constant 0 : i32
    %dma_start3A_500 = tpu.memref_slice %arg6[%dma_start3A_496, %dma_start3A_498, %dma_start3A_499] : memref<2x1600x32xf32, #tpu.memory_space<vmem>> -> memref<1x1600x32xf32, #tpu.memory_space<vmem>>
    %dma_start3A_501 = tpu.memref_squeeze %dma_start3A_500 : memref<1x1600x32xf32, #tpu.memory_space<vmem>> -> memref<1600x32xf32, #tpu.memory_space<vmem>>
    %dma_start3A_502 = arith.constant 0 : i32
    %dma_start3A_503 = tpu.memref_slice %arg5[%dma_start3A_495, %dma_start3A_502] : memref<2x1600xi32, #tpu.memory_space<vmem>> -> memref<1x1600xi32, #tpu.memory_space<vmem>>
    %dma_start3A_504 = tpu.memref_squeeze %dma_start3A_503 : memref<1x1600xi32, #tpu.memory_space<vmem>> -> memref<1600xi32, #tpu.memory_space<vmem>>
    %dma_start3A_505 = arith.constant 0 : i32
    %dma_start3A_506 = arith.constant 0 : i32
    %dma_start3A_507 = tpu.memref_slice %arg3[%dma_start3A_505, %dma_start3A_506] : memref<1000000x32xf32, #tpu.memory_space<hbm>> -> memref<1000000x32xf32, #tpu.memory_space<hbm>>
    %dma_start3A_508 = tpu.memref_slice %arg8[%dma_start3A_497] : memref<2x!tpu.dma_semaphore, #tpu.memory_space<semaphore_mem>> -> memref<1x!tpu.dma_semaphore, #tpu.memory_space<semaphore_mem>>
    %dma_start3A_509 = tpu.memref_squeeze %dma_start3A_508 : memref<1x!tpu.dma_semaphore, #tpu.memory_space<semaphore_mem>> -> memref<!tpu.dma_semaphore, #tpu.memory_space<semaphore_mem>>
    tpu.enqueue_indirect_dma source(%dma_start3A_507 : memref<1000000x32xf32, #tpu.memory_space<hbm>>) target(%dma_start3A_501 : memref<1600x32xf32, #tpu.memory_space<vmem>>) offsets(%dma_start3A_504 : memref<1600xi32, #tpu.memory_space<vmem>>) semaphore(%dma_start3A_509 : memref<!tpu.dma_semaphore, #tpu.memory_space<semaphore_mem>>)
    %dma_wait3A_510 = arith.constant 1 : i32
    %dma_wait3A_511 = arith.constant 1 : i32
    %dma_wait3A_512 = arith.constant 1 : i32
    %dma_wait3A_513 = arith.constant 0 : i32
    %dma_wait3A_514 = arith.constant 0 : i32
    %dma_wait3A_515 = tpu.memref_slice %arg6[%dma_wait3A_511, %dma_wait3A_513, %dma_wait3A_514] : memref<2x1600x32xf32, #tpu.memory_space<vmem>> -> memref<1x1600x32xf32, #tpu.memory_space<vmem>>
    %dma_wait3A_516 = tpu.memref_squeeze %dma_wait3A_515 : memref<1x1600x32xf32, #tpu.memory_space<vmem>> -> memref<1600x32xf32, #tpu.memory_space<vmem>>
    %dma_wait3A_517 = arith.constant 0 : i32
    %dma_wait3A_518 = tpu.memref_slice %arg5[%dma_wait3A_510, %dma_wait3A_517] : memref<2x1600xi32, #tpu.memory_space<vmem>> -> memref<1x1600xi32, #tpu.memory_space<vmem>>
    %dma_wait3A_519 = tpu.memref_squeeze %dma_wait3A_518 : memref<1x1600xi32, #tpu.memory_space<vmem>> -> memref<1600xi32, #tpu.memory_space<vmem>>
    %dma_wait3A_520 = arith.constant 0 : i32
    %dma_wait3A_521 = arith.constant 0 : i32
    %dma_wait3A_522 = tpu.memref_slice %arg3[%dma_wait3A_520, %dma_wait3A_521] : memref<1000000x32xf32, #tpu.memory_space<hbm>> -> memref<1000000x32xf32, #tpu.memory_space<hbm>>
    %dma_wait3A_523 = tpu.memref_slice %arg8[%dma_wait3A_512] : memref<2x!tpu.dma_semaphore, #tpu.memory_space<semaphore_mem>> -> memref<1x!tpu.dma_semaphore, #tpu.memory_space<semaphore_mem>>
    %dma_wait3A_524 = tpu.memref_squeeze %dma_wait3A_523 : memref<1x!tpu.dma_semaphore, #tpu.memory_space<semaphore_mem>> -> memref<!tpu.dma_semaphore, #tpu.memory_space<semaphore_mem>>
    tpu.wait_indirect_dma semaphore(%dma_wait3A_524 : memref<!tpu.dma_semaphore, #tpu.memory_space<semaphore_mem>>) src(%dma_wait3A_522 : memref<1000000x32xf32, #tpu.memory_space<hbm>>) dst(%dma_wait3A_516 : memref<1600x32xf32, #tpu.memory_space<vmem>>)
    %add3A_525 = arith.constant 8000 : i32
    %add3A_526 = arith.addi %mul3A_2, %add3A_525 : i32
    %dma_start3A_527 = arith.constant 1 : i32
    %dma_start3A_528 = arith.constant 1 : i32
    %dma_start3A_529 = arith.constant 0 : i32
    %dma_start3A_530 = arith.constant 0 : i32
    %dma_start3A_531 = tpu.memref_slice %arg6[%dma_start3A_527, %dma_start3A_529, %dma_start3A_530] : memref<2x1600x32xf32, #tpu.memory_space<vmem>> -> memref<1x1600x32xf32, #tpu.memory_space<vmem>>
    %dma_start3A_532 = tpu.memref_squeeze %dma_start3A_531 : memref<1x1600x32xf32, #tpu.memory_space<vmem>> -> memref<1600x32xf32, #tpu.memory_space<vmem>>
    %dma_start3A_533 = arith.constant 0 : i32
    %dma_start3A_534 = tpu.memref_slice %arg4[%add3A_526, %dma_start3A_533] : memref<819200x32xf32, #tpu.memory_space<hbm>> -> memref<1600x32xf32, #tpu.memory_space<hbm>>
    %dma_start3A_535 = tpu.memref_slice %arg9[%dma_start3A_528] : memref<2x!tpu.dma_semaphore, #tpu.memory_space<semaphore_mem>> -> memref<1x!tpu.dma_semaphore, #tpu.memory_space<semaphore_mem>>
    %dma_start3A_536 = tpu.memref_squeeze %dma_start3A_535 : memref<1x!tpu.dma_semaphore, #tpu.memory_space<semaphore_mem>> -> memref<!tpu.dma_semaphore, #tpu.memory_space<semaphore_mem>>
    %dma_start3A_537 = arith.constant 0 : i32
    %dma_start3A_538 = tpu.memref_slice %arg4[%add3A_526, %dma_start3A_537] : memref<819200x32xf32, #tpu.memory_space<hbm>> -> memref<1600x32xf32, #tpu.memory_space<hbm>>
    %dma_start3A_539 = arith.constant 0 : i32
    %dma_start3A_540 = arith.constant 0 : i32
    %dma_start3A_541 = tpu.memref_slice %arg6[%dma_start3A_527, %dma_start3A_539, %dma_start3A_540] : memref<2x1600x32xf32, #tpu.memory_space<vmem>> -> memref<1x1600x32xf32, #tpu.memory_space<vmem>>
    %dma_start3A_542 = tpu.memref_squeeze %dma_start3A_541 : memref<1x1600x32xf32, #tpu.memory_space<vmem>> -> memref<1600x32xf32, #tpu.memory_space<vmem>>
    tpu.enqueue_dma source(%dma_start3A_542 : memref<1600x32xf32, #tpu.memory_space<vmem>>) target(%dma_start3A_538 : memref<1600x32xf32, #tpu.memory_space<hbm>>) target_semaphore(%dma_start3A_536 : memref<!tpu.dma_semaphore, #tpu.memory_space<semaphore_mem>>)
    %add3A_543 = arith.constant 9600 : i32
    %add3A_544 = arith.addi %mul3A_2, %add3A_543 : i32
    %dma_wait3A_545 = arith.constant 0 : i32
    %dma_wait3A_546 = arith.constant 0 : i32
    %dma_wait3A_547 = arith.constant 0 : i32
    %dma_wait3A_548 = tpu.memref_slice %arg5[%dma_wait3A_545, %dma_wait3A_547] : memref<2x1600xi32, #tpu.memory_space<vmem>> -> memref<1x1600xi32, #tpu.memory_space<vmem>>
    %dma_wait3A_549 = tpu.memref_squeeze %dma_wait3A_548 : memref<1x1600xi32, #tpu.memory_space<vmem>> -> memref<1600xi32, #tpu.memory_space<vmem>>
    %dma_wait3A_550 = tpu.memref_slice %arg2[%add3A_544] : memref<819200xi32, #tpu.memory_space<hbm>> -> memref<1600xi32, #tpu.memory_space<hbm>>
    %dma_wait3A_551 = tpu.memref_slice %arg7[%dma_wait3A_546] : memref<2x!tpu.dma_semaphore, #tpu.memory_space<semaphore_mem>> -> memref<1x!tpu.dma_semaphore, #tpu.memory_space<semaphore_mem>>
    %dma_wait3A_552 = tpu.memref_squeeze %dma_wait3A_551 : memref<1x!tpu.dma_semaphore, #tpu.memory_space<semaphore_mem>> -> memref<!tpu.dma_semaphore, #tpu.memory_space<semaphore_mem>>
    %dma_wait3A_553 = arith.constant 0 : i32
    %dma_wait3A_554 = tpu.memref_slice %arg5[%dma_wait3A_545, %dma_wait3A_553] : memref<2x1600xi32, #tpu.memory_space<vmem>> -> memref<1x1600xi32, #tpu.memory_space<vmem>>
    %dma_wait3A_555 = tpu.memref_squeeze %dma_wait3A_554 : memref<1x1600xi32, #tpu.memory_space<vmem>> -> memref<1600xi32, #tpu.memory_space<vmem>>
    %dma_wait3A_556 = tpu.memref_slice %arg2[%add3A_544] : memref<819200xi32, #tpu.memory_space<hbm>> -> memref<1600xi32, #tpu.memory_space<hbm>>
    tpu.wait_dma2 semaphore(%dma_wait3A_552 : memref<!tpu.dma_semaphore, #tpu.memory_space<semaphore_mem>>) src(%dma_wait3A_556 : memref<1600xi32, #tpu.memory_space<hbm>>) dst(%dma_wait3A_555 : memref<1600xi32, #tpu.memory_space<vmem>>)
    %add3A_557 = arith.constant 11200 : i32
    %add3A_558 = arith.addi %mul3A_2, %add3A_557 : i32
    %dma_start3A_559 = arith.constant 1 : i32
    %dma_start3A_560 = arith.constant 1 : i32
    %dma_start3A_561 = arith.constant 0 : i32
    %dma_start3A_562 = tpu.memref_slice %arg5[%dma_start3A_559, %dma_start3A_561] : memref<2x1600xi32, #tpu.memory_space<vmem>> -> memref<1x1600xi32, #tpu.memory_space<vmem>>
    %dma_start3A_563 = tpu.memref_squeeze %dma_start3A_562 : memref<1x1600xi32, #tpu.memory_space<vmem>> -> memref<1600xi32, #tpu.memory_space<vmem>>
    %dma_start3A_564 = tpu.memref_slice %arg2[%add3A_558] : memref<819200xi32, #tpu.memory_space<hbm>> -> memref<1600xi32, #tpu.memory_space<hbm>>
    %dma_start3A_565 = tpu.memref_slice %arg7[%dma_start3A_560] : memref<2x!tpu.dma_semaphore, #tpu.memory_space<semaphore_mem>> -> memref<1x!tpu.dma_semaphore, #tpu.memory_space<semaphore_mem>>
    %dma_start3A_566 = tpu.memref_squeeze %dma_start3A_565 : memref<1x!tpu.dma_semaphore, #tpu.memory_space<semaphore_mem>> -> memref<!tpu.dma_semaphore, #tpu.memory_space<semaphore_mem>>
    %dma_start3A_567 = arith.constant 0 : i32
    %dma_start3A_568 = tpu.memref_slice %arg5[%dma_start3A_559, %dma_start3A_567] : memref<2x1600xi32, #tpu.memory_space<vmem>> -> memref<1x1600xi32, #tpu.memory_space<vmem>>
    %dma_start3A_569 = tpu.memref_squeeze %dma_start3A_568 : memref<1x1600xi32, #tpu.memory_space<vmem>> -> memref<1600xi32, #tpu.memory_space<vmem>>
    %dma_start3A_570 = tpu.memref_slice %arg2[%add3A_558] : memref<819200xi32, #tpu.memory_space<hbm>> -> memref<1600xi32, #tpu.memory_space<hbm>>
    tpu.enqueue_dma source(%dma_start3A_570 : memref<1600xi32, #tpu.memory_space<hbm>>) target(%dma_start3A_569 : memref<1600xi32, #tpu.memory_space<vmem>>) target_semaphore(%dma_start3A_566 : memref<!tpu.dma_semaphore, #tpu.memory_space<semaphore_mem>>)
    %add3A_571 = arith.constant 6400 : i32
    %add3A_572 = arith.addi %mul3A_2, %add3A_571 : i32
    %dma_wait3A_573 = arith.constant 0 : i32
    %dma_wait3A_574 = arith.constant 0 : i32
    %dma_wait3A_575 = arith.constant 0 : i32
    %dma_wait3A_576 = arith.constant 0 : i32
    %dma_wait3A_577 = tpu.memref_slice %arg6[%dma_wait3A_573, %dma_wait3A_575, %dma_wait3A_576] : memref<2x1600x32xf32, #tpu.memory_space<vmem>> -> memref<1x1600x32xf32, #tpu.memory_space<vmem>>
    %dma_wait3A_578 = tpu.memref_squeeze %dma_wait3A_577 : memref<1x1600x32xf32, #tpu.memory_space<vmem>> -> memref<1600x32xf32, #tpu.memory_space<vmem>>
    %dma_wait3A_579 = arith.constant 0 : i32
    %dma_wait3A_580 = tpu.memref_slice %arg4[%add3A_572, %dma_wait3A_579] : memref<819200x32xf32, #tpu.memory_space<hbm>> -> memref<1600x32xf32, #tpu.memory_space<hbm>>
    %dma_wait3A_581 = tpu.memref_slice %arg9[%dma_wait3A_574] : memref<2x!tpu.dma_semaphore, #tpu.memory_space<semaphore_mem>> -> memref<1x!tpu.dma_semaphore, #tpu.memory_space<semaphore_mem>>
    %dma_wait3A_582 = tpu.memref_squeeze %dma_wait3A_581 : memref<1x!tpu.dma_semaphore, #tpu.memory_space<semaphore_mem>> -> memref<!tpu.dma_semaphore, #tpu.memory_space<semaphore_mem>>
    %dma_wait3A_583 = arith.constant 0 : i32
    %dma_wait3A_584 = tpu.memref_slice %arg4[%add3A_572, %dma_wait3A_583] : memref<819200x32xf32, #tpu.memory_space<hbm>> -> memref<1600x32xf32, #tpu.memory_space<hbm>>
    %dma_wait3A_585 = arith.constant 0 : i32
    %dma_wait3A_586 = arith.constant 0 : i32
    %dma_wait3A_587 = tpu.memref_slice %arg6[%dma_wait3A_573, %dma_wait3A_585, %dma_wait3A_586] : memref<2x1600x32xf32, #tpu.memory_space<vmem>> -> memref<1x1600x32xf32, #tpu.memory_space<vmem>>
    %dma_wait3A_588 = tpu.memref_squeeze %dma_wait3A_587 : memref<1x1600x32xf32, #tpu.memory_space<vmem>> -> memref<1600x32xf32, #tpu.memory_space<vmem>>
    tpu.wait_dma2 semaphore(%dma_wait3A_582 : memref<!tpu.dma_semaphore, #tpu.memory_space<semaphore_mem>>) src(%dma_wait3A_588 : memref<1600x32xf32, #tpu.memory_space<vmem>>) dst(%dma_wait3A_584 : memref<1600x32xf32, #tpu.memory_space<hbm>>)
    %dma_start3A_589 = arith.constant 0 : i32
    %dma_start3A_590 = arith.constant 0 : i32
    %dma_start3A_591 = arith.constant 0 : i32
    %dma_start3A_592 = arith.constant 0 : i32
    %dma_start3A_593 = arith.constant 0 : i32
    %dma_start3A_594 = tpu.memref_slice %arg6[%dma_start3A_590, %dma_start3A_592, %dma_start3A_593] : memref<2x1600x32xf32, #tpu.memory_space<vmem>> -> memref<1x1600x32xf32, #tpu.memory_space<vmem>>
    %dma_start3A_595 = tpu.memref_squeeze %dma_start3A_594 : memref<1x1600x32xf32, #tpu.memory_space<vmem>> -> memref<1600x32xf32, #tpu.memory_space<vmem>>
    %dma_start3A_596 = arith.constant 0 : i32
    %dma_start3A_597 = tpu.memref_slice %arg5[%dma_start3A_589, %dma_start3A_596] : memref<2x1600xi32, #tpu.memory_space<vmem>> -> memref<1x1600xi32, #tpu.memory_space<vmem>>
    %dma_start3A_598 = tpu.memref_squeeze %dma_start3A_597 : memref<1x1600xi32, #tpu.memory_space<vmem>> -> memref<1600xi32, #tpu.memory_space<vmem>>
    %dma_start3A_599 = arith.constant 0 : i32
    %dma_start3A_600 = arith.constant 0 : i32
    %dma_start3A_601 = tpu.memref_slice %arg3[%dma_start3A_599, %dma_start3A_600] : memref<1000000x32xf32, #tpu.memory_space<hbm>> -> memref<1000000x32xf32, #tpu.memory_space<hbm>>
    %dma_start3A_602 = tpu.memref_slice %arg8[%dma_start3A_591] : memref<2x!tpu.dma_semaphore, #tpu.memory_space<semaphore_mem>> -> memref<1x!tpu.dma_semaphore, #tpu.memory_space<semaphore_mem>>
    %dma_start3A_603 = tpu.memref_squeeze %dma_start3A_602 : memref<1x!tpu.dma_semaphore, #tpu.memory_space<semaphore_mem>> -> memref<!tpu.dma_semaphore, #tpu.memory_space<semaphore_mem>>
    tpu.enqueue_indirect_dma source(%dma_start3A_601 : memref<1000000x32xf32, #tpu.memory_space<hbm>>) target(%dma_start3A_595 : memref<1600x32xf32, #tpu.memory_space<vmem>>) offsets(%dma_start3A_598 : memref<1600xi32, #tpu.memory_space<vmem>>) semaphore(%dma_start3A_603 : memref<!tpu.dma_semaphore, #tpu.memory_space<semaphore_mem>>)
    %dma_wait3A_604 = arith.constant 0 : i32
    %dma_wait3A_605 = arith.constant 0 : i32
    %dma_wait3A_606 = arith.constant 0 : i32
    %dma_wait3A_607 = arith.constant 0 : i32
    %dma_wait3A_608 = arith.constant 0 : i32
    %dma_wait3A_609 = tpu.memref_slice %arg6[%dma_wait3A_605, %dma_wait3A_607, %dma_wait3A_608] : memref<2x1600x32xf32, #tpu.memory_space<vmem>> -> memref<1x1600x32xf32, #tpu.memory_space<vmem>>
    %dma_wait3A_610 = tpu.memref_squeeze %dma_wait3A_609 : memref<1x1600x32xf32, #tpu.memory_space<vmem>> -> memref<1600x32xf32, #tpu.memory_space<vmem>>
    %dma_wait3A_611 = arith.constant 0 : i32
    %dma_wait3A_612 = tpu.memref_slice %arg5[%dma_wait3A_604, %dma_wait3A_611] : memref<2x1600xi32, #tpu.memory_space<vmem>> -> memref<1x1600xi32, #tpu.memory_space<vmem>>
    %dma_wait3A_613 = tpu.memref_squeeze %dma_wait3A_612 : memref<1x1600xi32, #tpu.memory_space<vmem>> -> memref<1600xi32, #tpu.memory_space<vmem>>
    %dma_wait3A_614 = arith.constant 0 : i32
    %dma_wait3A_615 = arith.constant 0 : i32
    %dma_wait3A_616 = tpu.memref_slice %arg3[%dma_wait3A_614, %dma_wait3A_615] : memref<1000000x32xf32, #tpu.memory_space<hbm>> -> memref<1000000x32xf32, #tpu.memory_space<hbm>>
    %dma_wait3A_617 = tpu.memref_slice %arg8[%dma_wait3A_606] : memref<2x!tpu.dma_semaphore, #tpu.memory_space<semaphore_mem>> -> memref<1x!tpu.dma_semaphore, #tpu.memory_space<semaphore_mem>>
    %dma_wait3A_618 = tpu.memref_squeeze %dma_wait3A_617 : memref<1x!tpu.dma_semaphore, #tpu.memory_space<semaphore_mem>> -> memref<!tpu.dma_semaphore, #tpu.memory_space<semaphore_mem>>
    tpu.wait_indirect_dma semaphore(%dma_wait3A_618 : memref<!tpu.dma_semaphore, #tpu.memory_space<semaphore_mem>>) src(%dma_wait3A_616 : memref<1000000x32xf32, #tpu.memory_space<hbm>>) dst(%dma_wait3A_610 : memref<1600x32xf32, #tpu.memory_space<vmem>>)
    %add3A_619 = arith.constant 9600 : i32
    %add3A_620 = arith.addi %mul3A_2, %add3A_619 : i32
    %dma_start3A_621 = arith.constant 0 : i32
    %dma_start3A_622 = arith.constant 0 : i32
    %dma_start3A_623 = arith.constant 0 : i32
    %dma_start3A_624 = arith.constant 0 : i32
    %dma_start3A_625 = tpu.memref_slice %arg6[%dma_start3A_621, %dma_start3A_623, %dma_start3A_624] : memref<2x1600x32xf32, #tpu.memory_space<vmem>> -> memref<1x1600x32xf32, #tpu.memory_space<vmem>>
    %dma_start3A_626 = tpu.memref_squeeze %dma_start3A_625 : memref<1x1600x32xf32, #tpu.memory_space<vmem>> -> memref<1600x32xf32, #tpu.memory_space<vmem>>
    %dma_start3A_627 = arith.constant 0 : i32
    %dma_start3A_628 = tpu.memref_slice %arg4[%add3A_620, %dma_start3A_627] : memref<819200x32xf32, #tpu.memory_space<hbm>> -> memref<1600x32xf32, #tpu.memory_space<hbm>>
    %dma_start3A_629 = tpu.memref_slice %arg9[%dma_start3A_622] : memref<2x!tpu.dma_semaphore, #tpu.memory_space<semaphore_mem>> -> memref<1x!tpu.dma_semaphore, #tpu.memory_space<semaphore_mem>>
    %dma_start3A_630 = tpu.memref_squeeze %dma_start3A_629 : memref<1x!tpu.dma_semaphore, #tpu.memory_space<semaphore_mem>> -> memref<!tpu.dma_semaphore, #tpu.memory_space<semaphore_mem>>
    %dma_start3A_631 = arith.constant 0 : i32
    %dma_start3A_632 = tpu.memref_slice %arg4[%add3A_620, %dma_start3A_631] : memref<819200x32xf32, #tpu.memory_space<hbm>> -> memref<1600x32xf32, #tpu.memory_space<hbm>>
    %dma_start3A_633 = arith.constant 0 : i32
    %dma_start3A_634 = arith.constant 0 : i32
    %dma_start3A_635 = tpu.memref_slice %arg6[%dma_start3A_621, %dma_start3A_633, %dma_start3A_634] : memref<2x1600x32xf32, #tpu.memory_space<vmem>> -> memref<1x1600x32xf32, #tpu.memory_space<vmem>>
    %dma_start3A_636 = tpu.memref_squeeze %dma_start3A_635 : memref<1x1600x32xf32, #tpu.memory_space<vmem>> -> memref<1600x32xf32, #tpu.memory_space<vmem>>
    tpu.enqueue_dma source(%dma_start3A_636 : memref<1600x32xf32, #tpu.memory_space<vmem>>) target(%dma_start3A_632 : memref<1600x32xf32, #tpu.memory_space<hbm>>) target_semaphore(%dma_start3A_630 : memref<!tpu.dma_semaphore, #tpu.memory_space<semaphore_mem>>)
    %add3A_637 = arith.constant 11200 : i32
    %add3A_638 = arith.addi %mul3A_2, %add3A_637 : i32
    %dma_wait3A_639 = arith.constant 1 : i32
    %dma_wait3A_640 = arith.constant 1 : i32
    %dma_wait3A_641 = arith.constant 0 : i32
    %dma_wait3A_642 = tpu.memref_slice %arg5[%dma_wait3A_639, %dma_wait3A_641] : memref<2x1600xi32, #tpu.memory_space<vmem>> -> memref<1x1600xi32, #tpu.memory_space<vmem>>
    %dma_wait3A_643 = tpu.memref_squeeze %dma_wait3A_642 : memref<1x1600xi32, #tpu.memory_space<vmem>> -> memref<1600xi32, #tpu.memory_space<vmem>>
    %dma_wait3A_644 = tpu.memref_slice %arg2[%add3A_638] : memref<819200xi32, #tpu.memory_space<hbm>> -> memref<1600xi32, #tpu.memory_space<hbm>>
    %dma_wait3A_645 = tpu.memref_slice %arg7[%dma_wait3A_640] : memref<2x!tpu.dma_semaphore, #tpu.memory_space<semaphore_mem>> -> memref<1x!tpu.dma_semaphore, #tpu.memory_space<semaphore_mem>>
    %dma_wait3A_646 = tpu.memref_squeeze %dma_wait3A_645 : memref<1x!tpu.dma_semaphore, #tpu.memory_space<semaphore_mem>> -> memref<!tpu.dma_semaphore, #tpu.memory_space<semaphore_mem>>
    %dma_wait3A_647 = arith.constant 0 : i32
    %dma_wait3A_648 = tpu.memref_slice %arg5[%dma_wait3A_639, %dma_wait3A_647] : memref<2x1600xi32, #tpu.memory_space<vmem>> -> memref<1x1600xi32, #tpu.memory_space<vmem>>
    %dma_wait3A_649 = tpu.memref_squeeze %dma_wait3A_648 : memref<1x1600xi32, #tpu.memory_space<vmem>> -> memref<1600xi32, #tpu.memory_space<vmem>>
    %dma_wait3A_650 = tpu.memref_slice %arg2[%add3A_638] : memref<819200xi32, #tpu.memory_space<hbm>> -> memref<1600xi32, #tpu.memory_space<hbm>>
    tpu.wait_dma2 semaphore(%dma_wait3A_646 : memref<!tpu.dma_semaphore, #tpu.memory_space<semaphore_mem>>) src(%dma_wait3A_650 : memref<1600xi32, #tpu.memory_space<hbm>>) dst(%dma_wait3A_649 : memref<1600xi32, #tpu.memory_space<vmem>>)
    %add3A_651 = arith.constant 12800 : i32
    %add3A_652 = arith.addi %mul3A_2, %add3A_651 : i32
    %dma_start3A_653 = arith.constant 0 : i32
    %dma_start3A_654 = arith.constant 0 : i32
    %dma_start3A_655 = arith.constant 0 : i32
    %dma_start3A_656 = tpu.memref_slice %arg5[%dma_start3A_653, %dma_start3A_655] : memref<2x1600xi32, #tpu.memory_space<vmem>> -> memref<1x1600xi32, #tpu.memory_space<vmem>>
    %dma_start3A_657 = tpu.memref_squeeze %dma_start3A_656 : memref<1x1600xi32, #tpu.memory_space<vmem>> -> memref<1600xi32, #tpu.memory_space<vmem>>
    %dma_start3A_658 = tpu.memref_slice %arg2[%add3A_652] : memref<819200xi32, #tpu.memory_space<hbm>> -> memref<1600xi32, #tpu.memory_space<hbm>>
    %dma_start3A_659 = tpu.memref_slice %arg7[%dma_start3A_654] : memref<2x!tpu.dma_semaphore, #tpu.memory_space<semaphore_mem>> -> memref<1x!tpu.dma_semaphore, #tpu.memory_space<semaphore_mem>>
    %dma_start3A_660 = tpu.memref_squeeze %dma_start3A_659 : memref<1x!tpu.dma_semaphore, #tpu.memory_space<semaphore_mem>> -> memref<!tpu.dma_semaphore, #tpu.memory_space<semaphore_mem>>
    %dma_start3A_661 = arith.constant 0 : i32
    %dma_start3A_662 = tpu.memref_slice %arg5[%dma_start3A_653, %dma_start3A_661] : memref<2x1600xi32, #tpu.memory_space<vmem>> -> memref<1x1600xi32, #tpu.memory_space<vmem>>
    %dma_start3A_663 = tpu.memref_squeeze %dma_start3A_662 : memref<1x1600xi32, #tpu.memory_space<vmem>> -> memref<1600xi32, #tpu.memory_space<vmem>>
    %dma_start3A_664 = tpu.memref_slice %arg2[%add3A_652] : memref<819200xi32, #tpu.memory_space<hbm>> -> memref<1600xi32, #tpu.memory_space<hbm>>
    tpu.enqueue_dma source(%dma_start3A_664 : memref<1600xi32, #tpu.memory_space<hbm>>) target(%dma_start3A_663 : memref<1600xi32, #tpu.memory_space<vmem>>) target_semaphore(%dma_start3A_660 : memref<!tpu.dma_semaphore, #tpu.memory_space<semaphore_mem>>)
    %add3A_665 = arith.constant 8000 : i32
    %add3A_666 = arith.addi %mul3A_2, %add3A_665 : i32
    %dma_wait3A_667 = arith.constant 1 : i32
    %dma_wait3A_668 = arith.constant 1 : i32
    %dma_wait3A_669 = arith.constant 0 : i32
    %dma_wait3A_670 = arith.constant 0 : i32
    %dma_wait3A_671 = tpu.memref_slice %arg6[%dma_wait3A_667, %dma_wait3A_669, %dma_wait3A_670] : memref<2x1600x32xf32, #tpu.memory_space<vmem>> -> memref<1x1600x32xf32, #tpu.memory_space<vmem>>
    %dma_wait3A_672 = tpu.memref_squeeze %dma_wait3A_671 : memref<1x1600x32xf32, #tpu.memory_space<vmem>> -> memref<1600x32xf32, #tpu.memory_space<vmem>>
    %dma_wait3A_673 = arith.constant 0 : i32
    %dma_wait3A_674 = tpu.memref_slice %arg4[%add3A_666, %dma_wait3A_673] : memref<819200x32xf32, #tpu.memory_space<hbm>> -> memref<1600x32xf32, #tpu.memory_space<hbm>>
    %dma_wait3A_675 = tpu.memref_slice %arg9[%dma_wait3A_668] : memref<2x!tpu.dma_semaphore, #tpu.memory_space<semaphore_mem>> -> memref<1x!tpu.dma_semaphore, #tpu.memory_space<semaphore_mem>>
    %dma_wait3A_676 = tpu.memref_squeeze %dma_wait3A_675 : memref<1x!tpu.dma_semaphore, #tpu.memory_space<semaphore_mem>> -> memref<!tpu.dma_semaphore, #tpu.memory_space<semaphore_mem>>
    %dma_wait3A_677 = arith.constant 0 : i32
    %dma_wait3A_678 = tpu.memref_slice %arg4[%add3A_666, %dma_wait3A_677] : memref<819200x32xf32, #tpu.memory_space<hbm>> -> memref<1600x32xf32, #tpu.memory_space<hbm>>
    %dma_wait3A_679 = arith.constant 0 : i32
    %dma_wait3A_680 = arith.constant 0 : i32
    %dma_wait3A_681 = tpu.memref_slice %arg6[%dma_wait3A_667, %dma_wait3A_679, %dma_wait3A_680] : memref<2x1600x32xf32, #tpu.memory_space<vmem>> -> memref<1x1600x32xf32, #tpu.memory_space<vmem>>
    %dma_wait3A_682 = tpu.memref_squeeze %dma_wait3A_681 : memref<1x1600x32xf32, #tpu.memory_space<vmem>> -> memref<1600x32xf32, #tpu.memory_space<vmem>>
    tpu.wait_dma2 semaphore(%dma_wait3A_676 : memref<!tpu.dma_semaphore, #tpu.memory_space<semaphore_mem>>) src(%dma_wait3A_682 : memref<1600x32xf32, #tpu.memory_space<vmem>>) dst(%dma_wait3A_678 : memref<1600x32xf32, #tpu.memory_space<hbm>>)
    %dma_start3A_683 = arith.constant 1 : i32
    %dma_start3A_684 = arith.constant 1 : i32
    %dma_start3A_685 = arith.constant 1 : i32
    %dma_start3A_686 = arith.constant 0 : i32
    %dma_start3A_687 = arith.constant 0 : i32
    %dma_start3A_688 = tpu.memref_slice %arg6[%dma_start3A_684, %dma_start3A_686, %dma_start3A_687] : memref<2x1600x32xf32, #tpu.memory_space<vmem>> -> memref<1x1600x32xf32, #tpu.memory_space<vmem>>
    %dma_start3A_689 = tpu.memref_squeeze %dma_start3A_688 : memref<1x1600x32xf32, #tpu.memory_space<vmem>> -> memref<1600x32xf32, #tpu.memory_space<vmem>>
    %dma_start3A_690 = arith.constant 0 : i32
    %dma_start3A_691 = tpu.memref_slice %arg5[%dma_start3A_683, %dma_start3A_690] : memref<2x1600xi32, #tpu.memory_space<vmem>> -> memref<1x1600xi32, #tpu.memory_space<vmem>>
    %dma_start3A_692 = tpu.memref_squeeze %dma_start3A_691 : memref<1x1600xi32, #tpu.memory_space<vmem>> -> memref<1600xi32, #tpu.memory_space<vmem>>
    %dma_start3A_693 = arith.constant 0 : i32
    %dma_start3A_694 = arith.constant 0 : i32
    %dma_start3A_695 = tpu.memref_slice %arg3[%dma_start3A_693, %dma_start3A_694] : memref<1000000x32xf32, #tpu.memory_space<hbm>> -> memref<1000000x32xf32, #tpu.memory_space<hbm>>
    %dma_start3A_696 = tpu.memref_slice %arg8[%dma_start3A_685] : memref<2x!tpu.dma_semaphore, #tpu.memory_space<semaphore_mem>> -> memref<1x!tpu.dma_semaphore, #tpu.memory_space<semaphore_mem>>
    %dma_start3A_697 = tpu.memref_squeeze %dma_start3A_696 : memref<1x!tpu.dma_semaphore, #tpu.memory_space<semaphore_mem>> -> memref<!tpu.dma_semaphore, #tpu.memory_space<semaphore_mem>>
    tpu.enqueue_indirect_dma source(%dma_start3A_695 : memref<1000000x32xf32, #tpu.memory_space<hbm>>) target(%dma_start3A_689 : memref<1600x32xf32, #tpu.memory_space<vmem>>) offsets(%dma_start3A_692 : memref<1600xi32, #tpu.memory_space<vmem>>) semaphore(%dma_start3A_697 : memref<!tpu.dma_semaphore, #tpu.memory_space<semaphore_mem>>)
    %dma_wait3A_698 = arith.constant 1 : i32
    %dma_wait3A_699 = arith.constant 1 : i32
    %dma_wait3A_700 = arith.constant 1 : i32
    %dma_wait3A_701 = arith.constant 0 : i32
    %dma_wait3A_702 = arith.constant 0 : i32
    %dma_wait3A_703 = tpu.memref_slice %arg6[%dma_wait3A_699, %dma_wait3A_701, %dma_wait3A_702] : memref<2x1600x32xf32, #tpu.memory_space<vmem>> -> memref<1x1600x32xf32, #tpu.memory_space<vmem>>
    %dma_wait3A_704 = tpu.memref_squeeze %dma_wait3A_703 : memref<1x1600x32xf32, #tpu.memory_space<vmem>> -> memref<1600x32xf32, #tpu.memory_space<vmem>>
    %dma_wait3A_705 = arith.constant 0 : i32
    %dma_wait3A_706 = tpu.memref_slice %arg5[%dma_wait3A_698, %dma_wait3A_705] : memref<2x1600xi32, #tpu.memory_space<vmem>> -> memref<1x1600xi32, #tpu.memory_space<vmem>>
    %dma_wait3A_707 = tpu.memref_squeeze %dma_wait3A_706 : memref<1x1600xi32, #tpu.memory_space<vmem>> -> memref<1600xi32, #tpu.memory_space<vmem>>
    %dma_wait3A_708 = arith.constant 0 : i32
    %dma_wait3A_709 = arith.constant 0 : i32
    %dma_wait3A_710 = tpu.memref_slice %arg3[%dma_wait3A_708, %dma_wait3A_709] : memref<1000000x32xf32, #tpu.memory_space<hbm>> -> memref<1000000x32xf32, #tpu.memory_space<hbm>>
    %dma_wait3A_711 = tpu.memref_slice %arg8[%dma_wait3A_700] : memref<2x!tpu.dma_semaphore, #tpu.memory_space<semaphore_mem>> -> memref<1x!tpu.dma_semaphore, #tpu.memory_space<semaphore_mem>>
    %dma_wait3A_712 = tpu.memref_squeeze %dma_wait3A_711 : memref<1x!tpu.dma_semaphore, #tpu.memory_space<semaphore_mem>> -> memref<!tpu.dma_semaphore, #tpu.memory_space<semaphore_mem>>
    tpu.wait_indirect_dma semaphore(%dma_wait3A_712 : memref<!tpu.dma_semaphore, #tpu.memory_space<semaphore_mem>>) src(%dma_wait3A_710 : memref<1000000x32xf32, #tpu.memory_space<hbm>>) dst(%dma_wait3A_704 : memref<1600x32xf32, #tpu.memory_space<vmem>>)
    %add3A_713 = arith.constant 11200 : i32
    %add3A_714 = arith.addi %mul3A_2, %add3A_713 : i32
    %dma_start3A_715 = arith.constant 1 : i32
    %dma_start3A_716 = arith.constant 1 : i32
    %dma_start3A_717 = arith.constant 0 : i32
    %dma_start3A_718 = arith.constant 0 : i32
    %dma_start3A_719 = tpu.memref_slice %arg6[%dma_start3A_715, %dma_start3A_717, %dma_start3A_718] : memref<2x1600x32xf32, #tpu.memory_space<vmem>> -> memref<1x1600x32xf32, #tpu.memory_space<vmem>>
    %dma_start3A_720 = tpu.memref_squeeze %dma_start3A_719 : memref<1x1600x32xf32, #tpu.memory_space<vmem>> -> memref<1600x32xf32, #tpu.memory_space<vmem>>
    %dma_start3A_721 = arith.constant 0 : i32
    %dma_start3A_722 = tpu.memref_slice %arg4[%add3A_714, %dma_start3A_721] : memref<819200x32xf32, #tpu.memory_space<hbm>> -> memref<1600x32xf32, #tpu.memory_space<hbm>>
    %dma_start3A_723 = tpu.memref_slice %arg9[%dma_start3A_716] : memref<2x!tpu.dma_semaphore, #tpu.memory_space<semaphore_mem>> -> memref<1x!tpu.dma_semaphore, #tpu.memory_space<semaphore_mem>>
    %dma_start3A_724 = tpu.memref_squeeze %dma_start3A_723 : memref<1x!tpu.dma_semaphore, #tpu.memory_space<semaphore_mem>> -> memref<!tpu.dma_semaphore, #tpu.memory_space<semaphore_mem>>
    %dma_start3A_725 = arith.constant 0 : i32
    %dma_start3A_726 = tpu.memref_slice %arg4[%add3A_714, %dma_start3A_725] : memref<819200x32xf32, #tpu.memory_space<hbm>> -> memref<1600x32xf32, #tpu.memory_space<hbm>>
    %dma_start3A_727 = arith.constant 0 : i32
    %dma_start3A_728 = arith.constant 0 : i32
    %dma_start3A_729 = tpu.memref_slice %arg6[%dma_start3A_715, %dma_start3A_727, %dma_start3A_728] : memref<2x1600x32xf32, #tpu.memory_space<vmem>> -> memref<1x1600x32xf32, #tpu.memory_space<vmem>>
    %dma_start3A_730 = tpu.memref_squeeze %dma_start3A_729 : memref<1x1600x32xf32, #tpu.memory_space<vmem>> -> memref<1600x32xf32, #tpu.memory_space<vmem>>
    tpu.enqueue_dma source(%dma_start3A_730 : memref<1600x32xf32, #tpu.memory_space<vmem>>) target(%dma_start3A_726 : memref<1600x32xf32, #tpu.memory_space<hbm>>) target_semaphore(%dma_start3A_724 : memref<!tpu.dma_semaphore, #tpu.memory_space<semaphore_mem>>)
    %add3A_731 = arith.constant 12800 : i32
    %add3A_732 = arith.addi %mul3A_2, %add3A_731 : i32
    %dma_wait3A_733 = arith.constant 0 : i32
    %dma_wait3A_734 = arith.constant 0 : i32
    %dma_wait3A_735 = arith.constant 0 : i32
    %dma_wait3A_736 = tpu.memref_slice %arg5[%dma_wait3A_733, %dma_wait3A_735] : memref<2x1600xi32, #tpu.memory_space<vmem>> -> memref<1x1600xi32, #tpu.memory_space<vmem>>
    %dma_wait3A_737 = tpu.memref_squeeze %dma_wait3A_736 : memref<1x1600xi32, #tpu.memory_space<vmem>> -> memref<1600xi32, #tpu.memory_space<vmem>>
    %dma_wait3A_738 = tpu.memref_slice %arg2[%add3A_732] : memref<819200xi32, #tpu.memory_space<hbm>> -> memref<1600xi32, #tpu.memory_space<hbm>>
    %dma_wait3A_739 = tpu.memref_slice %arg7[%dma_wait3A_734] : memref<2x!tpu.dma_semaphore, #tpu.memory_space<semaphore_mem>> -> memref<1x!tpu.dma_semaphore, #tpu.memory_space<semaphore_mem>>
    %dma_wait3A_740 = tpu.memref_squeeze %dma_wait3A_739 : memref<1x!tpu.dma_semaphore, #tpu.memory_space<semaphore_mem>> -> memref<!tpu.dma_semaphore, #tpu.memory_space<semaphore_mem>>
    %dma_wait3A_741 = arith.constant 0 : i32
    %dma_wait3A_742 = tpu.memref_slice %arg5[%dma_wait3A_733, %dma_wait3A_741] : memref<2x1600xi32, #tpu.memory_space<vmem>> -> memref<1x1600xi32, #tpu.memory_space<vmem>>
    %dma_wait3A_743 = tpu.memref_squeeze %dma_wait3A_742 : memref<1x1600xi32, #tpu.memory_space<vmem>> -> memref<1600xi32, #tpu.memory_space<vmem>>
    %dma_wait3A_744 = tpu.memref_slice %arg2[%add3A_732] : memref<819200xi32, #tpu.memory_space<hbm>> -> memref<1600xi32, #tpu.memory_space<hbm>>
    tpu.wait_dma2 semaphore(%dma_wait3A_740 : memref<!tpu.dma_semaphore, #tpu.memory_space<semaphore_mem>>) src(%dma_wait3A_744 : memref<1600xi32, #tpu.memory_space<hbm>>) dst(%dma_wait3A_743 : memref<1600xi32, #tpu.memory_space<vmem>>)
    %add3A_745 = arith.constant 14400 : i32
    %add3A_746 = arith.addi %mul3A_2, %add3A_745 : i32
    %dma_start3A_747 = arith.constant 1 : i32
    %dma_start3A_748 = arith.constant 1 : i32
    %dma_start3A_749 = arith.constant 0 : i32
    %dma_start3A_750 = tpu.memref_slice %arg5[%dma_start3A_747, %dma_start3A_749] : memref<2x1600xi32, #tpu.memory_space<vmem>> -> memref<1x1600xi32, #tpu.memory_space<vmem>>
    %dma_start3A_751 = tpu.memref_squeeze %dma_start3A_750 : memref<1x1600xi32, #tpu.memory_space<vmem>> -> memref<1600xi32, #tpu.memory_space<vmem>>
    %dma_start3A_752 = tpu.memref_slice %arg2[%add3A_746] : memref<819200xi32, #tpu.memory_space<hbm>> -> memref<1600xi32, #tpu.memory_space<hbm>>
    %dma_start3A_753 = tpu.memref_slice %arg7[%dma_start3A_748] : memref<2x!tpu.dma_semaphore, #tpu.memory_space<semaphore_mem>> -> memref<1x!tpu.dma_semaphore, #tpu.memory_space<semaphore_mem>>
    %dma_start3A_754 = tpu.memref_squeeze %dma_start3A_753 : memref<1x!tpu.dma_semaphore, #tpu.memory_space<semaphore_mem>> -> memref<!tpu.dma_semaphore, #tpu.memory_space<semaphore_mem>>
    %dma_start3A_755 = arith.constant 0 : i32
    %dma_start3A_756 = tpu.memref_slice %arg5[%dma_start3A_747, %dma_start3A_755] : memref<2x1600xi32, #tpu.memory_space<vmem>> -> memref<1x1600xi32, #tpu.memory_space<vmem>>
    %dma_start3A_757 = tpu.memref_squeeze %dma_start3A_756 : memref<1x1600xi32, #tpu.memory_space<vmem>> -> memref<1600xi32, #tpu.memory_space<vmem>>
    %dma_start3A_758 = tpu.memref_slice %arg2[%add3A_746] : memref<819200xi32, #tpu.memory_space<hbm>> -> memref<1600xi32, #tpu.memory_space<hbm>>
    tpu.enqueue_dma source(%dma_start3A_758 : memref<1600xi32, #tpu.memory_space<hbm>>) target(%dma_start3A_757 : memref<1600xi32, #tpu.memory_space<vmem>>) target_semaphore(%dma_start3A_754 : memref<!tpu.dma_semaphore, #tpu.memory_space<semaphore_mem>>)
    %add3A_759 = arith.constant 9600 : i32
    %add3A_760 = arith.addi %mul3A_2, %add3A_759 : i32
    %dma_wait3A_761 = arith.constant 0 : i32
    %dma_wait3A_762 = arith.constant 0 : i32
    %dma_wait3A_763 = arith.constant 0 : i32
    %dma_wait3A_764 = arith.constant 0 : i32
    %dma_wait3A_765 = tpu.memref_slice %arg6[%dma_wait3A_761, %dma_wait3A_763, %dma_wait3A_764] : memref<2x1600x32xf32, #tpu.memory_space<vmem>> -> memref<1x1600x32xf32, #tpu.memory_space<vmem>>
    %dma_wait3A_766 = tpu.memref_squeeze %dma_wait3A_765 : memref<1x1600x32xf32, #tpu.memory_space<vmem>> -> memref<1600x32xf32, #tpu.memory_space<vmem>>
    %dma_wait3A_767 = arith.constant 0 : i32
    %dma_wait3A_768 = tpu.memref_slice %arg4[%add3A_760, %dma_wait3A_767] : memref<819200x32xf32, #tpu.memory_space<hbm>> -> memref<1600x32xf32, #tpu.memory_space<hbm>>
    %dma_wait3A_769 = tpu.memref_slice %arg9[%dma_wait3A_762] : memref<2x!tpu.dma_semaphore, #tpu.memory_space<semaphore_mem>> -> memref<1x!tpu.dma_semaphore, #tpu.memory_space<semaphore_mem>>
    %dma_wait3A_770 = tpu.memref_squeeze %dma_wait3A_769 : memref<1x!tpu.dma_semaphore, #tpu.memory_space<semaphore_mem>> -> memref<!tpu.dma_semaphore, #tpu.memory_space<semaphore_mem>>
    %dma_wait3A_771 = arith.constant 0 : i32
    %dma_wait3A_772 = tpu.memref_slice %arg4[%add3A_760, %dma_wait3A_771] : memref<819200x32xf32, #tpu.memory_space<hbm>> -> memref<1600x32xf32, #tpu.memory_space<hbm>>
    %dma_wait3A_773 = arith.constant 0 : i32
    %dma_wait3A_774 = arith.constant 0 : i32
    %dma_wait3A_775 = tpu.memref_slice %arg6[%dma_wait3A_761, %dma_wait3A_773, %dma_wait3A_774] : memref<2x1600x32xf32, #tpu.memory_space<vmem>> -> memref<1x1600x32xf32, #tpu.memory_space<vmem>>
    %dma_wait3A_776 = tpu.memref_squeeze %dma_wait3A_775 : memref<1x1600x32xf32, #tpu.memory_space<vmem>> -> memref<1600x32xf32, #tpu.memory_space<vmem>>
    tpu.wait_dma2 semaphore(%dma_wait3A_770 : memref<!tpu.dma_semaphore, #tpu.memory_space<semaphore_mem>>) src(%dma_wait3A_776 : memref<1600x32xf32, #tpu.memory_space<vmem>>) dst(%dma_wait3A_772 : memref<1600x32xf32, #tpu.memory_space<hbm>>)
    %dma_start3A_777 = arith.constant 0 : i32
    %dma_start3A_778 = arith.constant 0 : i32
    %dma_start3A_779 = arith.constant 0 : i32
    %dma_start3A_780 = arith.constant 0 : i32
    %dma_start3A_781 = arith.constant 0 : i32
    %dma_start3A_782 = tpu.memref_slice %arg6[%dma_start3A_778, %dma_start3A_780, %dma_start3A_781] : memref<2x1600x32xf32, #tpu.memory_space<vmem>> -> memref<1x1600x32xf32, #tpu.memory_space<vmem>>
    %dma_start3A_783 = tpu.memref_squeeze %dma_start3A_782 : memref<1x1600x32xf32, #tpu.memory_space<vmem>> -> memref<1600x32xf32, #tpu.memory_space<vmem>>
    %dma_start3A_784 = arith.constant 0 : i32
    %dma_start3A_785 = tpu.memref_slice %arg5[%dma_start3A_777, %dma_start3A_784] : memref<2x1600xi32, #tpu.memory_space<vmem>> -> memref<1x1600xi32, #tpu.memory_space<vmem>>
    %dma_start3A_786 = tpu.memref_squeeze %dma_start3A_785 : memref<1x1600xi32, #tpu.memory_space<vmem>> -> memref<1600xi32, #tpu.memory_space<vmem>>
    %dma_start3A_787 = arith.constant 0 : i32
    %dma_start3A_788 = arith.constant 0 : i32
    %dma_start3A_789 = tpu.memref_slice %arg3[%dma_start3A_787, %dma_start3A_788] : memref<1000000x32xf32, #tpu.memory_space<hbm>> -> memref<1000000x32xf32, #tpu.memory_space<hbm>>
    %dma_start3A_790 = tpu.memref_slice %arg8[%dma_start3A_779] : memref<2x!tpu.dma_semaphore, #tpu.memory_space<semaphore_mem>> -> memref<1x!tpu.dma_semaphore, #tpu.memory_space<semaphore_mem>>
    %dma_start3A_791 = tpu.memref_squeeze %dma_start3A_790 : memref<1x!tpu.dma_semaphore, #tpu.memory_space<semaphore_mem>> -> memref<!tpu.dma_semaphore, #tpu.memory_space<semaphore_mem>>
    tpu.enqueue_indirect_dma source(%dma_start3A_789 : memref<1000000x32xf32, #tpu.memory_space<hbm>>) target(%dma_start3A_783 : memref<1600x32xf32, #tpu.memory_space<vmem>>) offsets(%dma_start3A_786 : memref<1600xi32, #tpu.memory_space<vmem>>) semaphore(%dma_start3A_791 : memref<!tpu.dma_semaphore, #tpu.memory_space<semaphore_mem>>)
    %dma_wait3A_792 = arith.constant 0 : i32
    %dma_wait3A_793 = arith.constant 0 : i32
    %dma_wait3A_794 = arith.constant 0 : i32
    %dma_wait3A_795 = arith.constant 0 : i32
    %dma_wait3A_796 = arith.constant 0 : i32
    %dma_wait3A_797 = tpu.memref_slice %arg6[%dma_wait3A_793, %dma_wait3A_795, %dma_wait3A_796] : memref<2x1600x32xf32, #tpu.memory_space<vmem>> -> memref<1x1600x32xf32, #tpu.memory_space<vmem>>
    %dma_wait3A_798 = tpu.memref_squeeze %dma_wait3A_797 : memref<1x1600x32xf32, #tpu.memory_space<vmem>> -> memref<1600x32xf32, #tpu.memory_space<vmem>>
    %dma_wait3A_799 = arith.constant 0 : i32
    %dma_wait3A_800 = tpu.memref_slice %arg5[%dma_wait3A_792, %dma_wait3A_799] : memref<2x1600xi32, #tpu.memory_space<vmem>> -> memref<1x1600xi32, #tpu.memory_space<vmem>>
    %dma_wait3A_801 = tpu.memref_squeeze %dma_wait3A_800 : memref<1x1600xi32, #tpu.memory_space<vmem>> -> memref<1600xi32, #tpu.memory_space<vmem>>
    %dma_wait3A_802 = arith.constant 0 : i32
    %dma_wait3A_803 = arith.constant 0 : i32
    %dma_wait3A_804 = tpu.memref_slice %arg3[%dma_wait3A_802, %dma_wait3A_803] : memref<1000000x32xf32, #tpu.memory_space<hbm>> -> memref<1000000x32xf32, #tpu.memory_space<hbm>>
    %dma_wait3A_805 = tpu.memref_slice %arg8[%dma_wait3A_794] : memref<2x!tpu.dma_semaphore, #tpu.memory_space<semaphore_mem>> -> memref<1x!tpu.dma_semaphore, #tpu.memory_space<semaphore_mem>>
    %dma_wait3A_806 = tpu.memref_squeeze %dma_wait3A_805 : memref<1x!tpu.dma_semaphore, #tpu.memory_space<semaphore_mem>> -> memref<!tpu.dma_semaphore, #tpu.memory_space<semaphore_mem>>
    tpu.wait_indirect_dma semaphore(%dma_wait3A_806 : memref<!tpu.dma_semaphore, #tpu.memory_space<semaphore_mem>>) src(%dma_wait3A_804 : memref<1000000x32xf32, #tpu.memory_space<hbm>>) dst(%dma_wait3A_798 : memref<1600x32xf32, #tpu.memory_space<vmem>>)
    %add3A_807 = arith.constant 12800 : i32
    %add3A_808 = arith.addi %mul3A_2, %add3A_807 : i32
    %dma_start3A_809 = arith.constant 0 : i32
    %dma_start3A_810 = arith.constant 0 : i32
    %dma_start3A_811 = arith.constant 0 : i32
    %dma_start3A_812 = arith.constant 0 : i32
    %dma_start3A_813 = tpu.memref_slice %arg6[%dma_start3A_809, %dma_start3A_811, %dma_start3A_812] : memref<2x1600x32xf32, #tpu.memory_space<vmem>> -> memref<1x1600x32xf32, #tpu.memory_space<vmem>>
    %dma_start3A_814 = tpu.memref_squeeze %dma_start3A_813 : memref<1x1600x32xf32, #tpu.memory_space<vmem>> -> memref<1600x32xf32, #tpu.memory_space<vmem>>
    %dma_start3A_815 = arith.constant 0 : i32
    %dma_start3A_816 = tpu.memref_slice %arg4[%add3A_808, %dma_start3A_815] : memref<819200x32xf32, #tpu.memory_space<hbm>> -> memref<1600x32xf32, #tpu.memory_space<hbm>>
    %dma_start3A_817 = tpu.memref_slice %arg9[%dma_start3A_810] : memref<2x!tpu.dma_semaphore, #tpu.memory_space<semaphore_mem>> -> memref<1x!tpu.dma_semaphore, #tpu.memory_space<semaphore_mem>>
    %dma_start3A_818 = tpu.memref_squeeze %dma_start3A_817 : memref<1x!tpu.dma_semaphore, #tpu.memory_space<semaphore_mem>> -> memref<!tpu.dma_semaphore, #tpu.memory_space<semaphore_mem>>
    %dma_start3A_819 = arith.constant 0 : i32
    %dma_start3A_820 = tpu.memref_slice %arg4[%add3A_808, %dma_start3A_819] : memref<819200x32xf32, #tpu.memory_space<hbm>> -> memref<1600x32xf32, #tpu.memory_space<hbm>>
    %dma_start3A_821 = arith.constant 0 : i32
    %dma_start3A_822 = arith.constant 0 : i32
    %dma_start3A_823 = tpu.memref_slice %arg6[%dma_start3A_809, %dma_start3A_821, %dma_start3A_822] : memref<2x1600x32xf32, #tpu.memory_space<vmem>> -> memref<1x1600x32xf32, #tpu.memory_space<vmem>>
    %dma_start3A_824 = tpu.memref_squeeze %dma_start3A_823 : memref<1x1600x32xf32, #tpu.memory_space<vmem>> -> memref<1600x32xf32, #tpu.memory_space<vmem>>
    tpu.enqueue_dma source(%dma_start3A_824 : memref<1600x32xf32, #tpu.memory_space<vmem>>) target(%dma_start3A_820 : memref<1600x32xf32, #tpu.memory_space<hbm>>) target_semaphore(%dma_start3A_818 : memref<!tpu.dma_semaphore, #tpu.memory_space<semaphore_mem>>)
    %add3A_825 = arith.constant 14400 : i32
    %add3A_826 = arith.addi %mul3A_2, %add3A_825 : i32
    %dma_wait3A_827 = arith.constant 1 : i32
    %dma_wait3A_828 = arith.constant 1 : i32
    %dma_wait3A_829 = arith.constant 0 : i32
    %dma_wait3A_830 = tpu.memref_slice %arg5[%dma_wait3A_827, %dma_wait3A_829] : memref<2x1600xi32, #tpu.memory_space<vmem>> -> memref<1x1600xi32, #tpu.memory_space<vmem>>
    %dma_wait3A_831 = tpu.memref_squeeze %dma_wait3A_830 : memref<1x1600xi32, #tpu.memory_space<vmem>> -> memref<1600xi32, #tpu.memory_space<vmem>>
    %dma_wait3A_832 = tpu.memref_slice %arg2[%add3A_826] : memref<819200xi32, #tpu.memory_space<hbm>> -> memref<1600xi32, #tpu.memory_space<hbm>>
    %dma_wait3A_833 = tpu.memref_slice %arg7[%dma_wait3A_828] : memref<2x!tpu.dma_semaphore, #tpu.memory_space<semaphore_mem>> -> memref<1x!tpu.dma_semaphore, #tpu.memory_space<semaphore_mem>>
    %dma_wait3A_834 = tpu.memref_squeeze %dma_wait3A_833 : memref<1x!tpu.dma_semaphore, #tpu.memory_space<semaphore_mem>> -> memref<!tpu.dma_semaphore, #tpu.memory_space<semaphore_mem>>
    %dma_wait3A_835 = arith.constant 0 : i32
    %dma_wait3A_836 = tpu.memref_slice %arg5[%dma_wait3A_827, %dma_wait3A_835] : memref<2x1600xi32, #tpu.memory_space<vmem>> -> memref<1x1600xi32, #tpu.memory_space<vmem>>
    %dma_wait3A_837 = tpu.memref_squeeze %dma_wait3A_836 : memref<1x1600xi32, #tpu.memory_space<vmem>> -> memref<1600xi32, #tpu.memory_space<vmem>>
    %dma_wait3A_838 = tpu.memref_slice %arg2[%add3A_826] : memref<819200xi32, #tpu.memory_space<hbm>> -> memref<1600xi32, #tpu.memory_space<hbm>>
    tpu.wait_dma2 semaphore(%dma_wait3A_834 : memref<!tpu.dma_semaphore, #tpu.memory_space<semaphore_mem>>) src(%dma_wait3A_838 : memref<1600xi32, #tpu.memory_space<hbm>>) dst(%dma_wait3A_837 : memref<1600xi32, #tpu.memory_space<vmem>>)
    %add3A_839 = arith.constant 16000 : i32
    %add3A_840 = arith.addi %mul3A_2, %add3A_839 : i32
    %dma_start3A_841 = arith.constant 0 : i32
    %dma_start3A_842 = arith.constant 0 : i32
    %dma_start3A_843 = arith.constant 0 : i32
    %dma_start3A_844 = tpu.memref_slice %arg5[%dma_start3A_841, %dma_start3A_843] : memref<2x1600xi32, #tpu.memory_space<vmem>> -> memref<1x1600xi32, #tpu.memory_space<vmem>>
    %dma_start3A_845 = tpu.memref_squeeze %dma_start3A_844 : memref<1x1600xi32, #tpu.memory_space<vmem>> -> memref<1600xi32, #tpu.memory_space<vmem>>
    %dma_start3A_846 = tpu.memref_slice %arg2[%add3A_840] : memref<819200xi32, #tpu.memory_space<hbm>> -> memref<1600xi32, #tpu.memory_space<hbm>>
    %dma_start3A_847 = tpu.memref_slice %arg7[%dma_start3A_842] : memref<2x!tpu.dma_semaphore, #tpu.memory_space<semaphore_mem>> -> memref<1x!tpu.dma_semaphore, #tpu.memory_space<semaphore_mem>>
    %dma_start3A_848 = tpu.memref_squeeze %dma_start3A_847 : memref<1x!tpu.dma_semaphore, #tpu.memory_space<semaphore_mem>> -> memref<!tpu.dma_semaphore, #tpu.memory_space<semaphore_mem>>
    %dma_start3A_849 = arith.constant 0 : i32
    %dma_start3A_850 = tpu.memref_slice %arg5[%dma_start3A_841, %dma_start3A_849] : memref<2x1600xi32, #tpu.memory_space<vmem>> -> memref<1x1600xi32, #tpu.memory_space<vmem>>
    %dma_start3A_851 = tpu.memref_squeeze %dma_start3A_850 : memref<1x1600xi32, #tpu.memory_space<vmem>> -> memref<1600xi32, #tpu.memory_space<vmem>>
    %dma_start3A_852 = tpu.memref_slice %arg2[%add3A_840] : memref<819200xi32, #tpu.memory_space<hbm>> -> memref<1600xi32, #tpu.memory_space<hbm>>
    tpu.enqueue_dma source(%dma_start3A_852 : memref<1600xi32, #tpu.memory_space<hbm>>) target(%dma_start3A_851 : memref<1600xi32, #tpu.memory_space<vmem>>) target_semaphore(%dma_start3A_848 : memref<!tpu.dma_semaphore, #tpu.memory_space<semaphore_mem>>)
    %add3A_853 = arith.constant 11200 : i32
    %add3A_854 = arith.addi %mul3A_2, %add3A_853 : i32
    %dma_wait3A_855 = arith.constant 1 : i32
    %dma_wait3A_856 = arith.constant 1 : i32
    %dma_wait3A_857 = arith.constant 0 : i32
    %dma_wait3A_858 = arith.constant 0 : i32
    %dma_wait3A_859 = tpu.memref_slice %arg6[%dma_wait3A_855, %dma_wait3A_857, %dma_wait3A_858] : memref<2x1600x32xf32, #tpu.memory_space<vmem>> -> memref<1x1600x32xf32, #tpu.memory_space<vmem>>
    %dma_wait3A_860 = tpu.memref_squeeze %dma_wait3A_859 : memref<1x1600x32xf32, #tpu.memory_space<vmem>> -> memref<1600x32xf32, #tpu.memory_space<vmem>>
    %dma_wait3A_861 = arith.constant 0 : i32
    %dma_wait3A_862 = tpu.memref_slice %arg4[%add3A_854, %dma_wait3A_861] : memref<819200x32xf32, #tpu.memory_space<hbm>> -> memref<1600x32xf32, #tpu.memory_space<hbm>>
    %dma_wait3A_863 = tpu.memref_slice %arg9[%dma_wait3A_856] : memref<2x!tpu.dma_semaphore, #tpu.memory_space<semaphore_mem>> -> memref<1x!tpu.dma_semaphore, #tpu.memory_space<semaphore_mem>>
    %dma_wait3A_864 = tpu.memref_squeeze %dma_wait3A_863 : memref<1x!tpu.dma_semaphore, #tpu.memory_space<semaphore_mem>> -> memref<!tpu.dma_semaphore, #tpu.memory_space<semaphore_mem>>
    %dma_wait3A_865 = arith.constant 0 : i32
    %dma_wait3A_866 = tpu.memref_slice %arg4[%add3A_854, %dma_wait3A_865] : memref<819200x32xf32, #tpu.memory_space<hbm>> -> memref<1600x32xf32, #tpu.memory_space<hbm>>
    %dma_wait3A_867 = arith.constant 0 : i32
    %dma_wait3A_868 = arith.constant 0 : i32
    %dma_wait3A_869 = tpu.memref_slice %arg6[%dma_wait3A_855, %dma_wait3A_867, %dma_wait3A_868] : memref<2x1600x32xf32, #tpu.memory_space<vmem>> -> memref<1x1600x32xf32, #tpu.memory_space<vmem>>
    %dma_wait3A_870 = tpu.memref_squeeze %dma_wait3A_869 : memref<1x1600x32xf32, #tpu.memory_space<vmem>> -> memref<1600x32xf32, #tpu.memory_space<vmem>>
    tpu.wait_dma2 semaphore(%dma_wait3A_864 : memref<!tpu.dma_semaphore, #tpu.memory_space<semaphore_mem>>) src(%dma_wait3A_870 : memref<1600x32xf32, #tpu.memory_space<vmem>>) dst(%dma_wait3A_866 : memref<1600x32xf32, #tpu.memory_space<hbm>>)
    %dma_start3A_871 = arith.constant 1 : i32
    %dma_start3A_872 = arith.constant 1 : i32
    %dma_start3A_873 = arith.constant 1 : i32
    %dma_start3A_874 = arith.constant 0 : i32
    %dma_start3A_875 = arith.constant 0 : i32
    %dma_start3A_876 = tpu.memref_slice %arg6[%dma_start3A_872, %dma_start3A_874, %dma_start3A_875] : memref<2x1600x32xf32, #tpu.memory_space<vmem>> -> memref<1x1600x32xf32, #tpu.memory_space<vmem>>
    %dma_start3A_877 = tpu.memref_squeeze %dma_start3A_876 : memref<1x1600x32xf32, #tpu.memory_space<vmem>> -> memref<1600x32xf32, #tpu.memory_space<vmem>>
    %dma_start3A_878 = arith.constant 0 : i32
    %dma_start3A_879 = tpu.memref_slice %arg5[%dma_start3A_871, %dma_start3A_878] : memref<2x1600xi32, #tpu.memory_space<vmem>> -> memref<1x1600xi32, #tpu.memory_space<vmem>>
    %dma_start3A_880 = tpu.memref_squeeze %dma_start3A_879 : memref<1x1600xi32, #tpu.memory_space<vmem>> -> memref<1600xi32, #tpu.memory_space<vmem>>
    %dma_start3A_881 = arith.constant 0 : i32
    %dma_start3A_882 = arith.constant 0 : i32
    %dma_start3A_883 = tpu.memref_slice %arg3[%dma_start3A_881, %dma_start3A_882] : memref<1000000x32xf32, #tpu.memory_space<hbm>> -> memref<1000000x32xf32, #tpu.memory_space<hbm>>
    %dma_start3A_884 = tpu.memref_slice %arg8[%dma_start3A_873] : memref<2x!tpu.dma_semaphore, #tpu.memory_space<semaphore_mem>> -> memref<1x!tpu.dma_semaphore, #tpu.memory_space<semaphore_mem>>
    %dma_start3A_885 = tpu.memref_squeeze %dma_start3A_884 : memref<1x!tpu.dma_semaphore, #tpu.memory_space<semaphore_mem>> -> memref<!tpu.dma_semaphore, #tpu.memory_space<semaphore_mem>>
    tpu.enqueue_indirect_dma source(%dma_start3A_883 : memref<1000000x32xf32, #tpu.memory_space<hbm>>) target(%dma_start3A_877 : memref<1600x32xf32, #tpu.memory_space<vmem>>) offsets(%dma_start3A_880 : memref<1600xi32, #tpu.memory_space<vmem>>) semaphore(%dma_start3A_885 : memref<!tpu.dma_semaphore, #tpu.memory_space<semaphore_mem>>)
    %dma_wait3A_886 = arith.constant 1 : i32
    %dma_wait3A_887 = arith.constant 1 : i32
    %dma_wait3A_888 = arith.constant 1 : i32
    %dma_wait3A_889 = arith.constant 0 : i32
    %dma_wait3A_890 = arith.constant 0 : i32
    %dma_wait3A_891 = tpu.memref_slice %arg6[%dma_wait3A_887, %dma_wait3A_889, %dma_wait3A_890] : memref<2x1600x32xf32, #tpu.memory_space<vmem>> -> memref<1x1600x32xf32, #tpu.memory_space<vmem>>
    %dma_wait3A_892 = tpu.memref_squeeze %dma_wait3A_891 : memref<1x1600x32xf32, #tpu.memory_space<vmem>> -> memref<1600x32xf32, #tpu.memory_space<vmem>>
    %dma_wait3A_893 = arith.constant 0 : i32
    %dma_wait3A_894 = tpu.memref_slice %arg5[%dma_wait3A_886, %dma_wait3A_893] : memref<2x1600xi32, #tpu.memory_space<vmem>> -> memref<1x1600xi32, #tpu.memory_space<vmem>>
    %dma_wait3A_895 = tpu.memref_squeeze %dma_wait3A_894 : memref<1x1600xi32, #tpu.memory_space<vmem>> -> memref<1600xi32, #tpu.memory_space<vmem>>
    %dma_wait3A_896 = arith.constant 0 : i32
    %dma_wait3A_897 = arith.constant 0 : i32
    %dma_wait3A_898 = tpu.memref_slice %arg3[%dma_wait3A_896, %dma_wait3A_897] : memref<1000000x32xf32, #tpu.memory_space<hbm>> -> memref<1000000x32xf32, #tpu.memory_space<hbm>>
    %dma_wait3A_899 = tpu.memref_slice %arg8[%dma_wait3A_888] : memref<2x!tpu.dma_semaphore, #tpu.memory_space<semaphore_mem>> -> memref<1x!tpu.dma_semaphore, #tpu.memory_space<semaphore_mem>>
    %dma_wait3A_900 = tpu.memref_squeeze %dma_wait3A_899 : memref<1x!tpu.dma_semaphore, #tpu.memory_space<semaphore_mem>> -> memref<!tpu.dma_semaphore, #tpu.memory_space<semaphore_mem>>
    tpu.wait_indirect_dma semaphore(%dma_wait3A_900 : memref<!tpu.dma_semaphore, #tpu.memory_space<semaphore_mem>>) src(%dma_wait3A_898 : memref<1000000x32xf32, #tpu.memory_space<hbm>>) dst(%dma_wait3A_892 : memref<1600x32xf32, #tpu.memory_space<vmem>>)
    %add3A_901 = arith.constant 14400 : i32
    %add3A_902 = arith.addi %mul3A_2, %add3A_901 : i32
    %dma_start3A_903 = arith.constant 1 : i32
    %dma_start3A_904 = arith.constant 1 : i32
    %dma_start3A_905 = arith.constant 0 : i32
    %dma_start3A_906 = arith.constant 0 : i32
    %dma_start3A_907 = tpu.memref_slice %arg6[%dma_start3A_903, %dma_start3A_905, %dma_start3A_906] : memref<2x1600x32xf32, #tpu.memory_space<vmem>> -> memref<1x1600x32xf32, #tpu.memory_space<vmem>>
    %dma_start3A_908 = tpu.memref_squeeze %dma_start3A_907 : memref<1x1600x32xf32, #tpu.memory_space<vmem>> -> memref<1600x32xf32, #tpu.memory_space<vmem>>
    %dma_start3A_909 = arith.constant 0 : i32
    %dma_start3A_910 = tpu.memref_slice %arg4[%add3A_902, %dma_start3A_909] : memref<819200x32xf32, #tpu.memory_space<hbm>> -> memref<1600x32xf32, #tpu.memory_space<hbm>>
    %dma_start3A_911 = tpu.memref_slice %arg9[%dma_start3A_904] : memref<2x!tpu.dma_semaphore, #tpu.memory_space<semaphore_mem>> -> memref<1x!tpu.dma_semaphore, #tpu.memory_space<semaphore_mem>>
    %dma_start3A_912 = tpu.memref_squeeze %dma_start3A_911 : memref<1x!tpu.dma_semaphore, #tpu.memory_space<semaphore_mem>> -> memref<!tpu.dma_semaphore, #tpu.memory_space<semaphore_mem>>
    %dma_start3A_913 = arith.constant 0 : i32
    %dma_start3A_914 = tpu.memref_slice %arg4[%add3A_902, %dma_start3A_913] : memref<819200x32xf32, #tpu.memory_space<hbm>> -> memref<1600x32xf32, #tpu.memory_space<hbm>>
    %dma_start3A_915 = arith.constant 0 : i32
    %dma_start3A_916 = arith.constant 0 : i32
    %dma_start3A_917 = tpu.memref_slice %arg6[%dma_start3A_903, %dma_start3A_915, %dma_start3A_916] : memref<2x1600x32xf32, #tpu.memory_space<vmem>> -> memref<1x1600x32xf32, #tpu.memory_space<vmem>>
    %dma_start3A_918 = tpu.memref_squeeze %dma_start3A_917 : memref<1x1600x32xf32, #tpu.memory_space<vmem>> -> memref<1600x32xf32, #tpu.memory_space<vmem>>
    tpu.enqueue_dma source(%dma_start3A_918 : memref<1600x32xf32, #tpu.memory_space<vmem>>) target(%dma_start3A_914 : memref<1600x32xf32, #tpu.memory_space<hbm>>) target_semaphore(%dma_start3A_912 : memref<!tpu.dma_semaphore, #tpu.memory_space<semaphore_mem>>)
    %add3A_919 = arith.constant 16000 : i32
    %add3A_920 = arith.addi %mul3A_2, %add3A_919 : i32
    %dma_wait3A_921 = arith.constant 0 : i32
    %dma_wait3A_922 = arith.constant 0 : i32
    %dma_wait3A_923 = arith.constant 0 : i32
    %dma_wait3A_924 = tpu.memref_slice %arg5[%dma_wait3A_921, %dma_wait3A_923] : memref<2x1600xi32, #tpu.memory_space<vmem>> -> memref<1x1600xi32, #tpu.memory_space<vmem>>
    %dma_wait3A_925 = tpu.memref_squeeze %dma_wait3A_924 : memref<1x1600xi32, #tpu.memory_space<vmem>> -> memref<1600xi32, #tpu.memory_space<vmem>>
    %dma_wait3A_926 = tpu.memref_slice %arg2[%add3A_920] : memref<819200xi32, #tpu.memory_space<hbm>> -> memref<1600xi32, #tpu.memory_space<hbm>>
    %dma_wait3A_927 = tpu.memref_slice %arg7[%dma_wait3A_922] : memref<2x!tpu.dma_semaphore, #tpu.memory_space<semaphore_mem>> -> memref<1x!tpu.dma_semaphore, #tpu.memory_space<semaphore_mem>>
    %dma_wait3A_928 = tpu.memref_squeeze %dma_wait3A_927 : memref<1x!tpu.dma_semaphore, #tpu.memory_space<semaphore_mem>> -> memref<!tpu.dma_semaphore, #tpu.memory_space<semaphore_mem>>
    %dma_wait3A_929 = arith.constant 0 : i32
    %dma_wait3A_930 = tpu.memref_slice %arg5[%dma_wait3A_921, %dma_wait3A_929] : memref<2x1600xi32, #tpu.memory_space<vmem>> -> memref<1x1600xi32, #tpu.memory_space<vmem>>
    %dma_wait3A_931 = tpu.memref_squeeze %dma_wait3A_930 : memref<1x1600xi32, #tpu.memory_space<vmem>> -> memref<1600xi32, #tpu.memory_space<vmem>>
    %dma_wait3A_932 = tpu.memref_slice %arg2[%add3A_920] : memref<819200xi32, #tpu.memory_space<hbm>> -> memref<1600xi32, #tpu.memory_space<hbm>>
    tpu.wait_dma2 semaphore(%dma_wait3A_928 : memref<!tpu.dma_semaphore, #tpu.memory_space<semaphore_mem>>) src(%dma_wait3A_932 : memref<1600xi32, #tpu.memory_space<hbm>>) dst(%dma_wait3A_931 : memref<1600xi32, #tpu.memory_space<vmem>>)
    %add3A_933 = arith.constant 17600 : i32
    %add3A_934 = arith.addi %mul3A_2, %add3A_933 : i32
    %dma_start3A_935 = arith.constant 1 : i32
    %dma_start3A_936 = arith.constant 1 : i32
    %dma_start3A_937 = arith.constant 0 : i32
    %dma_start3A_938 = tpu.memref_slice %arg5[%dma_start3A_935, %dma_start3A_937] : memref<2x1600xi32, #tpu.memory_space<vmem>> -> memref<1x1600xi32, #tpu.memory_space<vmem>>
    %dma_start3A_939 = tpu.memref_squeeze %dma_start3A_938 : memref<1x1600xi32, #tpu.memory_space<vmem>> -> memref<1600xi32, #tpu.memory_space<vmem>>
    %dma_start3A_940 = tpu.memref_slice %arg2[%add3A_934] : memref<819200xi32, #tpu.memory_space<hbm>> -> memref<1600xi32, #tpu.memory_space<hbm>>
    %dma_start3A_941 = tpu.memref_slice %arg7[%dma_start3A_936] : memref<2x!tpu.dma_semaphore, #tpu.memory_space<semaphore_mem>> -> memref<1x!tpu.dma_semaphore, #tpu.memory_space<semaphore_mem>>
    %dma_start3A_942 = tpu.memref_squeeze %dma_start3A_941 : memref<1x!tpu.dma_semaphore, #tpu.memory_space<semaphore_mem>> -> memref<!tpu.dma_semaphore, #tpu.memory_space<semaphore_mem>>
    %dma_start3A_943 = arith.constant 0 : i32
    %dma_start3A_944 = tpu.memref_slice %arg5[%dma_start3A_935, %dma_start3A_943] : memref<2x1600xi32, #tpu.memory_space<vmem>> -> memref<1x1600xi32, #tpu.memory_space<vmem>>
    %dma_start3A_945 = tpu.memref_squeeze %dma_start3A_944 : memref<1x1600xi32, #tpu.memory_space<vmem>> -> memref<1600xi32, #tpu.memory_space<vmem>>
    %dma_start3A_946 = tpu.memref_slice %arg2[%add3A_934] : memref<819200xi32, #tpu.memory_space<hbm>> -> memref<1600xi32, #tpu.memory_space<hbm>>
    tpu.enqueue_dma source(%dma_start3A_946 : memref<1600xi32, #tpu.memory_space<hbm>>) target(%dma_start3A_945 : memref<1600xi32, #tpu.memory_space<vmem>>) target_semaphore(%dma_start3A_942 : memref<!tpu.dma_semaphore, #tpu.memory_space<semaphore_mem>>)
    %add3A_947 = arith.constant 12800 : i32
    %add3A_948 = arith.addi %mul3A_2, %add3A_947 : i32
    %dma_wait3A_949 = arith.constant 0 : i32
    %dma_wait3A_950 = arith.constant 0 : i32
    %dma_wait3A_951 = arith.constant 0 : i32
    %dma_wait3A_952 = arith.constant 0 : i32
    %dma_wait3A_953 = tpu.memref_slice %arg6[%dma_wait3A_949, %dma_wait3A_951, %dma_wait3A_952] : memref<2x1600x32xf32, #tpu.memory_space<vmem>> -> memref<1x1600x32xf32, #tpu.memory_space<vmem>>
    %dma_wait3A_954 = tpu.memref_squeeze %dma_wait3A_953 : memref<1x1600x32xf32, #tpu.memory_space<vmem>> -> memref<1600x32xf32, #tpu.memory_space<vmem>>
    %dma_wait3A_955 = arith.constant 0 : i32
    %dma_wait3A_956 = tpu.memref_slice %arg4[%add3A_948, %dma_wait3A_955] : memref<819200x32xf32, #tpu.memory_space<hbm>> -> memref<1600x32xf32, #tpu.memory_space<hbm>>
    %dma_wait3A_957 = tpu.memref_slice %arg9[%dma_wait3A_950] : memref<2x!tpu.dma_semaphore, #tpu.memory_space<semaphore_mem>> -> memref<1x!tpu.dma_semaphore, #tpu.memory_space<semaphore_mem>>
    %dma_wait3A_958 = tpu.memref_squeeze %dma_wait3A_957 : memref<1x!tpu.dma_semaphore, #tpu.memory_space<semaphore_mem>> -> memref<!tpu.dma_semaphore, #tpu.memory_space<semaphore_mem>>
    %dma_wait3A_959 = arith.constant 0 : i32
    %dma_wait3A_960 = tpu.memref_slice %arg4[%add3A_948, %dma_wait3A_959] : memref<819200x32xf32, #tpu.memory_space<hbm>> -> memref<1600x32xf32, #tpu.memory_space<hbm>>
    %dma_wait3A_961 = arith.constant 0 : i32
    %dma_wait3A_962 = arith.constant 0 : i32
    %dma_wait3A_963 = tpu.memref_slice %arg6[%dma_wait3A_949, %dma_wait3A_961, %dma_wait3A_962] : memref<2x1600x32xf32, #tpu.memory_space<vmem>> -> memref<1x1600x32xf32, #tpu.memory_space<vmem>>
    %dma_wait3A_964 = tpu.memref_squeeze %dma_wait3A_963 : memref<1x1600x32xf32, #tpu.memory_space<vmem>> -> memref<1600x32xf32, #tpu.memory_space<vmem>>
    tpu.wait_dma2 semaphore(%dma_wait3A_958 : memref<!tpu.dma_semaphore, #tpu.memory_space<semaphore_mem>>) src(%dma_wait3A_964 : memref<1600x32xf32, #tpu.memory_space<vmem>>) dst(%dma_wait3A_960 : memref<1600x32xf32, #tpu.memory_space<hbm>>)
    %dma_start3A_965 = arith.constant 0 : i32
    %dma_start3A_966 = arith.constant 0 : i32
    %dma_start3A_967 = arith.constant 0 : i32
    %dma_start3A_968 = arith.constant 0 : i32
    %dma_start3A_969 = arith.constant 0 : i32
    %dma_start3A_970 = tpu.memref_slice %arg6[%dma_start3A_966, %dma_start3A_968, %dma_start3A_969] : memref<2x1600x32xf32, #tpu.memory_space<vmem>> -> memref<1x1600x32xf32, #tpu.memory_space<vmem>>
    %dma_start3A_971 = tpu.memref_squeeze %dma_start3A_970 : memref<1x1600x32xf32, #tpu.memory_space<vmem>> -> memref<1600x32xf32, #tpu.memory_space<vmem>>
    %dma_start3A_972 = arith.constant 0 : i32
    %dma_start3A_973 = tpu.memref_slice %arg5[%dma_start3A_965, %dma_start3A_972] : memref<2x1600xi32, #tpu.memory_space<vmem>> -> memref<1x1600xi32, #tpu.memory_space<vmem>>
    %dma_start3A_974 = tpu.memref_squeeze %dma_start3A_973 : memref<1x1600xi32, #tpu.memory_space<vmem>> -> memref<1600xi32, #tpu.memory_space<vmem>>
    %dma_start3A_975 = arith.constant 0 : i32
    %dma_start3A_976 = arith.constant 0 : i32
    %dma_start3A_977 = tpu.memref_slice %arg3[%dma_start3A_975, %dma_start3A_976] : memref<1000000x32xf32, #tpu.memory_space<hbm>> -> memref<1000000x32xf32, #tpu.memory_space<hbm>>
    %dma_start3A_978 = tpu.memref_slice %arg8[%dma_start3A_967] : memref<2x!tpu.dma_semaphore, #tpu.memory_space<semaphore_mem>> -> memref<1x!tpu.dma_semaphore, #tpu.memory_space<semaphore_mem>>
    %dma_start3A_979 = tpu.memref_squeeze %dma_start3A_978 : memref<1x!tpu.dma_semaphore, #tpu.memory_space<semaphore_mem>> -> memref<!tpu.dma_semaphore, #tpu.memory_space<semaphore_mem>>
    tpu.enqueue_indirect_dma source(%dma_start3A_977 : memref<1000000x32xf32, #tpu.memory_space<hbm>>) target(%dma_start3A_971 : memref<1600x32xf32, #tpu.memory_space<vmem>>) offsets(%dma_start3A_974 : memref<1600xi32, #tpu.memory_space<vmem>>) semaphore(%dma_start3A_979 : memref<!tpu.dma_semaphore, #tpu.memory_space<semaphore_mem>>)
    %dma_wait3A_980 = arith.constant 0 : i32
    %dma_wait3A_981 = arith.constant 0 : i32
    %dma_wait3A_982 = arith.constant 0 : i32
    %dma_wait3A_983 = arith.constant 0 : i32
    %dma_wait3A_984 = arith.constant 0 : i32
    %dma_wait3A_985 = tpu.memref_slice %arg6[%dma_wait3A_981, %dma_wait3A_983, %dma_wait3A_984] : memref<2x1600x32xf32, #tpu.memory_space<vmem>> -> memref<1x1600x32xf32, #tpu.memory_space<vmem>>
    %dma_wait3A_986 = tpu.memref_squeeze %dma_wait3A_985 : memref<1x1600x32xf32, #tpu.memory_space<vmem>> -> memref<1600x32xf32, #tpu.memory_space<vmem>>
    %dma_wait3A_987 = arith.constant 0 : i32
    %dma_wait3A_988 = tpu.memref_slice %arg5[%dma_wait3A_980, %dma_wait3A_987] : memref<2x1600xi32, #tpu.memory_space<vmem>> -> memref<1x1600xi32, #tpu.memory_space<vmem>>
    %dma_wait3A_989 = tpu.memref_squeeze %dma_wait3A_988 : memref<1x1600xi32, #tpu.memory_space<vmem>> -> memref<1600xi32, #tpu.memory_space<vmem>>
    %dma_wait3A_990 = arith.constant 0 : i32
    %dma_wait3A_991 = arith.constant 0 : i32
    %dma_wait3A_992 = tpu.memref_slice %arg3[%dma_wait3A_990, %dma_wait3A_991] : memref<1000000x32xf32, #tpu.memory_space<hbm>> -> memref<1000000x32xf32, #tpu.memory_space<hbm>>
    %dma_wait3A_993 = tpu.memref_slice %arg8[%dma_wait3A_982] : memref<2x!tpu.dma_semaphore, #tpu.memory_space<semaphore_mem>> -> memref<1x!tpu.dma_semaphore, #tpu.memory_space<semaphore_mem>>
    %dma_wait3A_994 = tpu.memref_squeeze %dma_wait3A_993 : memref<1x!tpu.dma_semaphore, #tpu.memory_space<semaphore_mem>> -> memref<!tpu.dma_semaphore, #tpu.memory_space<semaphore_mem>>
    tpu.wait_indirect_dma semaphore(%dma_wait3A_994 : memref<!tpu.dma_semaphore, #tpu.memory_space<semaphore_mem>>) src(%dma_wait3A_992 : memref<1000000x32xf32, #tpu.memory_space<hbm>>) dst(%dma_wait3A_986 : memref<1600x32xf32, #tpu.memory_space<vmem>>)
    %add3A_995 = arith.constant 16000 : i32
    %add3A_996 = arith.addi %mul3A_2, %add3A_995 : i32
    %dma_start3A_997 = arith.constant 0 : i32
    %dma_start3A_998 = arith.constant 0 : i32
    %dma_start3A_999 = arith.constant 0 : i32
    %dma_start3A_1000 = arith.constant 0 : i32
    %dma_start3A_1001 = tpu.memref_slice %arg6[%dma_start3A_997, %dma_start3A_999, %dma_start3A_1000] : memref<2x1600x32xf32, #tpu.memory_space<vmem>> -> memref<1x1600x32xf32, #tpu.memory_space<vmem>>
    %dma_start3A_1002 = tpu.memref_squeeze %dma_start3A_1001 : memref<1x1600x32xf32, #tpu.memory_space<vmem>> -> memref<1600x32xf32, #tpu.memory_space<vmem>>
    %dma_start3A_1003 = arith.constant 0 : i32
    %dma_start3A_1004 = tpu.memref_slice %arg4[%add3A_996, %dma_start3A_1003] : memref<819200x32xf32, #tpu.memory_space<hbm>> -> memref<1600x32xf32, #tpu.memory_space<hbm>>
    %dma_start3A_1005 = tpu.memref_slice %arg9[%dma_start3A_998] : memref<2x!tpu.dma_semaphore, #tpu.memory_space<semaphore_mem>> -> memref<1x!tpu.dma_semaphore, #tpu.memory_space<semaphore_mem>>
    %dma_start3A_1006 = tpu.memref_squeeze %dma_start3A_1005 : memref<1x!tpu.dma_semaphore, #tpu.memory_space<semaphore_mem>> -> memref<!tpu.dma_semaphore, #tpu.memory_space<semaphore_mem>>
    %dma_start3A_1007 = arith.constant 0 : i32
    %dma_start3A_1008 = tpu.memref_slice %arg4[%add3A_996, %dma_start3A_1007] : memref<819200x32xf32, #tpu.memory_space<hbm>> -> memref<1600x32xf32, #tpu.memory_space<hbm>>
    %dma_start3A_1009 = arith.constant 0 : i32
    %dma_start3A_1010 = arith.constant 0 : i32
    %dma_start3A_1011 = tpu.memref_slice %arg6[%dma_start3A_997, %dma_start3A_1009, %dma_start3A_1010] : memref<2x1600x32xf32, #tpu.memory_space<vmem>> -> memref<1x1600x32xf32, #tpu.memory_space<vmem>>
    %dma_start3A_1012 = tpu.memref_squeeze %dma_start3A_1011 : memref<1x1600x32xf32, #tpu.memory_space<vmem>> -> memref<1600x32xf32, #tpu.memory_space<vmem>>
    tpu.enqueue_dma source(%dma_start3A_1012 : memref<1600x32xf32, #tpu.memory_space<vmem>>) target(%dma_start3A_1008 : memref<1600x32xf32, #tpu.memory_space<hbm>>) target_semaphore(%dma_start3A_1006 : memref<!tpu.dma_semaphore, #tpu.memory_space<semaphore_mem>>)
    %add3A_1013 = arith.constant 17600 : i32
    %add3A_1014 = arith.addi %mul3A_2, %add3A_1013 : i32
    %dma_wait3A_1015 = arith.constant 1 : i32
    %dma_wait3A_1016 = arith.constant 1 : i32
    %dma_wait3A_1017 = arith.constant 0 : i32
    %dma_wait3A_1018 = tpu.memref_slice %arg5[%dma_wait3A_1015, %dma_wait3A_1017] : memref<2x1600xi32, #tpu.memory_space<vmem>> -> memref<1x1600xi32, #tpu.memory_space<vmem>>
    %dma_wait3A_1019 = tpu.memref_squeeze %dma_wait3A_1018 : memref<1x1600xi32, #tpu.memory_space<vmem>> -> memref<1600xi32, #tpu.memory_space<vmem>>
    %dma_wait3A_1020 = tpu.memref_slice %arg2[%add3A_1014] : memref<819200xi32, #tpu.memory_space<hbm>> -> memref<1600xi32, #tpu.memory_space<hbm>>
    %dma_wait3A_1021 = tpu.memref_slice %arg7[%dma_wait3A_1016] : memref<2x!tpu.dma_semaphore, #tpu.memory_space<semaphore_mem>> -> memref<1x!tpu.dma_semaphore, #tpu.memory_space<semaphore_mem>>
    %dma_wait3A_1022 = tpu.memref_squeeze %dma_wait3A_1021 : memref<1x!tpu.dma_semaphore, #tpu.memory_space<semaphore_mem>> -> memref<!tpu.dma_semaphore, #tpu.memory_space<semaphore_mem>>
    %dma_wait3A_1023 = arith.constant 0 : i32
    %dma_wait3A_1024 = tpu.memref_slice %arg5[%dma_wait3A_1015, %dma_wait3A_1023] : memref<2x1600xi32, #tpu.memory_space<vmem>> -> memref<1x1600xi32, #tpu.memory_space<vmem>>
    %dma_wait3A_1025 = tpu.memref_squeeze %dma_wait3A_1024 : memref<1x1600xi32, #tpu.memory_space<vmem>> -> memref<1600xi32, #tpu.memory_space<vmem>>
    %dma_wait3A_1026 = tpu.memref_slice %arg2[%add3A_1014] : memref<819200xi32, #tpu.memory_space<hbm>> -> memref<1600xi32, #tpu.memory_space<hbm>>
    tpu.wait_dma2 semaphore(%dma_wait3A_1022 : memref<!tpu.dma_semaphore, #tpu.memory_space<semaphore_mem>>) src(%dma_wait3A_1026 : memref<1600xi32, #tpu.memory_space<hbm>>) dst(%dma_wait3A_1025 : memref<1600xi32, #tpu.memory_space<vmem>>)
    %add3A_1027 = arith.constant 19200 : i32
    %add3A_1028 = arith.addi %mul3A_2, %add3A_1027 : i32
    %dma_start3A_1029 = arith.constant 0 : i32
    %dma_start3A_1030 = arith.constant 0 : i32
    %dma_start3A_1031 = arith.constant 0 : i32
    %dma_start3A_1032 = tpu.memref_slice %arg5[%dma_start3A_1029, %dma_start3A_1031] : memref<2x1600xi32, #tpu.memory_space<vmem>> -> memref<1x1600xi32, #tpu.memory_space<vmem>>
    %dma_start3A_1033 = tpu.memref_squeeze %dma_start3A_1032 : memref<1x1600xi32, #tpu.memory_space<vmem>> -> memref<1600xi32, #tpu.memory_space<vmem>>
    %dma_start3A_1034 = tpu.memref_slice %arg2[%add3A_1028] : memref<819200xi32, #tpu.memory_space<hbm>> -> memref<1600xi32, #tpu.memory_space<hbm>>
    %dma_start3A_1035 = tpu.memref_slice %arg7[%dma_start3A_1030] : memref<2x!tpu.dma_semaphore, #tpu.memory_space<semaphore_mem>> -> memref<1x!tpu.dma_semaphore, #tpu.memory_space<semaphore_mem>>
    %dma_start3A_1036 = tpu.memref_squeeze %dma_start3A_1035 : memref<1x!tpu.dma_semaphore, #tpu.memory_space<semaphore_mem>> -> memref<!tpu.dma_semaphore, #tpu.memory_space<semaphore_mem>>
    %dma_start3A_1037 = arith.constant 0 : i32
    %dma_start3A_1038 = tpu.memref_slice %arg5[%dma_start3A_1029, %dma_start3A_1037] : memref<2x1600xi32, #tpu.memory_space<vmem>> -> memref<1x1600xi32, #tpu.memory_space<vmem>>
    %dma_start3A_1039 = tpu.memref_squeeze %dma_start3A_1038 : memref<1x1600xi32, #tpu.memory_space<vmem>> -> memref<1600xi32, #tpu.memory_space<vmem>>
    %dma_start3A_1040 = tpu.memref_slice %arg2[%add3A_1028] : memref<819200xi32, #tpu.memory_space<hbm>> -> memref<1600xi32, #tpu.memory_space<hbm>>
    tpu.enqueue_dma source(%dma_start3A_1040 : memref<1600xi32, #tpu.memory_space<hbm>>) target(%dma_start3A_1039 : memref<1600xi32, #tpu.memory_space<vmem>>) target_semaphore(%dma_start3A_1036 : memref<!tpu.dma_semaphore, #tpu.memory_space<semaphore_mem>>)
    %add3A_1041 = arith.constant 14400 : i32
    %add3A_1042 = arith.addi %mul3A_2, %add3A_1041 : i32
    %dma_wait3A_1043 = arith.constant 1 : i32
    %dma_wait3A_1044 = arith.constant 1 : i32
    %dma_wait3A_1045 = arith.constant 0 : i32
    %dma_wait3A_1046 = arith.constant 0 : i32
    %dma_wait3A_1047 = tpu.memref_slice %arg6[%dma_wait3A_1043, %dma_wait3A_1045, %dma_wait3A_1046] : memref<2x1600x32xf32, #tpu.memory_space<vmem>> -> memref<1x1600x32xf32, #tpu.memory_space<vmem>>
    %dma_wait3A_1048 = tpu.memref_squeeze %dma_wait3A_1047 : memref<1x1600x32xf32, #tpu.memory_space<vmem>> -> memref<1600x32xf32, #tpu.memory_space<vmem>>
    %dma_wait3A_1049 = arith.constant 0 : i32
    %dma_wait3A_1050 = tpu.memref_slice %arg4[%add3A_1042, %dma_wait3A_1049] : memref<819200x32xf32, #tpu.memory_space<hbm>> -> memref<1600x32xf32, #tpu.memory_space<hbm>>
    %dma_wait3A_1051 = tpu.memref_slice %arg9[%dma_wait3A_1044] : memref<2x!tpu.dma_semaphore, #tpu.memory_space<semaphore_mem>> -> memref<1x!tpu.dma_semaphore, #tpu.memory_space<semaphore_mem>>
    %dma_wait3A_1052 = tpu.memref_squeeze %dma_wait3A_1051 : memref<1x!tpu.dma_semaphore, #tpu.memory_space<semaphore_mem>> -> memref<!tpu.dma_semaphore, #tpu.memory_space<semaphore_mem>>
    %dma_wait3A_1053 = arith.constant 0 : i32
    %dma_wait3A_1054 = tpu.memref_slice %arg4[%add3A_1042, %dma_wait3A_1053] : memref<819200x32xf32, #tpu.memory_space<hbm>> -> memref<1600x32xf32, #tpu.memory_space<hbm>>
    %dma_wait3A_1055 = arith.constant 0 : i32
    %dma_wait3A_1056 = arith.constant 0 : i32
    %dma_wait3A_1057 = tpu.memref_slice %arg6[%dma_wait3A_1043, %dma_wait3A_1055, %dma_wait3A_1056] : memref<2x1600x32xf32, #tpu.memory_space<vmem>> -> memref<1x1600x32xf32, #tpu.memory_space<vmem>>
    %dma_wait3A_1058 = tpu.memref_squeeze %dma_wait3A_1057 : memref<1x1600x32xf32, #tpu.memory_space<vmem>> -> memref<1600x32xf32, #tpu.memory_space<vmem>>
    tpu.wait_dma2 semaphore(%dma_wait3A_1052 : memref<!tpu.dma_semaphore, #tpu.memory_space<semaphore_mem>>) src(%dma_wait3A_1058 : memref<1600x32xf32, #tpu.memory_space<vmem>>) dst(%dma_wait3A_1054 : memref<1600x32xf32, #tpu.memory_space<hbm>>)
    %dma_start3A_1059 = arith.constant 1 : i32
    %dma_start3A_1060 = arith.constant 1 : i32
    %dma_start3A_1061 = arith.constant 1 : i32
    %dma_start3A_1062 = arith.constant 0 : i32
    %dma_start3A_1063 = arith.constant 0 : i32
    %dma_start3A_1064 = tpu.memref_slice %arg6[%dma_start3A_1060, %dma_start3A_1062, %dma_start3A_1063] : memref<2x1600x32xf32, #tpu.memory_space<vmem>> -> memref<1x1600x32xf32, #tpu.memory_space<vmem>>
    %dma_start3A_1065 = tpu.memref_squeeze %dma_start3A_1064 : memref<1x1600x32xf32, #tpu.memory_space<vmem>> -> memref<1600x32xf32, #tpu.memory_space<vmem>>
    %dma_start3A_1066 = arith.constant 0 : i32
    %dma_start3A_1067 = tpu.memref_slice %arg5[%dma_start3A_1059, %dma_start3A_1066] : memref<2x1600xi32, #tpu.memory_space<vmem>> -> memref<1x1600xi32, #tpu.memory_space<vmem>>
    %dma_start3A_1068 = tpu.memref_squeeze %dma_start3A_1067 : memref<1x1600xi32, #tpu.memory_space<vmem>> -> memref<1600xi32, #tpu.memory_space<vmem>>
    %dma_start3A_1069 = arith.constant 0 : i32
    %dma_start3A_1070 = arith.constant 0 : i32
    %dma_start3A_1071 = tpu.memref_slice %arg3[%dma_start3A_1069, %dma_start3A_1070] : memref<1000000x32xf32, #tpu.memory_space<hbm>> -> memref<1000000x32xf32, #tpu.memory_space<hbm>>
    %dma_start3A_1072 = tpu.memref_slice %arg8[%dma_start3A_1061] : memref<2x!tpu.dma_semaphore, #tpu.memory_space<semaphore_mem>> -> memref<1x!tpu.dma_semaphore, #tpu.memory_space<semaphore_mem>>
    %dma_start3A_1073 = tpu.memref_squeeze %dma_start3A_1072 : memref<1x!tpu.dma_semaphore, #tpu.memory_space<semaphore_mem>> -> memref<!tpu.dma_semaphore, #tpu.memory_space<semaphore_mem>>
    tpu.enqueue_indirect_dma source(%dma_start3A_1071 : memref<1000000x32xf32, #tpu.memory_space<hbm>>) target(%dma_start3A_1065 : memref<1600x32xf32, #tpu.memory_space<vmem>>) offsets(%dma_start3A_1068 : memref<1600xi32, #tpu.memory_space<vmem>>) semaphore(%dma_start3A_1073 : memref<!tpu.dma_semaphore, #tpu.memory_space<semaphore_mem>>)
    %dma_wait3A_1074 = arith.constant 1 : i32
    %dma_wait3A_1075 = arith.constant 1 : i32
    %dma_wait3A_1076 = arith.constant 1 : i32
    %dma_wait3A_1077 = arith.constant 0 : i32
    %dma_wait3A_1078 = arith.constant 0 : i32
    %dma_wait3A_1079 = tpu.memref_slice %arg6[%dma_wait3A_1075, %dma_wait3A_1077, %dma_wait3A_1078] : memref<2x1600x32xf32, #tpu.memory_space<vmem>> -> memref<1x1600x32xf32, #tpu.memory_space<vmem>>
    %dma_wait3A_1080 = tpu.memref_squeeze %dma_wait3A_1079 : memref<1x1600x32xf32, #tpu.memory_space<vmem>> -> memref<1600x32xf32, #tpu.memory_space<vmem>>
    %dma_wait3A_1081 = arith.constant 0 : i32
    %dma_wait3A_1082 = tpu.memref_slice %arg5[%dma_wait3A_1074, %dma_wait3A_1081] : memref<2x1600xi32, #tpu.memory_space<vmem>> -> memref<1x1600xi32, #tpu.memory_space<vmem>>
    %dma_wait3A_1083 = tpu.memref_squeeze %dma_wait3A_1082 : memref<1x1600xi32, #tpu.memory_space<vmem>> -> memref<1600xi32, #tpu.memory_space<vmem>>
    %dma_wait3A_1084 = arith.constant 0 : i32
    %dma_wait3A_1085 = arith.constant 0 : i32
    %dma_wait3A_1086 = tpu.memref_slice %arg3[%dma_wait3A_1084, %dma_wait3A_1085] : memref<1000000x32xf32, #tpu.memory_space<hbm>> -> memref<1000000x32xf32, #tpu.memory_space<hbm>>
    %dma_wait3A_1087 = tpu.memref_slice %arg8[%dma_wait3A_1076] : memref<2x!tpu.dma_semaphore, #tpu.memory_space<semaphore_mem>> -> memref<1x!tpu.dma_semaphore, #tpu.memory_space<semaphore_mem>>
    %dma_wait3A_1088 = tpu.memref_squeeze %dma_wait3A_1087 : memref<1x!tpu.dma_semaphore, #tpu.memory_space<semaphore_mem>> -> memref<!tpu.dma_semaphore, #tpu.memory_space<semaphore_mem>>
    tpu.wait_indirect_dma semaphore(%dma_wait3A_1088 : memref<!tpu.dma_semaphore, #tpu.memory_space<semaphore_mem>>) src(%dma_wait3A_1086 : memref<1000000x32xf32, #tpu.memory_space<hbm>>) dst(%dma_wait3A_1080 : memref<1600x32xf32, #tpu.memory_space<vmem>>)
    %add3A_1089 = arith.constant 17600 : i32
    %add3A_1090 = arith.addi %mul3A_2, %add3A_1089 : i32
    %dma_start3A_1091 = arith.constant 1 : i32
    %dma_start3A_1092 = arith.constant 1 : i32
    %dma_start3A_1093 = arith.constant 0 : i32
    %dma_start3A_1094 = arith.constant 0 : i32
    %dma_start3A_1095 = tpu.memref_slice %arg6[%dma_start3A_1091, %dma_start3A_1093, %dma_start3A_1094] : memref<2x1600x32xf32, #tpu.memory_space<vmem>> -> memref<1x1600x32xf32, #tpu.memory_space<vmem>>
    %dma_start3A_1096 = tpu.memref_squeeze %dma_start3A_1095 : memref<1x1600x32xf32, #tpu.memory_space<vmem>> -> memref<1600x32xf32, #tpu.memory_space<vmem>>
    %dma_start3A_1097 = arith.constant 0 : i32
    %dma_start3A_1098 = tpu.memref_slice %arg4[%add3A_1090, %dma_start3A_1097] : memref<819200x32xf32, #tpu.memory_space<hbm>> -> memref<1600x32xf32, #tpu.memory_space<hbm>>
    %dma_start3A_1099 = tpu.memref_slice %arg9[%dma_start3A_1092] : memref<2x!tpu.dma_semaphore, #tpu.memory_space<semaphore_mem>> -> memref<1x!tpu.dma_semaphore, #tpu.memory_space<semaphore_mem>>
    %dma_start3A_1100 = tpu.memref_squeeze %dma_start3A_1099 : memref<1x!tpu.dma_semaphore, #tpu.memory_space<semaphore_mem>> -> memref<!tpu.dma_semaphore, #tpu.memory_space<semaphore_mem>>
    %dma_start3A_1101 = arith.constant 0 : i32
    %dma_start3A_1102 = tpu.memref_slice %arg4[%add3A_1090, %dma_start3A_1101] : memref<819200x32xf32, #tpu.memory_space<hbm>> -> memref<1600x32xf32, #tpu.memory_space<hbm>>
    %dma_start3A_1103 = arith.constant 0 : i32
    %dma_start3A_1104 = arith.constant 0 : i32
    %dma_start3A_1105 = tpu.memref_slice %arg6[%dma_start3A_1091, %dma_start3A_1103, %dma_start3A_1104] : memref<2x1600x32xf32, #tpu.memory_space<vmem>> -> memref<1x1600x32xf32, #tpu.memory_space<vmem>>
    %dma_start3A_1106 = tpu.memref_squeeze %dma_start3A_1105 : memref<1x1600x32xf32, #tpu.memory_space<vmem>> -> memref<1600x32xf32, #tpu.memory_space<vmem>>
    tpu.enqueue_dma source(%dma_start3A_1106 : memref<1600x32xf32, #tpu.memory_space<vmem>>) target(%dma_start3A_1102 : memref<1600x32xf32, #tpu.memory_space<hbm>>) target_semaphore(%dma_start3A_1100 : memref<!tpu.dma_semaphore, #tpu.memory_space<semaphore_mem>>)
    %add3A_1107 = arith.constant 19200 : i32
    %add3A_1108 = arith.addi %mul3A_2, %add3A_1107 : i32
    %dma_wait3A_1109 = arith.constant 0 : i32
    %dma_wait3A_1110 = arith.constant 0 : i32
    %dma_wait3A_1111 = arith.constant 0 : i32
    %dma_wait3A_1112 = tpu.memref_slice %arg5[%dma_wait3A_1109, %dma_wait3A_1111] : memref<2x1600xi32, #tpu.memory_space<vmem>> -> memref<1x1600xi32, #tpu.memory_space<vmem>>
    %dma_wait3A_1113 = tpu.memref_squeeze %dma_wait3A_1112 : memref<1x1600xi32, #tpu.memory_space<vmem>> -> memref<1600xi32, #tpu.memory_space<vmem>>
    %dma_wait3A_1114 = tpu.memref_slice %arg2[%add3A_1108] : memref<819200xi32, #tpu.memory_space<hbm>> -> memref<1600xi32, #tpu.memory_space<hbm>>
    %dma_wait3A_1115 = tpu.memref_slice %arg7[%dma_wait3A_1110] : memref<2x!tpu.dma_semaphore, #tpu.memory_space<semaphore_mem>> -> memref<1x!tpu.dma_semaphore, #tpu.memory_space<semaphore_mem>>
    %dma_wait3A_1116 = tpu.memref_squeeze %dma_wait3A_1115 : memref<1x!tpu.dma_semaphore, #tpu.memory_space<semaphore_mem>> -> memref<!tpu.dma_semaphore, #tpu.memory_space<semaphore_mem>>
    %dma_wait3A_1117 = arith.constant 0 : i32
    %dma_wait3A_1118 = tpu.memref_slice %arg5[%dma_wait3A_1109, %dma_wait3A_1117] : memref<2x1600xi32, #tpu.memory_space<vmem>> -> memref<1x1600xi32, #tpu.memory_space<vmem>>
    %dma_wait3A_1119 = tpu.memref_squeeze %dma_wait3A_1118 : memref<1x1600xi32, #tpu.memory_space<vmem>> -> memref<1600xi32, #tpu.memory_space<vmem>>
    %dma_wait3A_1120 = tpu.memref_slice %arg2[%add3A_1108] : memref<819200xi32, #tpu.memory_space<hbm>> -> memref<1600xi32, #tpu.memory_space<hbm>>
    tpu.wait_dma2 semaphore(%dma_wait3A_1116 : memref<!tpu.dma_semaphore, #tpu.memory_space<semaphore_mem>>) src(%dma_wait3A_1120 : memref<1600xi32, #tpu.memory_space<hbm>>) dst(%dma_wait3A_1119 : memref<1600xi32, #tpu.memory_space<vmem>>)
    %add3A_1121 = arith.constant 20800 : i32
    %add3A_1122 = arith.addi %mul3A_2, %add3A_1121 : i32
    %dma_start3A_1123 = arith.constant 1 : i32
    %dma_start3A_1124 = arith.constant 1 : i32
    %dma_start3A_1125 = arith.constant 0 : i32
    %dma_start3A_1126 = tpu.memref_slice %arg5[%dma_start3A_1123, %dma_start3A_1125] : memref<2x1600xi32, #tpu.memory_space<vmem>> -> memref<1x1600xi32, #tpu.memory_space<vmem>>
    %dma_start3A_1127 = tpu.memref_squeeze %dma_start3A_1126 : memref<1x1600xi32, #tpu.memory_space<vmem>> -> memref<1600xi32, #tpu.memory_space<vmem>>
    %dma_start3A_1128 = tpu.memref_slice %arg2[%add3A_1122] : memref<819200xi32, #tpu.memory_space<hbm>> -> memref<1600xi32, #tpu.memory_space<hbm>>
    %dma_start3A_1129 = tpu.memref_slice %arg7[%dma_start3A_1124] : memref<2x!tpu.dma_semaphore, #tpu.memory_space<semaphore_mem>> -> memref<1x!tpu.dma_semaphore, #tpu.memory_space<semaphore_mem>>
    %dma_start3A_1130 = tpu.memref_squeeze %dma_start3A_1129 : memref<1x!tpu.dma_semaphore, #tpu.memory_space<semaphore_mem>> -> memref<!tpu.dma_semaphore, #tpu.memory_space<semaphore_mem>>
    %dma_start3A_1131 = arith.constant 0 : i32
    %dma_start3A_1132 = tpu.memref_slice %arg5[%dma_start3A_1123, %dma_start3A_1131] : memref<2x1600xi32, #tpu.memory_space<vmem>> -> memref<1x1600xi32, #tpu.memory_space<vmem>>
    %dma_start3A_1133 = tpu.memref_squeeze %dma_start3A_1132 : memref<1x1600xi32, #tpu.memory_space<vmem>> -> memref<1600xi32, #tpu.memory_space<vmem>>
    %dma_start3A_1134 = tpu.memref_slice %arg2[%add3A_1122] : memref<819200xi32, #tpu.memory_space<hbm>> -> memref<1600xi32, #tpu.memory_space<hbm>>
    tpu.enqueue_dma source(%dma_start3A_1134 : memref<1600xi32, #tpu.memory_space<hbm>>) target(%dma_start3A_1133 : memref<1600xi32, #tpu.memory_space<vmem>>) target_semaphore(%dma_start3A_1130 : memref<!tpu.dma_semaphore, #tpu.memory_space<semaphore_mem>>)
    %add3A_1135 = arith.constant 16000 : i32
    %add3A_1136 = arith.addi %mul3A_2, %add3A_1135 : i32
    %dma_wait3A_1137 = arith.constant 0 : i32
    %dma_wait3A_1138 = arith.constant 0 : i32
    %dma_wait3A_1139 = arith.constant 0 : i32
    %dma_wait3A_1140 = arith.constant 0 : i32
    %dma_wait3A_1141 = tpu.memref_slice %arg6[%dma_wait3A_1137, %dma_wait3A_1139, %dma_wait3A_1140] : memref<2x1600x32xf32, #tpu.memory_space<vmem>> -> memref<1x1600x32xf32, #tpu.memory_space<vmem>>
    %dma_wait3A_1142 = tpu.memref_squeeze %dma_wait3A_1141 : memref<1x1600x32xf32, #tpu.memory_space<vmem>> -> memref<1600x32xf32, #tpu.memory_space<vmem>>
    %dma_wait3A_1143 = arith.constant 0 : i32
    %dma_wait3A_1144 = tpu.memref_slice %arg4[%add3A_1136, %dma_wait3A_1143] : memref<819200x32xf32, #tpu.memory_space<hbm>> -> memref<1600x32xf32, #tpu.memory_space<hbm>>
    %dma_wait3A_1145 = tpu.memref_slice %arg9[%dma_wait3A_1138] : memref<2x!tpu.dma_semaphore, #tpu.memory_space<semaphore_mem>> -> memref<1x!tpu.dma_semaphore, #tpu.memory_space<semaphore_mem>>
    %dma_wait3A_1146 = tpu.memref_squeeze %dma_wait3A_1145 : memref<1x!tpu.dma_semaphore, #tpu.memory_space<semaphore_mem>> -> memref<!tpu.dma_semaphore, #tpu.memory_space<semaphore_mem>>
    %dma_wait3A_1147 = arith.constant 0 : i32
    %dma_wait3A_1148 = tpu.memref_slice %arg4[%add3A_1136, %dma_wait3A_1147] : memref<819200x32xf32, #tpu.memory_space<hbm>> -> memref<1600x32xf32, #tpu.memory_space<hbm>>
    %dma_wait3A_1149 = arith.constant 0 : i32
    %dma_wait3A_1150 = arith.constant 0 : i32
    %dma_wait3A_1151 = tpu.memref_slice %arg6[%dma_wait3A_1137, %dma_wait3A_1149, %dma_wait3A_1150] : memref<2x1600x32xf32, #tpu.memory_space<vmem>> -> memref<1x1600x32xf32, #tpu.memory_space<vmem>>
    %dma_wait3A_1152 = tpu.memref_squeeze %dma_wait3A_1151 : memref<1x1600x32xf32, #tpu.memory_space<vmem>> -> memref<1600x32xf32, #tpu.memory_space<vmem>>
    tpu.wait_dma2 semaphore(%dma_wait3A_1146 : memref<!tpu.dma_semaphore, #tpu.memory_space<semaphore_mem>>) src(%dma_wait3A_1152 : memref<1600x32xf32, #tpu.memory_space<vmem>>) dst(%dma_wait3A_1148 : memref<1600x32xf32, #tpu.memory_space<hbm>>)
    %dma_start3A_1153 = arith.constant 0 : i32
    %dma_start3A_1154 = arith.constant 0 : i32
    %dma_start3A_1155 = arith.constant 0 : i32
    %dma_start3A_1156 = arith.constant 0 : i32
    %dma_start3A_1157 = arith.constant 0 : i32
    %dma_start3A_1158 = tpu.memref_slice %arg6[%dma_start3A_1154, %dma_start3A_1156, %dma_start3A_1157] : memref<2x1600x32xf32, #tpu.memory_space<vmem>> -> memref<1x1600x32xf32, #tpu.memory_space<vmem>>
    %dma_start3A_1159 = tpu.memref_squeeze %dma_start3A_1158 : memref<1x1600x32xf32, #tpu.memory_space<vmem>> -> memref<1600x32xf32, #tpu.memory_space<vmem>>
    %dma_start3A_1160 = arith.constant 0 : i32
    %dma_start3A_1161 = tpu.memref_slice %arg5[%dma_start3A_1153, %dma_start3A_1160] : memref<2x1600xi32, #tpu.memory_space<vmem>> -> memref<1x1600xi32, #tpu.memory_space<vmem>>
    %dma_start3A_1162 = tpu.memref_squeeze %dma_start3A_1161 : memref<1x1600xi32, #tpu.memory_space<vmem>> -> memref<1600xi32, #tpu.memory_space<vmem>>
    %dma_start3A_1163 = arith.constant 0 : i32
    %dma_start3A_1164 = arith.constant 0 : i32
    %dma_start3A_1165 = tpu.memref_slice %arg3[%dma_start3A_1163, %dma_start3A_1164] : memref<1000000x32xf32, #tpu.memory_space<hbm>> -> memref<1000000x32xf32, #tpu.memory_space<hbm>>
    %dma_start3A_1166 = tpu.memref_slice %arg8[%dma_start3A_1155] : memref<2x!tpu.dma_semaphore, #tpu.memory_space<semaphore_mem>> -> memref<1x!tpu.dma_semaphore, #tpu.memory_space<semaphore_mem>>
    %dma_start3A_1167 = tpu.memref_squeeze %dma_start3A_1166 : memref<1x!tpu.dma_semaphore, #tpu.memory_space<semaphore_mem>> -> memref<!tpu.dma_semaphore, #tpu.memory_space<semaphore_mem>>
    tpu.enqueue_indirect_dma source(%dma_start3A_1165 : memref<1000000x32xf32, #tpu.memory_space<hbm>>) target(%dma_start3A_1159 : memref<1600x32xf32, #tpu.memory_space<vmem>>) offsets(%dma_start3A_1162 : memref<1600xi32, #tpu.memory_space<vmem>>) semaphore(%dma_start3A_1167 : memref<!tpu.dma_semaphore, #tpu.memory_space<semaphore_mem>>)
    %dma_wait3A_1168 = arith.constant 0 : i32
    %dma_wait3A_1169 = arith.constant 0 : i32
    %dma_wait3A_1170 = arith.constant 0 : i32
    %dma_wait3A_1171 = arith.constant 0 : i32
    %dma_wait3A_1172 = arith.constant 0 : i32
    %dma_wait3A_1173 = tpu.memref_slice %arg6[%dma_wait3A_1169, %dma_wait3A_1171, %dma_wait3A_1172] : memref<2x1600x32xf32, #tpu.memory_space<vmem>> -> memref<1x1600x32xf32, #tpu.memory_space<vmem>>
    %dma_wait3A_1174 = tpu.memref_squeeze %dma_wait3A_1173 : memref<1x1600x32xf32, #tpu.memory_space<vmem>> -> memref<1600x32xf32, #tpu.memory_space<vmem>>
    %dma_wait3A_1175 = arith.constant 0 : i32
    %dma_wait3A_1176 = tpu.memref_slice %arg5[%dma_wait3A_1168, %dma_wait3A_1175] : memref<2x1600xi32, #tpu.memory_space<vmem>> -> memref<1x1600xi32, #tpu.memory_space<vmem>>
    %dma_wait3A_1177 = tpu.memref_squeeze %dma_wait3A_1176 : memref<1x1600xi32, #tpu.memory_space<vmem>> -> memref<1600xi32, #tpu.memory_space<vmem>>
    %dma_wait3A_1178 = arith.constant 0 : i32
    %dma_wait3A_1179 = arith.constant 0 : i32
    %dma_wait3A_1180 = tpu.memref_slice %arg3[%dma_wait3A_1178, %dma_wait3A_1179] : memref<1000000x32xf32, #tpu.memory_space<hbm>> -> memref<1000000x32xf32, #tpu.memory_space<hbm>>
    %dma_wait3A_1181 = tpu.memref_slice %arg8[%dma_wait3A_1170] : memref<2x!tpu.dma_semaphore, #tpu.memory_space<semaphore_mem>> -> memref<1x!tpu.dma_semaphore, #tpu.memory_space<semaphore_mem>>
    %dma_wait3A_1182 = tpu.memref_squeeze %dma_wait3A_1181 : memref<1x!tpu.dma_semaphore, #tpu.memory_space<semaphore_mem>> -> memref<!tpu.dma_semaphore, #tpu.memory_space<semaphore_mem>>
    tpu.wait_indirect_dma semaphore(%dma_wait3A_1182 : memref<!tpu.dma_semaphore, #tpu.memory_space<semaphore_mem>>) src(%dma_wait3A_1180 : memref<1000000x32xf32, #tpu.memory_space<hbm>>) dst(%dma_wait3A_1174 : memref<1600x32xf32, #tpu.memory_space<vmem>>)
    %add3A_1183 = arith.constant 19200 : i32
    %add3A_1184 = arith.addi %mul3A_2, %add3A_1183 : i32
    %dma_start3A_1185 = arith.constant 0 : i32
    %dma_start3A_1186 = arith.constant 0 : i32
    %dma_start3A_1187 = arith.constant 0 : i32
    %dma_start3A_1188 = arith.constant 0 : i32
    %dma_start3A_1189 = tpu.memref_slice %arg6[%dma_start3A_1185, %dma_start3A_1187, %dma_start3A_1188] : memref<2x1600x32xf32, #tpu.memory_space<vmem>> -> memref<1x1600x32xf32, #tpu.memory_space<vmem>>
    %dma_start3A_1190 = tpu.memref_squeeze %dma_start3A_1189 : memref<1x1600x32xf32, #tpu.memory_space<vmem>> -> memref<1600x32xf32, #tpu.memory_space<vmem>>
    %dma_start3A_1191 = arith.constant 0 : i32
    %dma_start3A_1192 = tpu.memref_slice %arg4[%add3A_1184, %dma_start3A_1191] : memref<819200x32xf32, #tpu.memory_space<hbm>> -> memref<1600x32xf32, #tpu.memory_space<hbm>>
    %dma_start3A_1193 = tpu.memref_slice %arg9[%dma_start3A_1186] : memref<2x!tpu.dma_semaphore, #tpu.memory_space<semaphore_mem>> -> memref<1x!tpu.dma_semaphore, #tpu.memory_space<semaphore_mem>>
    %dma_start3A_1194 = tpu.memref_squeeze %dma_start3A_1193 : memref<1x!tpu.dma_semaphore, #tpu.memory_space<semaphore_mem>> -> memref<!tpu.dma_semaphore, #tpu.memory_space<semaphore_mem>>
    %dma_start3A_1195 = arith.constant 0 : i32
    %dma_start3A_1196 = tpu.memref_slice %arg4[%add3A_1184, %dma_start3A_1195] : memref<819200x32xf32, #tpu.memory_space<hbm>> -> memref<1600x32xf32, #tpu.memory_space<hbm>>
    %dma_start3A_1197 = arith.constant 0 : i32
    %dma_start3A_1198 = arith.constant 0 : i32
    %dma_start3A_1199 = tpu.memref_slice %arg6[%dma_start3A_1185, %dma_start3A_1197, %dma_start3A_1198] : memref<2x1600x32xf32, #tpu.memory_space<vmem>> -> memref<1x1600x32xf32, #tpu.memory_space<vmem>>
    %dma_start3A_1200 = tpu.memref_squeeze %dma_start3A_1199 : memref<1x1600x32xf32, #tpu.memory_space<vmem>> -> memref<1600x32xf32, #tpu.memory_space<vmem>>
    tpu.enqueue_dma source(%dma_start3A_1200 : memref<1600x32xf32, #tpu.memory_space<vmem>>) target(%dma_start3A_1196 : memref<1600x32xf32, #tpu.memory_space<hbm>>) target_semaphore(%dma_start3A_1194 : memref<!tpu.dma_semaphore, #tpu.memory_space<semaphore_mem>>)
    %add3A_1201 = arith.constant 20800 : i32
    %add3A_1202 = arith.addi %mul3A_2, %add3A_1201 : i32
    %dma_wait3A_1203 = arith.constant 1 : i32
    %dma_wait3A_1204 = arith.constant 1 : i32
    %dma_wait3A_1205 = arith.constant 0 : i32
    %dma_wait3A_1206 = tpu.memref_slice %arg5[%dma_wait3A_1203, %dma_wait3A_1205] : memref<2x1600xi32, #tpu.memory_space<vmem>> -> memref<1x1600xi32, #tpu.memory_space<vmem>>
    %dma_wait3A_1207 = tpu.memref_squeeze %dma_wait3A_1206 : memref<1x1600xi32, #tpu.memory_space<vmem>> -> memref<1600xi32, #tpu.memory_space<vmem>>
    %dma_wait3A_1208 = tpu.memref_slice %arg2[%add3A_1202] : memref<819200xi32, #tpu.memory_space<hbm>> -> memref<1600xi32, #tpu.memory_space<hbm>>
    %dma_wait3A_1209 = tpu.memref_slice %arg7[%dma_wait3A_1204] : memref<2x!tpu.dma_semaphore, #tpu.memory_space<semaphore_mem>> -> memref<1x!tpu.dma_semaphore, #tpu.memory_space<semaphore_mem>>
    %dma_wait3A_1210 = tpu.memref_squeeze %dma_wait3A_1209 : memref<1x!tpu.dma_semaphore, #tpu.memory_space<semaphore_mem>> -> memref<!tpu.dma_semaphore, #tpu.memory_space<semaphore_mem>>
    %dma_wait3A_1211 = arith.constant 0 : i32
    %dma_wait3A_1212 = tpu.memref_slice %arg5[%dma_wait3A_1203, %dma_wait3A_1211] : memref<2x1600xi32, #tpu.memory_space<vmem>> -> memref<1x1600xi32, #tpu.memory_space<vmem>>
    %dma_wait3A_1213 = tpu.memref_squeeze %dma_wait3A_1212 : memref<1x1600xi32, #tpu.memory_space<vmem>> -> memref<1600xi32, #tpu.memory_space<vmem>>
    %dma_wait3A_1214 = tpu.memref_slice %arg2[%add3A_1202] : memref<819200xi32, #tpu.memory_space<hbm>> -> memref<1600xi32, #tpu.memory_space<hbm>>
    tpu.wait_dma2 semaphore(%dma_wait3A_1210 : memref<!tpu.dma_semaphore, #tpu.memory_space<semaphore_mem>>) src(%dma_wait3A_1214 : memref<1600xi32, #tpu.memory_space<hbm>>) dst(%dma_wait3A_1213 : memref<1600xi32, #tpu.memory_space<vmem>>)
    %add3A_1215 = arith.constant 22400 : i32
    %add3A_1216 = arith.addi %mul3A_2, %add3A_1215 : i32
    %dma_start3A_1217 = arith.constant 0 : i32
    %dma_start3A_1218 = arith.constant 0 : i32
    %dma_start3A_1219 = arith.constant 0 : i32
    %dma_start3A_1220 = tpu.memref_slice %arg5[%dma_start3A_1217, %dma_start3A_1219] : memref<2x1600xi32, #tpu.memory_space<vmem>> -> memref<1x1600xi32, #tpu.memory_space<vmem>>
    %dma_start3A_1221 = tpu.memref_squeeze %dma_start3A_1220 : memref<1x1600xi32, #tpu.memory_space<vmem>> -> memref<1600xi32, #tpu.memory_space<vmem>>
    %dma_start3A_1222 = tpu.memref_slice %arg2[%add3A_1216] : memref<819200xi32, #tpu.memory_space<hbm>> -> memref<1600xi32, #tpu.memory_space<hbm>>
    %dma_start3A_1223 = tpu.memref_slice %arg7[%dma_start3A_1218] : memref<2x!tpu.dma_semaphore, #tpu.memory_space<semaphore_mem>> -> memref<1x!tpu.dma_semaphore, #tpu.memory_space<semaphore_mem>>
    %dma_start3A_1224 = tpu.memref_squeeze %dma_start3A_1223 : memref<1x!tpu.dma_semaphore, #tpu.memory_space<semaphore_mem>> -> memref<!tpu.dma_semaphore, #tpu.memory_space<semaphore_mem>>
    %dma_start3A_1225 = arith.constant 0 : i32
    %dma_start3A_1226 = tpu.memref_slice %arg5[%dma_start3A_1217, %dma_start3A_1225] : memref<2x1600xi32, #tpu.memory_space<vmem>> -> memref<1x1600xi32, #tpu.memory_space<vmem>>
    %dma_start3A_1227 = tpu.memref_squeeze %dma_start3A_1226 : memref<1x1600xi32, #tpu.memory_space<vmem>> -> memref<1600xi32, #tpu.memory_space<vmem>>
    %dma_start3A_1228 = tpu.memref_slice %arg2[%add3A_1216] : memref<819200xi32, #tpu.memory_space<hbm>> -> memref<1600xi32, #tpu.memory_space<hbm>>
    tpu.enqueue_dma source(%dma_start3A_1228 : memref<1600xi32, #tpu.memory_space<hbm>>) target(%dma_start3A_1227 : memref<1600xi32, #tpu.memory_space<vmem>>) target_semaphore(%dma_start3A_1224 : memref<!tpu.dma_semaphore, #tpu.memory_space<semaphore_mem>>)
    %add3A_1229 = arith.constant 17600 : i32
    %add3A_1230 = arith.addi %mul3A_2, %add3A_1229 : i32
    %dma_wait3A_1231 = arith.constant 1 : i32
    %dma_wait3A_1232 = arith.constant 1 : i32
    %dma_wait3A_1233 = arith.constant 0 : i32
    %dma_wait3A_1234 = arith.constant 0 : i32
    %dma_wait3A_1235 = tpu.memref_slice %arg6[%dma_wait3A_1231, %dma_wait3A_1233, %dma_wait3A_1234] : memref<2x1600x32xf32, #tpu.memory_space<vmem>> -> memref<1x1600x32xf32, #tpu.memory_space<vmem>>
    %dma_wait3A_1236 = tpu.memref_squeeze %dma_wait3A_1235 : memref<1x1600x32xf32, #tpu.memory_space<vmem>> -> memref<1600x32xf32, #tpu.memory_space<vmem>>
    %dma_wait3A_1237 = arith.constant 0 : i32
    %dma_wait3A_1238 = tpu.memref_slice %arg4[%add3A_1230, %dma_wait3A_1237] : memref<819200x32xf32, #tpu.memory_space<hbm>> -> memref<1600x32xf32, #tpu.memory_space<hbm>>
    %dma_wait3A_1239 = tpu.memref_slice %arg9[%dma_wait3A_1232] : memref<2x!tpu.dma_semaphore, #tpu.memory_space<semaphore_mem>> -> memref<1x!tpu.dma_semaphore, #tpu.memory_space<semaphore_mem>>
    %dma_wait3A_1240 = tpu.memref_squeeze %dma_wait3A_1239 : memref<1x!tpu.dma_semaphore, #tpu.memory_space<semaphore_mem>> -> memref<!tpu.dma_semaphore, #tpu.memory_space<semaphore_mem>>
    %dma_wait3A_1241 = arith.constant 0 : i32
    %dma_wait3A_1242 = tpu.memref_slice %arg4[%add3A_1230, %dma_wait3A_1241] : memref<819200x32xf32, #tpu.memory_space<hbm>> -> memref<1600x32xf32, #tpu.memory_space<hbm>>
    %dma_wait3A_1243 = arith.constant 0 : i32
    %dma_wait3A_1244 = arith.constant 0 : i32
    %dma_wait3A_1245 = tpu.memref_slice %arg6[%dma_wait3A_1231, %dma_wait3A_1243, %dma_wait3A_1244] : memref<2x1600x32xf32, #tpu.memory_space<vmem>> -> memref<1x1600x32xf32, #tpu.memory_space<vmem>>
    %dma_wait3A_1246 = tpu.memref_squeeze %dma_wait3A_1245 : memref<1x1600x32xf32, #tpu.memory_space<vmem>> -> memref<1600x32xf32, #tpu.memory_space<vmem>>
    tpu.wait_dma2 semaphore(%dma_wait3A_1240 : memref<!tpu.dma_semaphore, #tpu.memory_space<semaphore_mem>>) src(%dma_wait3A_1246 : memref<1600x32xf32, #tpu.memory_space<vmem>>) dst(%dma_wait3A_1242 : memref<1600x32xf32, #tpu.memory_space<hbm>>)
    %dma_start3A_1247 = arith.constant 1 : i32
    %dma_start3A_1248 = arith.constant 1 : i32
    %dma_start3A_1249 = arith.constant 1 : i32
    %dma_start3A_1250 = arith.constant 0 : i32
    %dma_start3A_1251 = arith.constant 0 : i32
    %dma_start3A_1252 = tpu.memref_slice %arg6[%dma_start3A_1248, %dma_start3A_1250, %dma_start3A_1251] : memref<2x1600x32xf32, #tpu.memory_space<vmem>> -> memref<1x1600x32xf32, #tpu.memory_space<vmem>>
    %dma_start3A_1253 = tpu.memref_squeeze %dma_start3A_1252 : memref<1x1600x32xf32, #tpu.memory_space<vmem>> -> memref<1600x32xf32, #tpu.memory_space<vmem>>
    %dma_start3A_1254 = arith.constant 0 : i32
    %dma_start3A_1255 = tpu.memref_slice %arg5[%dma_start3A_1247, %dma_start3A_1254] : memref<2x1600xi32, #tpu.memory_space<vmem>> -> memref<1x1600xi32, #tpu.memory_space<vmem>>
    %dma_start3A_1256 = tpu.memref_squeeze %dma_start3A_1255 : memref<1x1600xi32, #tpu.memory_space<vmem>> -> memref<1600xi32, #tpu.memory_space<vmem>>
    %dma_start3A_1257 = arith.constant 0 : i32
    %dma_start3A_1258 = arith.constant 0 : i32
    %dma_start3A_1259 = tpu.memref_slice %arg3[%dma_start3A_1257, %dma_start3A_1258] : memref<1000000x32xf32, #tpu.memory_space<hbm>> -> memref<1000000x32xf32, #tpu.memory_space<hbm>>
    %dma_start3A_1260 = tpu.memref_slice %arg8[%dma_start3A_1249] : memref<2x!tpu.dma_semaphore, #tpu.memory_space<semaphore_mem>> -> memref<1x!tpu.dma_semaphore, #tpu.memory_space<semaphore_mem>>
    %dma_start3A_1261 = tpu.memref_squeeze %dma_start3A_1260 : memref<1x!tpu.dma_semaphore, #tpu.memory_space<semaphore_mem>> -> memref<!tpu.dma_semaphore, #tpu.memory_space<semaphore_mem>>
    tpu.enqueue_indirect_dma source(%dma_start3A_1259 : memref<1000000x32xf32, #tpu.memory_space<hbm>>) target(%dma_start3A_1253 : memref<1600x32xf32, #tpu.memory_space<vmem>>) offsets(%dma_start3A_1256 : memref<1600xi32, #tpu.memory_space<vmem>>) semaphore(%dma_start3A_1261 : memref<!tpu.dma_semaphore, #tpu.memory_space<semaphore_mem>>)
    %dma_wait3A_1262 = arith.constant 1 : i32
    %dma_wait3A_1263 = arith.constant 1 : i32
    %dma_wait3A_1264 = arith.constant 1 : i32
    %dma_wait3A_1265 = arith.constant 0 : i32
    %dma_wait3A_1266 = arith.constant 0 : i32
    %dma_wait3A_1267 = tpu.memref_slice %arg6[%dma_wait3A_1263, %dma_wait3A_1265, %dma_wait3A_1266] : memref<2x1600x32xf32, #tpu.memory_space<vmem>> -> memref<1x1600x32xf32, #tpu.memory_space<vmem>>
    %dma_wait3A_1268 = tpu.memref_squeeze %dma_wait3A_1267 : memref<1x1600x32xf32, #tpu.memory_space<vmem>> -> memref<1600x32xf32, #tpu.memory_space<vmem>>
    %dma_wait3A_1269 = arith.constant 0 : i32
    %dma_wait3A_1270 = tpu.memref_slice %arg5[%dma_wait3A_1262, %dma_wait3A_1269] : memref<2x1600xi32, #tpu.memory_space<vmem>> -> memref<1x1600xi32, #tpu.memory_space<vmem>>
    %dma_wait3A_1271 = tpu.memref_squeeze %dma_wait3A_1270 : memref<1x1600xi32, #tpu.memory_space<vmem>> -> memref<1600xi32, #tpu.memory_space<vmem>>
    %dma_wait3A_1272 = arith.constant 0 : i32
    %dma_wait3A_1273 = arith.constant 0 : i32
    %dma_wait3A_1274 = tpu.memref_slice %arg3[%dma_wait3A_1272, %dma_wait3A_1273] : memref<1000000x32xf32, #tpu.memory_space<hbm>> -> memref<1000000x32xf32, #tpu.memory_space<hbm>>
    %dma_wait3A_1275 = tpu.memref_slice %arg8[%dma_wait3A_1264] : memref<2x!tpu.dma_semaphore, #tpu.memory_space<semaphore_mem>> -> memref<1x!tpu.dma_semaphore, #tpu.memory_space<semaphore_mem>>
    %dma_wait3A_1276 = tpu.memref_squeeze %dma_wait3A_1275 : memref<1x!tpu.dma_semaphore, #tpu.memory_space<semaphore_mem>> -> memref<!tpu.dma_semaphore, #tpu.memory_space<semaphore_mem>>
    tpu.wait_indirect_dma semaphore(%dma_wait3A_1276 : memref<!tpu.dma_semaphore, #tpu.memory_space<semaphore_mem>>) src(%dma_wait3A_1274 : memref<1000000x32xf32, #tpu.memory_space<hbm>>) dst(%dma_wait3A_1268 : memref<1600x32xf32, #tpu.memory_space<vmem>>)
    %add3A_1277 = arith.constant 20800 : i32
    %add3A_1278 = arith.addi %mul3A_2, %add3A_1277 : i32
    %dma_start3A_1279 = arith.constant 1 : i32
    %dma_start3A_1280 = arith.constant 1 : i32
    %dma_start3A_1281 = arith.constant 0 : i32
    %dma_start3A_1282 = arith.constant 0 : i32
    %dma_start3A_1283 = tpu.memref_slice %arg6[%dma_start3A_1279, %dma_start3A_1281, %dma_start3A_1282] : memref<2x1600x32xf32, #tpu.memory_space<vmem>> -> memref<1x1600x32xf32, #tpu.memory_space<vmem>>
    %dma_start3A_1284 = tpu.memref_squeeze %dma_start3A_1283 : memref<1x1600x32xf32, #tpu.memory_space<vmem>> -> memref<1600x32xf32, #tpu.memory_space<vmem>>
    %dma_start3A_1285 = arith.constant 0 : i32
    %dma_start3A_1286 = tpu.memref_slice %arg4[%add3A_1278, %dma_start3A_1285] : memref<819200x32xf32, #tpu.memory_space<hbm>> -> memref<1600x32xf32, #tpu.memory_space<hbm>>
    %dma_start3A_1287 = tpu.memref_slice %arg9[%dma_start3A_1280] : memref<2x!tpu.dma_semaphore, #tpu.memory_space<semaphore_mem>> -> memref<1x!tpu.dma_semaphore, #tpu.memory_space<semaphore_mem>>
    %dma_start3A_1288 = tpu.memref_squeeze %dma_start3A_1287 : memref<1x!tpu.dma_semaphore, #tpu.memory_space<semaphore_mem>> -> memref<!tpu.dma_semaphore, #tpu.memory_space<semaphore_mem>>
    %dma_start3A_1289 = arith.constant 0 : i32
    %dma_start3A_1290 = tpu.memref_slice %arg4[%add3A_1278, %dma_start3A_1289] : memref<819200x32xf32, #tpu.memory_space<hbm>> -> memref<1600x32xf32, #tpu.memory_space<hbm>>
    %dma_start3A_1291 = arith.constant 0 : i32
    %dma_start3A_1292 = arith.constant 0 : i32
    %dma_start3A_1293 = tpu.memref_slice %arg6[%dma_start3A_1279, %dma_start3A_1291, %dma_start3A_1292] : memref<2x1600x32xf32, #tpu.memory_space<vmem>> -> memref<1x1600x32xf32, #tpu.memory_space<vmem>>
    %dma_start3A_1294 = tpu.memref_squeeze %dma_start3A_1293 : memref<1x1600x32xf32, #tpu.memory_space<vmem>> -> memref<1600x32xf32, #tpu.memory_space<vmem>>
    tpu.enqueue_dma source(%dma_start3A_1294 : memref<1600x32xf32, #tpu.memory_space<vmem>>) target(%dma_start3A_1290 : memref<1600x32xf32, #tpu.memory_space<hbm>>) target_semaphore(%dma_start3A_1288 : memref<!tpu.dma_semaphore, #tpu.memory_space<semaphore_mem>>)
    %add3A_1295 = arith.constant 22400 : i32
    %add3A_1296 = arith.addi %mul3A_2, %add3A_1295 : i32
    %dma_wait3A_1297 = arith.constant 0 : i32
    %dma_wait3A_1298 = arith.constant 0 : i32
    %dma_wait3A_1299 = arith.constant 0 : i32
    %dma_wait3A_1300 = tpu.memref_slice %arg5[%dma_wait3A_1297, %dma_wait3A_1299] : memref<2x1600xi32, #tpu.memory_space<vmem>> -> memref<1x1600xi32, #tpu.memory_space<vmem>>
    %dma_wait3A_1301 = tpu.memref_squeeze %dma_wait3A_1300 : memref<1x1600xi32, #tpu.memory_space<vmem>> -> memref<1600xi32, #tpu.memory_space<vmem>>
    %dma_wait3A_1302 = tpu.memref_slice %arg2[%add3A_1296] : memref<819200xi32, #tpu.memory_space<hbm>> -> memref<1600xi32, #tpu.memory_space<hbm>>
    %dma_wait3A_1303 = tpu.memref_slice %arg7[%dma_wait3A_1298] : memref<2x!tpu.dma_semaphore, #tpu.memory_space<semaphore_mem>> -> memref<1x!tpu.dma_semaphore, #tpu.memory_space<semaphore_mem>>
    %dma_wait3A_1304 = tpu.memref_squeeze %dma_wait3A_1303 : memref<1x!tpu.dma_semaphore, #tpu.memory_space<semaphore_mem>> -> memref<!tpu.dma_semaphore, #tpu.memory_space<semaphore_mem>>
    %dma_wait3A_1305 = arith.constant 0 : i32
    %dma_wait3A_1306 = tpu.memref_slice %arg5[%dma_wait3A_1297, %dma_wait3A_1305] : memref<2x1600xi32, #tpu.memory_space<vmem>> -> memref<1x1600xi32, #tpu.memory_space<vmem>>
    %dma_wait3A_1307 = tpu.memref_squeeze %dma_wait3A_1306 : memref<1x1600xi32, #tpu.memory_space<vmem>> -> memref<1600xi32, #tpu.memory_space<vmem>>
    %dma_wait3A_1308 = tpu.memref_slice %arg2[%add3A_1296] : memref<819200xi32, #tpu.memory_space<hbm>> -> memref<1600xi32, #tpu.memory_space<hbm>>
    tpu.wait_dma2 semaphore(%dma_wait3A_1304 : memref<!tpu.dma_semaphore, #tpu.memory_space<semaphore_mem>>) src(%dma_wait3A_1308 : memref<1600xi32, #tpu.memory_space<hbm>>) dst(%dma_wait3A_1307 : memref<1600xi32, #tpu.memory_space<vmem>>)
    %add3A_1309 = arith.constant 24000 : i32
    %add3A_1310 = arith.addi %mul3A_2, %add3A_1309 : i32
    %dma_start3A_1311 = arith.constant 1 : i32
    %dma_start3A_1312 = arith.constant 1 : i32
    %dma_start3A_1313 = arith.constant 0 : i32
    %dma_start3A_1314 = tpu.memref_slice %arg5[%dma_start3A_1311, %dma_start3A_1313] : memref<2x1600xi32, #tpu.memory_space<vmem>> -> memref<1x1600xi32, #tpu.memory_space<vmem>>
    %dma_start3A_1315 = tpu.memref_squeeze %dma_start3A_1314 : memref<1x1600xi32, #tpu.memory_space<vmem>> -> memref<1600xi32, #tpu.memory_space<vmem>>
    %dma_start3A_1316 = tpu.memref_slice %arg2[%add3A_1310] : memref<819200xi32, #tpu.memory_space<hbm>> -> memref<1600xi32, #tpu.memory_space<hbm>>
    %dma_start3A_1317 = tpu.memref_slice %arg7[%dma_start3A_1312] : memref<2x!tpu.dma_semaphore, #tpu.memory_space<semaphore_mem>> -> memref<1x!tpu.dma_semaphore, #tpu.memory_space<semaphore_mem>>
    %dma_start3A_1318 = tpu.memref_squeeze %dma_start3A_1317 : memref<1x!tpu.dma_semaphore, #tpu.memory_space<semaphore_mem>> -> memref<!tpu.dma_semaphore, #tpu.memory_space<semaphore_mem>>
    %dma_start3A_1319 = arith.constant 0 : i32
    %dma_start3A_1320 = tpu.memref_slice %arg5[%dma_start3A_1311, %dma_start3A_1319] : memref<2x1600xi32, #tpu.memory_space<vmem>> -> memref<1x1600xi32, #tpu.memory_space<vmem>>
    %dma_start3A_1321 = tpu.memref_squeeze %dma_start3A_1320 : memref<1x1600xi32, #tpu.memory_space<vmem>> -> memref<1600xi32, #tpu.memory_space<vmem>>
    %dma_start3A_1322 = tpu.memref_slice %arg2[%add3A_1310] : memref<819200xi32, #tpu.memory_space<hbm>> -> memref<1600xi32, #tpu.memory_space<hbm>>
    tpu.enqueue_dma source(%dma_start3A_1322 : memref<1600xi32, #tpu.memory_space<hbm>>) target(%dma_start3A_1321 : memref<1600xi32, #tpu.memory_space<vmem>>) target_semaphore(%dma_start3A_1318 : memref<!tpu.dma_semaphore, #tpu.memory_space<semaphore_mem>>)
    %add3A_1323 = arith.constant 19200 : i32
    %add3A_1324 = arith.addi %mul3A_2, %add3A_1323 : i32
    %dma_wait3A_1325 = arith.constant 0 : i32
    %dma_wait3A_1326 = arith.constant 0 : i32
    %dma_wait3A_1327 = arith.constant 0 : i32
    %dma_wait3A_1328 = arith.constant 0 : i32
    %dma_wait3A_1329 = tpu.memref_slice %arg6[%dma_wait3A_1325, %dma_wait3A_1327, %dma_wait3A_1328] : memref<2x1600x32xf32, #tpu.memory_space<vmem>> -> memref<1x1600x32xf32, #tpu.memory_space<vmem>>
    %dma_wait3A_1330 = tpu.memref_squeeze %dma_wait3A_1329 : memref<1x1600x32xf32, #tpu.memory_space<vmem>> -> memref<1600x32xf32, #tpu.memory_space<vmem>>
    %dma_wait3A_1331 = arith.constant 0 : i32
    %dma_wait3A_1332 = tpu.memref_slice %arg4[%add3A_1324, %dma_wait3A_1331] : memref<819200x32xf32, #tpu.memory_space<hbm>> -> memref<1600x32xf32, #tpu.memory_space<hbm>>
    %dma_wait3A_1333 = tpu.memref_slice %arg9[%dma_wait3A_1326] : memref<2x!tpu.dma_semaphore, #tpu.memory_space<semaphore_mem>> -> memref<1x!tpu.dma_semaphore, #tpu.memory_space<semaphore_mem>>
    %dma_wait3A_1334 = tpu.memref_squeeze %dma_wait3A_1333 : memref<1x!tpu.dma_semaphore, #tpu.memory_space<semaphore_mem>> -> memref<!tpu.dma_semaphore, #tpu.memory_space<semaphore_mem>>
    %dma_wait3A_1335 = arith.constant 0 : i32
    %dma_wait3A_1336 = tpu.memref_slice %arg4[%add3A_1324, %dma_wait3A_1335] : memref<819200x32xf32, #tpu.memory_space<hbm>> -> memref<1600x32xf32, #tpu.memory_space<hbm>>
    %dma_wait3A_1337 = arith.constant 0 : i32
    %dma_wait3A_1338 = arith.constant 0 : i32
    %dma_wait3A_1339 = tpu.memref_slice %arg6[%dma_wait3A_1325, %dma_wait3A_1337, %dma_wait3A_1338] : memref<2x1600x32xf32, #tpu.memory_space<vmem>> -> memref<1x1600x32xf32, #tpu.memory_space<vmem>>
    %dma_wait3A_1340 = tpu.memref_squeeze %dma_wait3A_1339 : memref<1x1600x32xf32, #tpu.memory_space<vmem>> -> memref<1600x32xf32, #tpu.memory_space<vmem>>
    tpu.wait_dma2 semaphore(%dma_wait3A_1334 : memref<!tpu.dma_semaphore, #tpu.memory_space<semaphore_mem>>) src(%dma_wait3A_1340 : memref<1600x32xf32, #tpu.memory_space<vmem>>) dst(%dma_wait3A_1336 : memref<1600x32xf32, #tpu.memory_space<hbm>>)
    %dma_start3A_1341 = arith.constant 0 : i32
    %dma_start3A_1342 = arith.constant 0 : i32
    %dma_start3A_1343 = arith.constant 0 : i32
    %dma_start3A_1344 = arith.constant 0 : i32
    %dma_start3A_1345 = arith.constant 0 : i32
    %dma_start3A_1346 = tpu.memref_slice %arg6[%dma_start3A_1342, %dma_start3A_1344, %dma_start3A_1345] : memref<2x1600x32xf32, #tpu.memory_space<vmem>> -> memref<1x1600x32xf32, #tpu.memory_space<vmem>>
    %dma_start3A_1347 = tpu.memref_squeeze %dma_start3A_1346 : memref<1x1600x32xf32, #tpu.memory_space<vmem>> -> memref<1600x32xf32, #tpu.memory_space<vmem>>
    %dma_start3A_1348 = arith.constant 0 : i32
    %dma_start3A_1349 = tpu.memref_slice %arg5[%dma_start3A_1341, %dma_start3A_1348] : memref<2x1600xi32, #tpu.memory_space<vmem>> -> memref<1x1600xi32, #tpu.memory_space<vmem>>
    %dma_start3A_1350 = tpu.memref_squeeze %dma_start3A_1349 : memref<1x1600xi32, #tpu.memory_space<vmem>> -> memref<1600xi32, #tpu.memory_space<vmem>>
    %dma_start3A_1351 = arith.constant 0 : i32
    %dma_start3A_1352 = arith.constant 0 : i32
    %dma_start3A_1353 = tpu.memref_slice %arg3[%dma_start3A_1351, %dma_start3A_1352] : memref<1000000x32xf32, #tpu.memory_space<hbm>> -> memref<1000000x32xf32, #tpu.memory_space<hbm>>
    %dma_start3A_1354 = tpu.memref_slice %arg8[%dma_start3A_1343] : memref<2x!tpu.dma_semaphore, #tpu.memory_space<semaphore_mem>> -> memref<1x!tpu.dma_semaphore, #tpu.memory_space<semaphore_mem>>
    %dma_start3A_1355 = tpu.memref_squeeze %dma_start3A_1354 : memref<1x!tpu.dma_semaphore, #tpu.memory_space<semaphore_mem>> -> memref<!tpu.dma_semaphore, #tpu.memory_space<semaphore_mem>>
    tpu.enqueue_indirect_dma source(%dma_start3A_1353 : memref<1000000x32xf32, #tpu.memory_space<hbm>>) target(%dma_start3A_1347 : memref<1600x32xf32, #tpu.memory_space<vmem>>) offsets(%dma_start3A_1350 : memref<1600xi32, #tpu.memory_space<vmem>>) semaphore(%dma_start3A_1355 : memref<!tpu.dma_semaphore, #tpu.memory_space<semaphore_mem>>)
    %dma_wait3A_1356 = arith.constant 0 : i32
    %dma_wait3A_1357 = arith.constant 0 : i32
    %dma_wait3A_1358 = arith.constant 0 : i32
    %dma_wait3A_1359 = arith.constant 0 : i32
    %dma_wait3A_1360 = arith.constant 0 : i32
    %dma_wait3A_1361 = tpu.memref_slice %arg6[%dma_wait3A_1357, %dma_wait3A_1359, %dma_wait3A_1360] : memref<2x1600x32xf32, #tpu.memory_space<vmem>> -> memref<1x1600x32xf32, #tpu.memory_space<vmem>>
    %dma_wait3A_1362 = tpu.memref_squeeze %dma_wait3A_1361 : memref<1x1600x32xf32, #tpu.memory_space<vmem>> -> memref<1600x32xf32, #tpu.memory_space<vmem>>
    %dma_wait3A_1363 = arith.constant 0 : i32
    %dma_wait3A_1364 = tpu.memref_slice %arg5[%dma_wait3A_1356, %dma_wait3A_1363] : memref<2x1600xi32, #tpu.memory_space<vmem>> -> memref<1x1600xi32, #tpu.memory_space<vmem>>
    %dma_wait3A_1365 = tpu.memref_squeeze %dma_wait3A_1364 : memref<1x1600xi32, #tpu.memory_space<vmem>> -> memref<1600xi32, #tpu.memory_space<vmem>>
    %dma_wait3A_1366 = arith.constant 0 : i32
    %dma_wait3A_1367 = arith.constant 0 : i32
    %dma_wait3A_1368 = tpu.memref_slice %arg3[%dma_wait3A_1366, %dma_wait3A_1367] : memref<1000000x32xf32, #tpu.memory_space<hbm>> -> memref<1000000x32xf32, #tpu.memory_space<hbm>>
    %dma_wait3A_1369 = tpu.memref_slice %arg8[%dma_wait3A_1358] : memref<2x!tpu.dma_semaphore, #tpu.memory_space<semaphore_mem>> -> memref<1x!tpu.dma_semaphore, #tpu.memory_space<semaphore_mem>>
    %dma_wait3A_1370 = tpu.memref_squeeze %dma_wait3A_1369 : memref<1x!tpu.dma_semaphore, #tpu.memory_space<semaphore_mem>> -> memref<!tpu.dma_semaphore, #tpu.memory_space<semaphore_mem>>
    tpu.wait_indirect_dma semaphore(%dma_wait3A_1370 : memref<!tpu.dma_semaphore, #tpu.memory_space<semaphore_mem>>) src(%dma_wait3A_1368 : memref<1000000x32xf32, #tpu.memory_space<hbm>>) dst(%dma_wait3A_1362 : memref<1600x32xf32, #tpu.memory_space<vmem>>)
    %add3A_1371 = arith.constant 22400 : i32
    %add3A_1372 = arith.addi %mul3A_2, %add3A_1371 : i32
    %dma_start3A_1373 = arith.constant 0 : i32
    %dma_start3A_1374 = arith.constant 0 : i32
    %dma_start3A_1375 = arith.constant 0 : i32
    %dma_start3A_1376 = arith.constant 0 : i32
    %dma_start3A_1377 = tpu.memref_slice %arg6[%dma_start3A_1373, %dma_start3A_1375, %dma_start3A_1376] : memref<2x1600x32xf32, #tpu.memory_space<vmem>> -> memref<1x1600x32xf32, #tpu.memory_space<vmem>>
    %dma_start3A_1378 = tpu.memref_squeeze %dma_start3A_1377 : memref<1x1600x32xf32, #tpu.memory_space<vmem>> -> memref<1600x32xf32, #tpu.memory_space<vmem>>
    %dma_start3A_1379 = arith.constant 0 : i32
    %dma_start3A_1380 = tpu.memref_slice %arg4[%add3A_1372, %dma_start3A_1379] : memref<819200x32xf32, #tpu.memory_space<hbm>> -> memref<1600x32xf32, #tpu.memory_space<hbm>>
    %dma_start3A_1381 = tpu.memref_slice %arg9[%dma_start3A_1374] : memref<2x!tpu.dma_semaphore, #tpu.memory_space<semaphore_mem>> -> memref<1x!tpu.dma_semaphore, #tpu.memory_space<semaphore_mem>>
    %dma_start3A_1382 = tpu.memref_squeeze %dma_start3A_1381 : memref<1x!tpu.dma_semaphore, #tpu.memory_space<semaphore_mem>> -> memref<!tpu.dma_semaphore, #tpu.memory_space<semaphore_mem>>
    %dma_start3A_1383 = arith.constant 0 : i32
    %dma_start3A_1384 = tpu.memref_slice %arg4[%add3A_1372, %dma_start3A_1383] : memref<819200x32xf32, #tpu.memory_space<hbm>> -> memref<1600x32xf32, #tpu.memory_space<hbm>>
    %dma_start3A_1385 = arith.constant 0 : i32
    %dma_start3A_1386 = arith.constant 0 : i32
    %dma_start3A_1387 = tpu.memref_slice %arg6[%dma_start3A_1373, %dma_start3A_1385, %dma_start3A_1386] : memref<2x1600x32xf32, #tpu.memory_space<vmem>> -> memref<1x1600x32xf32, #tpu.memory_space<vmem>>
    %dma_start3A_1388 = tpu.memref_squeeze %dma_start3A_1387 : memref<1x1600x32xf32, #tpu.memory_space<vmem>> -> memref<1600x32xf32, #tpu.memory_space<vmem>>
    tpu.enqueue_dma source(%dma_start3A_1388 : memref<1600x32xf32, #tpu.memory_space<vmem>>) target(%dma_start3A_1384 : memref<1600x32xf32, #tpu.memory_space<hbm>>) target_semaphore(%dma_start3A_1382 : memref<!tpu.dma_semaphore, #tpu.memory_space<semaphore_mem>>)
    %add3A_1389 = arith.constant 24000 : i32
    %add3A_1390 = arith.addi %mul3A_2, %add3A_1389 : i32
    %dma_wait3A_1391 = arith.constant 1 : i32
    %dma_wait3A_1392 = arith.constant 1 : i32
    %dma_wait3A_1393 = arith.constant 0 : i32
    %dma_wait3A_1394 = tpu.memref_slice %arg5[%dma_wait3A_1391, %dma_wait3A_1393] : memref<2x1600xi32, #tpu.memory_space<vmem>> -> memref<1x1600xi32, #tpu.memory_space<vmem>>
    %dma_wait3A_1395 = tpu.memref_squeeze %dma_wait3A_1394 : memref<1x1600xi32, #tpu.memory_space<vmem>> -> memref<1600xi32, #tpu.memory_space<vmem>>
    %dma_wait3A_1396 = tpu.memref_slice %arg2[%add3A_1390] : memref<819200xi32, #tpu.memory_space<hbm>> -> memref<1600xi32, #tpu.memory_space<hbm>>
    %dma_wait3A_1397 = tpu.memref_slice %arg7[%dma_wait3A_1392] : memref<2x!tpu.dma_semaphore, #tpu.memory_space<semaphore_mem>> -> memref<1x!tpu.dma_semaphore, #tpu.memory_space<semaphore_mem>>
    %dma_wait3A_1398 = tpu.memref_squeeze %dma_wait3A_1397 : memref<1x!tpu.dma_semaphore, #tpu.memory_space<semaphore_mem>> -> memref<!tpu.dma_semaphore, #tpu.memory_space<semaphore_mem>>
    %dma_wait3A_1399 = arith.constant 0 : i32
    %dma_wait3A_1400 = tpu.memref_slice %arg5[%dma_wait3A_1391, %dma_wait3A_1399] : memref<2x1600xi32, #tpu.memory_space<vmem>> -> memref<1x1600xi32, #tpu.memory_space<vmem>>
    %dma_wait3A_1401 = tpu.memref_squeeze %dma_wait3A_1400 : memref<1x1600xi32, #tpu.memory_space<vmem>> -> memref<1600xi32, #tpu.memory_space<vmem>>
    %dma_wait3A_1402 = tpu.memref_slice %arg2[%add3A_1390] : memref<819200xi32, #tpu.memory_space<hbm>> -> memref<1600xi32, #tpu.memory_space<hbm>>
    tpu.wait_dma2 semaphore(%dma_wait3A_1398 : memref<!tpu.dma_semaphore, #tpu.memory_space<semaphore_mem>>) src(%dma_wait3A_1402 : memref<1600xi32, #tpu.memory_space<hbm>>) dst(%dma_wait3A_1401 : memref<1600xi32, #tpu.memory_space<vmem>>)
    %add3A_1403 = arith.constant 20800 : i32
    %add3A_1404 = arith.addi %mul3A_2, %add3A_1403 : i32
    %dma_wait3A_1405 = arith.constant 1 : i32
    %dma_wait3A_1406 = arith.constant 1 : i32
    %dma_wait3A_1407 = arith.constant 0 : i32
    %dma_wait3A_1408 = arith.constant 0 : i32
    %dma_wait3A_1409 = tpu.memref_slice %arg6[%dma_wait3A_1405, %dma_wait3A_1407, %dma_wait3A_1408] : memref<2x1600x32xf32, #tpu.memory_space<vmem>> -> memref<1x1600x32xf32, #tpu.memory_space<vmem>>
    %dma_wait3A_1410 = tpu.memref_squeeze %dma_wait3A_1409 : memref<1x1600x32xf32, #tpu.memory_space<vmem>> -> memref<1600x32xf32, #tpu.memory_space<vmem>>
    %dma_wait3A_1411 = arith.constant 0 : i32
    %dma_wait3A_1412 = tpu.memref_slice %arg4[%add3A_1404, %dma_wait3A_1411] : memref<819200x32xf32, #tpu.memory_space<hbm>> -> memref<1600x32xf32, #tpu.memory_space<hbm>>
    %dma_wait3A_1413 = tpu.memref_slice %arg9[%dma_wait3A_1406] : memref<2x!tpu.dma_semaphore, #tpu.memory_space<semaphore_mem>> -> memref<1x!tpu.dma_semaphore, #tpu.memory_space<semaphore_mem>>
    %dma_wait3A_1414 = tpu.memref_squeeze %dma_wait3A_1413 : memref<1x!tpu.dma_semaphore, #tpu.memory_space<semaphore_mem>> -> memref<!tpu.dma_semaphore, #tpu.memory_space<semaphore_mem>>
    %dma_wait3A_1415 = arith.constant 0 : i32
    %dma_wait3A_1416 = tpu.memref_slice %arg4[%add3A_1404, %dma_wait3A_1415] : memref<819200x32xf32, #tpu.memory_space<hbm>> -> memref<1600x32xf32, #tpu.memory_space<hbm>>
    %dma_wait3A_1417 = arith.constant 0 : i32
    %dma_wait3A_1418 = arith.constant 0 : i32
    %dma_wait3A_1419 = tpu.memref_slice %arg6[%dma_wait3A_1405, %dma_wait3A_1417, %dma_wait3A_1418] : memref<2x1600x32xf32, #tpu.memory_space<vmem>> -> memref<1x1600x32xf32, #tpu.memory_space<vmem>>
    %dma_wait3A_1420 = tpu.memref_squeeze %dma_wait3A_1419 : memref<1x1600x32xf32, #tpu.memory_space<vmem>> -> memref<1600x32xf32, #tpu.memory_space<vmem>>
    tpu.wait_dma2 semaphore(%dma_wait3A_1414 : memref<!tpu.dma_semaphore, #tpu.memory_space<semaphore_mem>>) src(%dma_wait3A_1420 : memref<1600x32xf32, #tpu.memory_space<vmem>>) dst(%dma_wait3A_1416 : memref<1600x32xf32, #tpu.memory_space<hbm>>)
    %dma_start3A_1421 = arith.constant 1 : i32
    %dma_start3A_1422 = arith.constant 1 : i32
    %dma_start3A_1423 = arith.constant 1 : i32
    %dma_start3A_1424 = arith.constant 0 : i32
    %dma_start3A_1425 = arith.constant 0 : i32
    %dma_start3A_1426 = tpu.memref_slice %arg6[%dma_start3A_1422, %dma_start3A_1424, %dma_start3A_1425] : memref<2x1600x32xf32, #tpu.memory_space<vmem>> -> memref<1x1600x32xf32, #tpu.memory_space<vmem>>
    %dma_start3A_1427 = tpu.memref_squeeze %dma_start3A_1426 : memref<1x1600x32xf32, #tpu.memory_space<vmem>> -> memref<1600x32xf32, #tpu.memory_space<vmem>>
    %dma_start3A_1428 = arith.constant 0 : i32
    %dma_start3A_1429 = tpu.memref_slice %arg5[%dma_start3A_1421, %dma_start3A_1428] : memref<2x1600xi32, #tpu.memory_space<vmem>> -> memref<1x1600xi32, #tpu.memory_space<vmem>>
    %dma_start3A_1430 = tpu.memref_squeeze %dma_start3A_1429 : memref<1x1600xi32, #tpu.memory_space<vmem>> -> memref<1600xi32, #tpu.memory_space<vmem>>
    %dma_start3A_1431 = arith.constant 0 : i32
    %dma_start3A_1432 = arith.constant 0 : i32
    %dma_start3A_1433 = tpu.memref_slice %arg3[%dma_start3A_1431, %dma_start3A_1432] : memref<1000000x32xf32, #tpu.memory_space<hbm>> -> memref<1000000x32xf32, #tpu.memory_space<hbm>>
    %dma_start3A_1434 = tpu.memref_slice %arg8[%dma_start3A_1423] : memref<2x!tpu.dma_semaphore, #tpu.memory_space<semaphore_mem>> -> memref<1x!tpu.dma_semaphore, #tpu.memory_space<semaphore_mem>>
    %dma_start3A_1435 = tpu.memref_squeeze %dma_start3A_1434 : memref<1x!tpu.dma_semaphore, #tpu.memory_space<semaphore_mem>> -> memref<!tpu.dma_semaphore, #tpu.memory_space<semaphore_mem>>
    tpu.enqueue_indirect_dma source(%dma_start3A_1433 : memref<1000000x32xf32, #tpu.memory_space<hbm>>) target(%dma_start3A_1427 : memref<1600x32xf32, #tpu.memory_space<vmem>>) offsets(%dma_start3A_1430 : memref<1600xi32, #tpu.memory_space<vmem>>) semaphore(%dma_start3A_1435 : memref<!tpu.dma_semaphore, #tpu.memory_space<semaphore_mem>>)
    %dma_wait3A_1436 = arith.constant 1 : i32
    %dma_wait3A_1437 = arith.constant 1 : i32
    %dma_wait3A_1438 = arith.constant 1 : i32
    %dma_wait3A_1439 = arith.constant 0 : i32
    %dma_wait3A_1440 = arith.constant 0 : i32
    %dma_wait3A_1441 = tpu.memref_slice %arg6[%dma_wait3A_1437, %dma_wait3A_1439, %dma_wait3A_1440] : memref<2x1600x32xf32, #tpu.memory_space<vmem>> -> memref<1x1600x32xf32, #tpu.memory_space<vmem>>
    %dma_wait3A_1442 = tpu.memref_squeeze %dma_wait3A_1441 : memref<1x1600x32xf32, #tpu.memory_space<vmem>> -> memref<1600x32xf32, #tpu.memory_space<vmem>>
    %dma_wait3A_1443 = arith.constant 0 : i32
    %dma_wait3A_1444 = tpu.memref_slice %arg5[%dma_wait3A_1436, %dma_wait3A_1443] : memref<2x1600xi32, #tpu.memory_space<vmem>> -> memref<1x1600xi32, #tpu.memory_space<vmem>>
    %dma_wait3A_1445 = tpu.memref_squeeze %dma_wait3A_1444 : memref<1x1600xi32, #tpu.memory_space<vmem>> -> memref<1600xi32, #tpu.memory_space<vmem>>
    %dma_wait3A_1446 = arith.constant 0 : i32
    %dma_wait3A_1447 = arith.constant 0 : i32
    %dma_wait3A_1448 = tpu.memref_slice %arg3[%dma_wait3A_1446, %dma_wait3A_1447] : memref<1000000x32xf32, #tpu.memory_space<hbm>> -> memref<1000000x32xf32, #tpu.memory_space<hbm>>
    %dma_wait3A_1449 = tpu.memref_slice %arg8[%dma_wait3A_1438] : memref<2x!tpu.dma_semaphore, #tpu.memory_space<semaphore_mem>> -> memref<1x!tpu.dma_semaphore, #tpu.memory_space<semaphore_mem>>
    %dma_wait3A_1450 = tpu.memref_squeeze %dma_wait3A_1449 : memref<1x!tpu.dma_semaphore, #tpu.memory_space<semaphore_mem>> -> memref<!tpu.dma_semaphore, #tpu.memory_space<semaphore_mem>>
    tpu.wait_indirect_dma semaphore(%dma_wait3A_1450 : memref<!tpu.dma_semaphore, #tpu.memory_space<semaphore_mem>>) src(%dma_wait3A_1448 : memref<1000000x32xf32, #tpu.memory_space<hbm>>) dst(%dma_wait3A_1442 : memref<1600x32xf32, #tpu.memory_space<vmem>>)
    %add3A_1451 = arith.constant 24000 : i32
    %add3A_1452 = arith.addi %mul3A_2, %add3A_1451 : i32
    %dma_start3A_1453 = arith.constant 1 : i32
    %dma_start3A_1454 = arith.constant 1 : i32
    %dma_start3A_1455 = arith.constant 0 : i32
    %dma_start3A_1456 = arith.constant 0 : i32
    %dma_start3A_1457 = tpu.memref_slice %arg6[%dma_start3A_1453, %dma_start3A_1455, %dma_start3A_1456] : memref<2x1600x32xf32, #tpu.memory_space<vmem>> -> memref<1x1600x32xf32, #tpu.memory_space<vmem>>
    %dma_start3A_1458 = tpu.memref_squeeze %dma_start3A_1457 : memref<1x1600x32xf32, #tpu.memory_space<vmem>> -> memref<1600x32xf32, #tpu.memory_space<vmem>>
    %dma_start3A_1459 = arith.constant 0 : i32
    %dma_start3A_1460 = tpu.memref_slice %arg4[%add3A_1452, %dma_start3A_1459] : memref<819200x32xf32, #tpu.memory_space<hbm>> -> memref<1600x32xf32, #tpu.memory_space<hbm>>
    %dma_start3A_1461 = tpu.memref_slice %arg9[%dma_start3A_1454] : memref<2x!tpu.dma_semaphore, #tpu.memory_space<semaphore_mem>> -> memref<1x!tpu.dma_semaphore, #tpu.memory_space<semaphore_mem>>
    %dma_start3A_1462 = tpu.memref_squeeze %dma_start3A_1461 : memref<1x!tpu.dma_semaphore, #tpu.memory_space<semaphore_mem>> -> memref<!tpu.dma_semaphore, #tpu.memory_space<semaphore_mem>>
    %dma_start3A_1463 = arith.constant 0 : i32
    %dma_start3A_1464 = tpu.memref_slice %arg4[%add3A_1452, %dma_start3A_1463] : memref<819200x32xf32, #tpu.memory_space<hbm>> -> memref<1600x32xf32, #tpu.memory_space<hbm>>
    %dma_start3A_1465 = arith.constant 0 : i32
    %dma_start3A_1466 = arith.constant 0 : i32
    %dma_start3A_1467 = tpu.memref_slice %arg6[%dma_start3A_1453, %dma_start3A_1465, %dma_start3A_1466] : memref<2x1600x32xf32, #tpu.memory_space<vmem>> -> memref<1x1600x32xf32, #tpu.memory_space<vmem>>
    %dma_start3A_1468 = tpu.memref_squeeze %dma_start3A_1467 : memref<1x1600x32xf32, #tpu.memory_space<vmem>> -> memref<1600x32xf32, #tpu.memory_space<vmem>>
    tpu.enqueue_dma source(%dma_start3A_1468 : memref<1600x32xf32, #tpu.memory_space<vmem>>) target(%dma_start3A_1464 : memref<1600x32xf32, #tpu.memory_space<hbm>>) target_semaphore(%dma_start3A_1462 : memref<!tpu.dma_semaphore, #tpu.memory_space<semaphore_mem>>)
    %add3A_1469 = arith.constant 22400 : i32
    %add3A_1470 = arith.addi %mul3A_2, %add3A_1469 : i32
    %dma_wait3A_1471 = arith.constant 0 : i32
    %dma_wait3A_1472 = arith.constant 0 : i32
    %dma_wait3A_1473 = arith.constant 0 : i32
    %dma_wait3A_1474 = arith.constant 0 : i32
    %dma_wait3A_1475 = tpu.memref_slice %arg6[%dma_wait3A_1471, %dma_wait3A_1473, %dma_wait3A_1474] : memref<2x1600x32xf32, #tpu.memory_space<vmem>> -> memref<1x1600x32xf32, #tpu.memory_space<vmem>>
    %dma_wait3A_1476 = tpu.memref_squeeze %dma_wait3A_1475 : memref<1x1600x32xf32, #tpu.memory_space<vmem>> -> memref<1600x32xf32, #tpu.memory_space<vmem>>
    %dma_wait3A_1477 = arith.constant 0 : i32
    %dma_wait3A_1478 = tpu.memref_slice %arg4[%add3A_1470, %dma_wait3A_1477] : memref<819200x32xf32, #tpu.memory_space<hbm>> -> memref<1600x32xf32, #tpu.memory_space<hbm>>
    %dma_wait3A_1479 = tpu.memref_slice %arg9[%dma_wait3A_1472] : memref<2x!tpu.dma_semaphore, #tpu.memory_space<semaphore_mem>> -> memref<1x!tpu.dma_semaphore, #tpu.memory_space<semaphore_mem>>
    %dma_wait3A_1480 = tpu.memref_squeeze %dma_wait3A_1479 : memref<1x!tpu.dma_semaphore, #tpu.memory_space<semaphore_mem>> -> memref<!tpu.dma_semaphore, #tpu.memory_space<semaphore_mem>>
    %dma_wait3A_1481 = arith.constant 0 : i32
    %dma_wait3A_1482 = tpu.memref_slice %arg4[%add3A_1470, %dma_wait3A_1481] : memref<819200x32xf32, #tpu.memory_space<hbm>> -> memref<1600x32xf32, #tpu.memory_space<hbm>>
    %dma_wait3A_1483 = arith.constant 0 : i32
    %dma_wait3A_1484 = arith.constant 0 : i32
    %dma_wait3A_1485 = tpu.memref_slice %arg6[%dma_wait3A_1471, %dma_wait3A_1483, %dma_wait3A_1484] : memref<2x1600x32xf32, #tpu.memory_space<vmem>> -> memref<1x1600x32xf32, #tpu.memory_space<vmem>>
    %dma_wait3A_1486 = tpu.memref_squeeze %dma_wait3A_1485 : memref<1x1600x32xf32, #tpu.memory_space<vmem>> -> memref<1600x32xf32, #tpu.memory_space<vmem>>
    tpu.wait_dma2 semaphore(%dma_wait3A_1480 : memref<!tpu.dma_semaphore, #tpu.memory_space<semaphore_mem>>) src(%dma_wait3A_1486 : memref<1600x32xf32, #tpu.memory_space<vmem>>) dst(%dma_wait3A_1482 : memref<1600x32xf32, #tpu.memory_space<hbm>>)
    %add3A_1487 = arith.constant 24000 : i32
    %add3A_1488 = arith.addi %mul3A_2, %add3A_1487 : i32
    %dma_wait3A_1489 = arith.constant 1 : i32
    %dma_wait3A_1490 = arith.constant 1 : i32
    %dma_wait3A_1491 = arith.constant 0 : i32
    %dma_wait3A_1492 = arith.constant 0 : i32
    %dma_wait3A_1493 = tpu.memref_slice %arg6[%dma_wait3A_1489, %dma_wait3A_1491, %dma_wait3A_1492] : memref<2x1600x32xf32, #tpu.memory_space<vmem>> -> memref<1x1600x32xf32, #tpu.memory_space<vmem>>
    %dma_wait3A_1494 = tpu.memref_squeeze %dma_wait3A_1493 : memref<1x1600x32xf32, #tpu.memory_space<vmem>> -> memref<1600x32xf32, #tpu.memory_space<vmem>>
    %dma_wait3A_1495 = arith.constant 0 : i32
    %dma_wait3A_1496 = tpu.memref_slice %arg4[%add3A_1488, %dma_wait3A_1495] : memref<819200x32xf32, #tpu.memory_space<hbm>> -> memref<1600x32xf32, #tpu.memory_space<hbm>>
    %dma_wait3A_1497 = tpu.memref_slice %arg9[%dma_wait3A_1490] : memref<2x!tpu.dma_semaphore, #tpu.memory_space<semaphore_mem>> -> memref<1x!tpu.dma_semaphore, #tpu.memory_space<semaphore_mem>>
    %dma_wait3A_1498 = tpu.memref_squeeze %dma_wait3A_1497 : memref<1x!tpu.dma_semaphore, #tpu.memory_space<semaphore_mem>> -> memref<!tpu.dma_semaphore, #tpu.memory_space<semaphore_mem>>
    %dma_wait3A_1499 = arith.constant 0 : i32
    %dma_wait3A_1500 = tpu.memref_slice %arg4[%add3A_1488, %dma_wait3A_1499] : memref<819200x32xf32, #tpu.memory_space<hbm>> -> memref<1600x32xf32, #tpu.memory_space<hbm>>
    %dma_wait3A_1501 = arith.constant 0 : i32
    %dma_wait3A_1502 = arith.constant 0 : i32
    %dma_wait3A_1503 = tpu.memref_slice %arg6[%dma_wait3A_1489, %dma_wait3A_1501, %dma_wait3A_1502] : memref<2x1600x32xf32, #tpu.memory_space<vmem>> -> memref<1x1600x32xf32, #tpu.memory_space<vmem>>
    %dma_wait3A_1504 = tpu.memref_squeeze %dma_wait3A_1503 : memref<1x1600x32xf32, #tpu.memory_space<vmem>> -> memref<1600x32xf32, #tpu.memory_space<vmem>>
    tpu.wait_dma2 semaphore(%dma_wait3A_1498 : memref<!tpu.dma_semaphore, #tpu.memory_space<semaphore_mem>>) src(%dma_wait3A_1504 : memref<1600x32xf32, #tpu.memory_space<vmem>>) dst(%dma_wait3A_1500 : memref<1600x32xf32, #tpu.memory_space<hbm>>)
    return
  }
}

</mosaic_0001>

<sc_bundles>
// kernel: kernel.3.cloned.1.call-start
scs
__scs_entry_jumppad:
0x0: {  	(pc) =	sbr.rel $0x88, $3  }
0x1: {  	(tag) =	ssettag $0x0;
	lr =	simm.s32 $0x1  }
0x2: {  	[smem:$0x3F9F] =	sst lr;
	_ =	strace $0xD0000000  }
0x3: {  	_ = 	snop  }
0x4: {  	_ = 	snop  }
0x5: {  	_ = 	snop  }
0x6: {  	_ = 	snop  }
0x7: {  	_ = 	snop  }
__scs_overlays_trampoline_lowered:
0x8: {  	[smem:$0x3FAE] =	sst s0  }
0x9: {  	[smem:$0x3FAF] =	sst s1  }
0xa: {  	[smem:$0x3FB0] =	sst s2  }
0xb: {  	[smem:$0x3FB1] =	sst s3  }
0xc: {  	[smem:$0x3FB2] =	sst s4  }
0xd: {  	[smem:$0x3FB3] =	sst s5  }
0xe: {  	[smem:$0x3FB4] =	sst s6  }
0xf: {  	[smem:$0x3FB5] =	sst s7  }
0x10: {  	[smem:$0x3FB6] =	sst s8  }
0x11: {  	[smem:$0x3FB7] =	sst s9;
	s0 =	simm.s32 @!p0 $0x0  }
0x12: {  	s1 =	sld [smem:$0x3F9D];
	s0 =	simm.s32 @p0 $0x1  }
0x13: {  	[smem:$0x3FB8] =	sst s0;
	s0 =	simm.s32 @!p1 $0x0  }
0x14: {  	s2 =	sld [smem:$0x3F9C];
	s0 =	simm.s32 @p1 $0x1  }
0x15: {  	[smem:$0x3FB9] =	sst s0;
	s0 =	simm.s32 @!p2 $0x0  }
0x16: {  	s3 =	sld [smem:$0x3FDB];
	s0 =	simm.s32 @p2 $0x1  }
0x17: {  	s4 =	simm.s32 $0x1BF5;
	[smem:$0x3FBB] =	sst s0  }
0x18: {  	s0 =	sld [smem:$0x3F9E];
	_ =	swait.ge [sflag:s4], $0x0  }
0x19: {  	s7 =	sld [smem:$0x3F9F]  }
0x1a: {  	s8 =	sadd.s32 $0xFFFFE003, lr  }
0x1b: {  	s9 =	sadd.s32 $0xFFFFFEF7, lr;
	s5 =	simm.s32 $0xFFFFFFFF;
	p2 =	slt.u32 s8, $0xFFFFF086  }
0x1c: {  	p1 =	slt.u32 s9, $0xF7A;
	s5 =	simm.s32 @!p2 $0x0  }
0x1d: {  	s5 =	simm.s32 @p1 $0x1;
	p0 =	seq.s32 s7, s2  }
0x1e: {  	s7 =	smul.u32 @!p0 $0xF7A, s2;
	p2 =	seq.s32 @!p0 s5, $0x0  }
0x1f: {  	s9 =	smul.u32 $0xF7A, s1;
	s8 =	simm.s32 @!p0 $0x1BF5;
	p2 =	por !p2, p0  }
0x20: {  	[sflag:s8] =	ssyncset.s32 @!p0 $0xFFFFF086;
	s6 =	sadd.s32 @!p0 s3, s7;
	s7 =	simm.s32 @!p0 $0x108  }
0x21: {  	s3 =	sadd.s32 s3, s9;
	s6 =	sadd.s32 @!p0 $0x88, s6;
	s7 =	simm.s32 @p2 $0x1082  }
0x22: {  	[simem:s7], [sflag:s8] =	dma.local @!p0 [hbm:s6], $0xF7A  }
0x23: {  	s9 =	sor.u32 $0xD0000000, s2;
	s6 =	simm.s32 $0x108;
	_ =	swait.ge @!p0 [sflag:s8], $0x0  }
0x24: {  	s3 =	sadd.s32 $0x88, s3;
	s6 =	simm.s32 @!p1 $0x1082;
	[sflag:s4] =	ssyncset.s32 $0xFFFFF086  }
0x25: {  	[simem:s6], [sflag:s4] =	dma.local [hbm:s3], $0xF7A  }
0x26: {  	[smem:$0x3F9F] =	sst s1;
	(tag) =	ssettag s2;
	_ =	strace s9  }
0x27: {  	s1 =	sld [smem:$0x3FAF]  }
0x28: {  	s2 =	sld [smem:$0x3FB0]  }
0x29: {  	s4 =	sld [smem:$0x3FB2]  }
0x2a: {  	p0 =	seq.s32 s5, $0x0;
	s5 =	sld [smem:$0x3FB3]  }
0x2b: {  	s6 =	sld [smem:$0x3FB4]  }
0x2c: {  	s7 =	sld [smem:$0x3FB5]  }
0x2d: {  	s3 =	simm.s32 $0x108;
	s8 =	sld [smem:$0x3FB6]  }
0x2e: {  	s3 =	simm.s32 @!p0 $0x1082;
	s9 =	sld [smem:$0x3FB7]  }
0x2f: {  	lr =	sadd.s32 s0, s3;
	s0 =	sld [smem:$0x3FAE]  }
0x30: {  	s3 =	sld [smem:$0x3FB1]  }
0x31: {  	[smem:$0x3FBA] =	sst s10  }
0x32: {  	s10 =	sld [smem:$0x3FB8];
	_ =	sdelay $0x3  }
0x33: {  	p0 =	seq.s32 s10, $0x1;
	s10 =	sld [smem:$0x3FBA];
	_ =	sdelay $0x3  }
0x34: {  	[smem:$0x3FBA] =	sst s10  }
0x35: {  	s10 =	sld [smem:$0x3FB9];
	_ =	sdelay $0x3  }
0x36: {  	p1 =	seq.s32 s10, $0x1;
	s10 =	sld [smem:$0x3FBA];
	_ =	sdelay $0x3  }
0x37: {  	[smem:$0x3FBA] =	sst s10  }
0x38: {  	s10 =	sld [smem:$0x3FBB]  }
0x39: {  	_ = 	snop;
	(pc) =	sbr.ind lr, $3  }
0x3a: {  	_ = 	snop  }
0x3b: {  	_ = 	snop  }
0x3c: {  	p2 =	seq.s32 s10, $0x1;
	s10 =	sld [smem:$0x3FBA]  }
0x3d: {  	_ =	shalt  }
0x3e: {  	_ =	shalt  }
0x3f: {  	_ =	shalt  }
0x40: {  	_ =	shalt  }
0x41: {  	_ =	shalt  }
0x42: {  	_ =	shalt  }
0x43: {  	_ =	shalt  }
0x44: {  	_ =	shalt  }
0x45: {  	_ =	shalt  }
0x46: {  	_ =	shalt  }
0x47: {  	_ =	shalt  }
0x48: {  	_ =	shalt  }
0x49: {  	_ =	shalt  }
0x4a: {  	_ =	shalt  }
0x4b: {  	_ =	shalt  }
0x4c: {  	_ =	shalt  }
0x4d: {  	_ =	shalt  }
0x4e: {  	_ =	shalt  }
0x4f: {  	_ =	shalt  }
0x50: {  	_ =	shalt  }
0x51: {  	_ =	shalt  }
0x52: {  	_ =	shalt  }
0x53: {  	_ =	shalt  }
0x54: {  	_ =	shalt  }
0x55: {  	_ =	shalt  }
0x56: {  	_ =	shalt  }
0x57: {  	_ =	shalt  }
0x58: {  	_ =	shalt  }
0x59: {  	_ =	shalt  }
0x5a: {  	_ =	shalt  }
0x5b: {  	_ =	shalt  }
0x5c: {  	_ =	shalt  }
0x5d: {  	_ =	shalt  }
0x5e: {  	_ =	shalt  }
0x5f: {  	_ =	shalt  }
0x60: {  	_ =	shalt  }
0x61: {  	_ =	shalt  }
0x62: {  	_ =	shalt  }
0x63: {  	_ =	shalt  }
0x64: {  	_ =	shalt  }
0x65: {  	_ =	shalt  }
0x66: {  	_ =	shalt  }
0x67: {  	_ =	shalt  }
0x68: {  	_ =	shalt  }
0x69: {  	_ =	shalt  }
0x6a: {  	_ =	shalt  }
0x6b: {  	_ =	shalt  }
0x6c: {  	_ =	shalt  }
0x6d: {  	_ =	shalt  }
0x6e: {  	_ =	shalt  }
0x6f: {  	_ =	shalt  }
0x70: {  	_ =	shalt  }
0x71: {  	_ =	shalt  }
0x72: {  	_ =	shalt  }
0x73: {  	_ =	shalt  }
0x74: {  	_ =	shalt  }
0x75: {  	_ =	shalt  }
0x76: {  	_ =	shalt  }
0x77: {  	_ =	shalt  }
0x78: {  	_ =	shalt  }
0x79: {  	_ =	shalt  }
0x7a: {  	_ =	shalt  }
0x7b: {  	_ =	shalt  }
0x7c: {  	_ =	shalt  }
0x7d: {  	_ =	shalt  }
0x7e: {  	_ =	shalt  }
0x7f: {  	_ =	shalt  }
0x80: {  	_ =	shalt  }
0x81: {  	_ =	shalt  }
0x82: {  	_ =	shalt  }
0x83: {  	_ =	shalt  }
0x84: {  	_ =	shalt  }
0x85: {  	_ =	shalt  }
0x86: {  	_ =	shalt  }
0x87: {  	_ =	shalt  }
.Lfunc_end0:
.L_simem_size_0:
called_computation.2_lowered:
.L_overlay_start_0:
0x88: {  	s2 =	sld [smem:$0x3FD9]  }
0x89: {  	s3 =	sld [smem:$0x3FFE];
	_ =	sdelay $0x1  }
0x8a: {  	s1 =	srdreg.scid  }
0x8b: {  	s0 =	sand.u32 $0x1, s1  }
0x8c: {  	s17 =	sshll.u32 s0, $0xA;
	s2 =	sadd.s32 s3, s2  }
0x8d: {  	s2 =	sadd.s32 s2, s17  }
0x8e: {  	[smem:$0x3FC6] =	sst s2  }
0x8f: {  	_ = 	snop  }
0x90: {  	s2 =	sld [smem:$0x3FD0];
	(tm) =	ssettm $0x1  }
0x91: {  	s18 =	sld [smem:$0x3FFB];
	_ =	sdelay $0x3  }
0x92: {  	_ =	strace s18  }
0x93: {  	s3 =	sld [smem:$0x3FFC];
	_ =	sdelay $0x3  }
0x94: {  	_ =	strace s3  }
0x95: {  	s3 =	sld [smem:$0x3FFD];
	_ =	sdelay $0x3  }
0x96: {  	_ =	strace s3  }
0x97: {  	_ =	strace $0x8FFFFFFF  }
0x98: {  	s19 =	sld [smem:$0x3FDB];
	_ =	sdelay $0x1  }
0x99: {  	s4 =	simm.s32 $_scs_section_size  }
0x9a: {  	s5 =	simm.s32 $_size__tile_overlayer_lowered;
	s6 =	simm.s32 $_tile_overlayer_lowered  }
0x9b: {  	s22 =	simm.s32 $0x1BFF;
	s21 =	sshll.u32 s6, $0x1;
	s3 =	sadd.s32 s4, s19  }
0x9c: {  	s7 =	simm.s32 $0x0;
	s20 =	sshll.u32 s5, $0x1;
	s5 =	sadd.s32 s21, s3  }
0x9d: {  	[timem:s7], [sflag:s22] =	dma.local [hbm:s5], s20  }
0x9e: {  	_ =	swait.ge [sflag:s22], s20  }
0x9f: {  	s4 =	ssub.s32 $0x0, s20;
	[sflag:s22] =	ssyncset.done $0x0  }
0xa0: {  	[sflag:s22] =	ssyncadd.s32 s4;
	_ =	sdelay $0x1  }
0xa1: {  	s23 =	simm.s32 $0x1B8B  }
0xa2: {  	_ =	swait.ge [sflag:s23], $0x1  }
0xa3: {  	[sflag:s23] =	ssyncset.done $0x0  }
0xa4: {  	s25 =	simm.s32 $0x1B8E;
	s24 =	sld [smem:$0x3FFE];
	[sflag:s23] =	ssyncadd.s32 $0xFFFFFFFF  }
0xa5: {  	s26 =	simm.s32 $execute0_lowered;
	[smem:$0x3FD2] =	sst s25  }
0xa6: {  	s5 =	sshll.u32 s26, $0x1;
	_ =	strace $0x80000046;
	[dreg:$0x1] =	wrdreg $0xFFFFFFFF  }
0xa7: {  	s28 =	simm.s32 $_size_execute0_lowered;
	s3 =	sadd.s32 s3, s5;
	[dreg:$0x0] =	wrdreg $0x0  }
0xa8: {  	s5 =	sshll.u32 s28, $0x1;
	[dreg:$0x2] =	wrdreg s3  }
0xa9: {  	[dreg:$0x3] =	wrdreg s5  }
0xaa: {  	[dreg:$0x4] =	wrdreg $0xC0  }
0xab: {  	_ =	task [dreg:s7], $0x5FFFF  }
0xac: {  	[dreg:$0x1] =	wrdreg $0xFFFFFFFF  }
0xad: {  	[dreg:$0x0] =	wrdreg $0x60  }
0xae: {  	[dreg:$0x2] =	wrdreg s24  }
0xaf: {  	[dreg:$0x3] =	wrdreg s2  }
0xb0: {  	[dreg:$0x4] =	wrdreg $0x9  }
0xb1: {  	_ =	task.clear_ibuf [dreg:s7], $0x5FFFF;
	_ =	strace $0x90000046  }
0xb2: {  	s29 =	simm.s32 $0x9;
	_ =	strace $0x80000048  }
0xb3: {  	_ =	swait.ge [sflag:s29], $0x1  }
0xb4: {  	[sflag:s29] =	ssyncadd.s32 $0xFFFFFFFF  }
0xb5: {  	_ =	strace $0x90000048  }
0xb6: {  	_ =	sfence  }
0xb7: {  	s30 =	sld [smem:$0x0];
	_ =	sdelay $0x2  }
0xb8: {  	s31 =	sshll.u32 s1, $0xD;
	s1 =	sshrl.u32 s1, $0x2  }
0xb9: {  	s3 =	sand.u32 $0x4000, s31;
	s1 =	sadd.s32 s1, s30  }
0xba: {  	s0 =	sor.u32 s3, s0;
	s1 =	sshll.u32 s1, $0x11  }
0xbb: {  	s0 =	sor.u32 s1, s0  }
0xbc: {  	s0 =	sadd.s32 $0x8F2B, s0  }
0xbd: {  	[sflag:s0] =	ssyncadd.remote.s32 $0x1  }
0xbe: {  	_ =	sfence.sel $0xFFFF  }
0xbf: {  	[dreg:$0x0] =	wrdreg $0xFFFFFFFF;
	(pc) =	sbr.abs _section_cstart, $3  }
0xc0: {  	[dreg:$0x1] =	wrdreg $0xFFFFFFFF  }
0xc1: {  	_ =	task.clear_ibuf [dreg:s7], $0x2FFFF;
	_ =	strace $0x9FFFFFFF  }
0xc2: {  	(tm) =	ssettm $0x7FFFFFFF  }
0xc3: {  	_ =	shalt  }
tec
execute0_lowered:
.L_overlay_start_1:
0x0: {  	(tag) =	ssettag $0x1  }
0x1: {  	s0 =	srdreg.scid;
	s2 =	stileid.u32  }
0x2: {  	s5 =	rddreg [dreg:$0x0];
	s0 =	sand.u32 $0x1, s0;
	s3 =	sshll.u32 s2, $0x1  }
0x3: {  	s1 =	rddreg [dreg:$0x1];
	s3 =	sor.u32 s0, s3  }
0x4: {  	s2 =	simm.s32 $0x0;
	[dreg:$0x11] =	wrdreg s0;
	s30 =	smul.u32 $0x6400, s3  }
0x5: {  	[smem:$0x7FF] =	sst s2;
	s3 =	smul.u32 $0x19000, s3  }
0x6: {  	s29 =	sadd.s32 $0xE00, s5;
	_ =	strace $0x80000047;
	s4 =	sshrl.u32 s30, $0x3  }
0x7: {  	s6 =	sadd.s32 $0x640, s30;
	s14 =	sadd.s32 $0xC80, s30;
	s3 =	sadd.s32 s1, s3  }
0x8: {  	s19 =	sadd.s32 $0x12C0, s30;
	s22 =	sadd.s32 $0x1900, s30;
	s0 =	sadd.s32 $0x1F40, s30  }
0x9: {  	s4 =	sadd.s32 s29, s4;
	s7 =	sshrl.u32 s6, $0x3;
	[dreg:$0x5] =	wrdreg s3  }
0xa: {  	s15 =	sshrl.u32 s14, $0x3;
	[dreg:$0x3] =	wrdreg s4;
	s13 =	sadd.s32 s29, s7  }
0xb: {  	s17 =	sshll.u32 s6, $0x2;
	s16 =	sadd.s32 s29, s15;
	[dreg:$0x4] =	wrdreg s13  }
0xc: {  	s20 =	sshrl.u32 s19, $0x3;
	s18 =	sadd.s32 s1, s17;
	[dreg:$0x6] =	wrdreg s16  }
0xd: {  	s21 =	sshll.u32 s14, $0x2;
	s3 =	sadd.s32 s29, s20;
	[dreg:$0x7] =	wrdreg s18  }
0xe: {  	s24 =	sshrl.u32 s22, $0x3;
	s23 =	sadd.s32 s1, s21;
	[dreg:$0x8] =	wrdreg s3  }
0xf: {  	s8 =	sshll.u32 s22, $0x2;
	s25 =	sadd.s32 s29, s24;
	[dreg:$0x9] =	wrdreg s23  }
0x10: {  	s6 =	sshrl.u32 s0, $0x3;
	s9 =	sadd.s32 s1, s8;
	[dreg:$0xa] =	wrdreg s25  }
0x11: {  	s12 =	sshll.u32 s0, $0x2;
	s4 =	sshll.u32 s19, $0x2;
	[dreg:$0xd] =	wrdreg s9  }
0x12: {  	s15 =	sadd.s32 $0x2BC0, s30;
	s26 =	sadd.s32 s1, s4;
	s16 =	rddreg [dreg:$0x3]  }
0x13: {  	s3 =	sadd.s32 s29, s6;
	s13 =	sadd.s32 $0x2580, s30;
	[dreg:$0xb] =	wrdreg s26  }
0x14: {  	s14 =	sshrl.u32 s15, $0x3;
	[dreg:$0xc] =	wrdreg s3;
	s3 =	sadd.s32 s1, s12  }
0x15: {  	[tilespmem:s2], [sflag:$0x1] =	stream.linear.gather [hbm4b:s16+s2], $0x640, $0x38;
	[tilespmem:$0x19C80] =	vst v63  }
0x16: {  	s10 =	sshrl.u32 s13, $0x3;
	s17 =	sadd.s32 s29, s14;
	[dreg:$0xf] =	wrdreg s3  }
0x17: {  	s11 =	sadd.s32 s29, s10;
	[dreg:$0x10] =	wrdreg s17  }
0x18: {  	s3 =	simm.s32 $0x1;
	[dreg:$0xe] =	wrdreg s11  }
0x19: {  	_ =	swait.ge [sflag:s3], $0x640  }
0x1a: {  	[sflag:s3] =	ssyncset.done $0x0  }
0x1b: {  	s4 =	simm.s32 $0x640;
	s18 =	rddreg [dreg:$0x4];
	[sflag:s3] =	ssyncadd.s32 $0xFFFFF9C0  }
0x1c: {  	[tilespmem:s4], [sflag:$0x2] =	stream.linear.gather [hbm4b:s18+s2], $0x640, $0x38;
	[tilespmem:$0x19C80] =	vst v63  }
0x1d: {  	s5 =	sadd.s32 $0xF43200, s5;
	s7 =	simm.s32 $0x3;
	s6 =	simm.s32 $0xC80  }
0x1e: {  	[tilespmem:s6], [sflag:$0x3] =	stream.indirect.gather [hbm4b:s5+s4], $0x20, s2, s4, $0xb8;
	[tilespmem:$0x19C80] =	vst v63  }
0x1f: {  	_ =	swait.ge [sflag:s7], $0xC800  }
0x20: {  	[sflag:s7] =	ssyncset.done $0x0  }
0x21: {  	s8 =	simm.s32 $0x2;
	s9 =	rddreg [dreg:$0x5];
	[sflag:s7] =	ssyncadd.s32 $0xFFFF3800  }
0x22: {  	[hbm4b:s9+s2] =	stream.linear.scatter [tilespmem:s6], [sflag:$0x5], $0xC800, $0x38;
	[tilespmem:$0x19C80] =	vst v63  }
0x23: {  	_ =	swait.ge [sflag:s8], $0x640  }
0x24: {  	[sflag:s8] =	ssyncset.done $0x0  }
0x25: {  	s19 =	rddreg [dreg:$0x6];
	[sflag:s8] =	ssyncadd.s32 $0xFFFFF9C0  }
0x26: {  	[tilespmem:s2], [sflag:$0x1] =	stream.linear.gather [hbm4b:s19+s2], $0x640, $0x38;
	[tilespmem:$0x19C80] =	vst v63  }
0x27: {  	s10 =	simm.s32 $0x4;
	s9 =	simm.s32 $0xD480  }
0x28: {  	[tilespmem:s9], [sflag:$0x4] =	stream.indirect.gather [hbm4b:s5+s4], $0x20, s4, s4, $0xb8;
	[tilespmem:$0x19C80] =	vst v63  }
0x29: {  	_ =	swait.ge [sflag:s10], $0xC800  }
0x2a: {  	[sflag:s10] =	ssyncset.done $0x0  }
0x2b: {  	s11 =	rddreg [dreg:$0x7];
	[sflag:s10] =	ssyncadd.s32 $0xFFFF3800  }
0x2c: {  	[hbm4b:s11+s2] =	stream.linear.scatter [tilespmem:s9], [sflag:$0x6], $0xC800, $0x38;
	[tilespmem:$0x19C80] =	vst v63  }
0x2d: {  	_ =	swait.ge [sflag:s3], $0x640  }
0x2e: {  	[sflag:s3] =	ssyncset.done $0x0  }
0x2f: {  	s11 =	simm.s32 $0x5;
	s12 =	rddreg [dreg:$0x8];
	[sflag:s3] =	ssyncadd.s32 $0xFFFFF9C0  }
0x30: {  	[tilespmem:s4], [sflag:$0x2] =	stream.linear.gather [hbm4b:s12+s2], $0x640, $0x38;
	[tilespmem:$0x19C80] =	vst v63  }
0x31: {  	_ =	swait.ge [sflag:s11], $0xC800  }
0x32: {  	[sflag:s11] =	ssyncset.done $0x0  }
0x33: {  	[sflag:s11] =	ssyncadd.s32 $0xFFFF3800  }
0x34: {  	[tilespmem:s6], [sflag:$0x3] =	stream.indirect.gather [hbm4b:s5+s4], $0x20, s2, s4, $0xb8;
	[tilespmem:$0x19C80] =	vst v63  }
0x35: {  	_ =	swait.ge [sflag:s7], $0xC800  }
0x36: {  	[sflag:s7] =	ssyncset.done $0x0  }
0x37: {  	s20 =	rddreg [dreg:$0x9];
	[sflag:s7] =	ssyncadd.s32 $0xFFFF3800  }
0x38: {  	[hbm4b:s20+s2] =	stream.linear.scatter [tilespmem:s6], [sflag:$0x5], $0xC800, $0x38;
	[tilespmem:$0x19C80] =	vst v63  }
0x39: {  	_ =	swait.ge [sflag:s8], $0x640  }
0x3a: {  	[sflag:s8] =	ssyncset.done $0x0  }
0x3b: {  	s12 =	simm.s32 $0x6;
	s14 =	rddreg [dreg:$0xa];
	[sflag:s8] =	ssyncadd.s32 $0xFFFFF9C0  }
0x3c: {  	[tilespmem:s2], [sflag:$0x1] =	stream.linear.gather [hbm4b:s14+s2], $0x640, $0x38;
	[tilespmem:$0x19C80] =	vst v63  }
0x3d: {  	_ =	swait.ge [sflag:s12], $0xC800  }
0x3e: {  	[sflag:s12] =	ssyncset.done $0x0  }
0x3f: {  	[sflag:s12] =	ssyncadd.s32 $0xFFFF3800  }
0x40: {  	[tilespmem:s9], [sflag:$0x4] =	stream.indirect.gather [hbm4b:s5+s4], $0x20, s4, s4, $0xb8;
	[tilespmem:$0x19C80] =	vst v63  }
0x41: {  	_ =	swait.ge [sflag:s10], $0xC800  }
0x42: {  	[sflag:s10] =	ssyncset.done $0x0  }
0x43: {  	s21 =	rddreg [dreg:$0xb];
	[sflag:s10] =	ssyncadd.s32 $0xFFFF3800  }
0x44: {  	[hbm4b:s21+s2] =	stream.linear.scatter [tilespmem:s9], [sflag:$0x6], $0xC800, $0x38;
	[tilespmem:$0x19C80] =	vst v63  }
0x45: {  	_ =	swait.ge [sflag:s3], $0x640  }
0x46: {  	[sflag:s3] =	ssyncset.done $0x0  }
0x47: {  	s22 =	rddreg [dreg:$0xc];
	[sflag:s3] =	ssyncadd.s32 $0xFFFFF9C0  }
0x48: {  	[tilespmem:s4], [sflag:$0x2] =	stream.linear.gather [hbm4b:s22+s2], $0x640, $0x38;
	[tilespmem:$0x19C80] =	vst v63  }
0x49: {  	_ =	swait.ge [sflag:s11], $0xC800  }
0x4a: {  	[sflag:s11] =	ssyncset.done $0x0  }
0x4b: {  	[sflag:s11] =	ssyncadd.s32 $0xFFFF3800  }
0x4c: {  	[tilespmem:s6], [sflag:$0x3] =	stream.indirect.gather [hbm4b:s5+s4], $0x20, s2, s4, $0xb8;
	[tilespmem:$0x19C80] =	vst v63  }
0x4d: {  	_ =	swait.ge [sflag:s7], $0xC800  }
0x4e: {  	[sflag:s7] =	ssyncset.done $0x0  }
0x4f: {  	s23 =	rddreg [dreg:$0xd];
	[sflag:s7] =	ssyncadd.s32 $0xFFFF3800  }
0x50: {  	[hbm4b:s23+s2] =	stream.linear.scatter [tilespmem:s6], [sflag:$0x5], $0xC800, $0x38;
	[tilespmem:$0x19C80] =	vst v63  }
0x51: {  	_ =	swait.ge [sflag:s8], $0x640  }
0x52: {  	[sflag:s8] =	ssyncset.done $0x0  }
0x53: {  	s24 =	rddreg [dreg:$0xe];
	[sflag:s8] =	ssyncadd.s32 $0xFFFFF9C0  }
0x54: {  	[tilespmem:s2], [sflag:$0x1] =	stream.linear.gather [hbm4b:s24+s2], $0x640, $0x38;
	[tilespmem:$0x19C80] =	vst v63  }
0x55: {  	_ =	swait.ge [sflag:s12], $0xC800  }
0x56: {  	[sflag:s12] =	ssyncset.done $0x0  }
0x57: {  	[sflag:s12] =	ssyncadd.s32 $0xFFFF3800  }
0x58: {  	[tilespmem:s9], [sflag:$0x4] =	stream.indirect.gather [hbm4b:s5+s4], $0x20, s4, s4, $0xb8;
	[tilespmem:$0x19C80] =	vst v63  }
0x59: {  	_ =	swait.ge [sflag:s10], $0xC800  }
0x5a: {  	[sflag:s10] =	ssyncset.done $0x0  }
0x5b: {  	s25 =	rddreg [dreg:$0xf];
	[sflag:s10] =	ssyncadd.s32 $0xFFFF3800  }
0x5c: {  	[hbm4b:s25+s2] =	stream.linear.scatter [tilespmem:s9], [sflag:$0x6], $0xC800, $0x38;
	[tilespmem:$0x19C80] =	vst v63  }
0x5d: {  	_ =	swait.ge [sflag:s3], $0x640  }
0x5e: {  	[sflag:s3] =	ssyncset.done $0x0  }
0x5f: {  	s26 =	rddreg [dreg:$0x10];
	[sflag:s3] =	ssyncadd.s32 $0xFFFFF9C0  }
0x60: {  	[tilespmem:s4], [sflag:$0x2] =	stream.linear.gather [hbm4b:s26+s2], $0x640, $0x38;
	[tilespmem:$0x19C80] =	vst v63  }
0x61: {  	_ =	swait.ge [sflag:s11], $0xC800  }
0x62: {  	[sflag:s11] =	ssyncset.done $0x0  }
0x63: {  	[sflag:s11] =	ssyncadd.s32 $0xFFFF3800  }
0x64: {  	[tilespmem:s6], [sflag:$0x3] =	stream.indirect.gather [hbm4b:s5+s4], $0x20, s2, s4, $0xb8;
	[tilespmem:$0x19C80] =	vst v63  }
0x65: {  	_ =	swait.ge [sflag:s7], $0xC800  }
0x66: {  	s13 =	sshll.u32 s13, $0x2;
	[sflag:s7] =	ssyncset.done $0x0  }
0x67: {  	s13 =	sadd.s32 s1, s13;
	[sflag:s7] =	ssyncadd.s32 $0xFFFF3800  }
0x68: {  	[hbm4b:s13+s2] =	stream.linear.scatter [tilespmem:s6], [sflag:$0x5], $0xC800, $0x38;
	[tilespmem:$0x19C80] =	vst v63  }
0x69: {  	s17 =	sadd.s32 $0x3200, s30;
	_ =	swait.ge [sflag:s8], $0x640  }
0x6a: {  	s0 =	sshrl.u32 s17, $0x3;
	[sflag:s8] =	ssyncset.done $0x0  }
0x6b: {  	s14 =	sadd.s32 s29, s0;
	[sflag:s8] =	ssyncadd.s32 $0xFFFFF9C0  }
0x6c: {  	[tilespmem:s2], [sflag:$0x1] =	stream.linear.gather [hbm4b:s14+s2], $0x640, $0x38;
	[tilespmem:$0x19C80] =	vst v63  }
0x6d: {  	_ =	swait.ge [sflag:s12], $0xC800  }
0x6e: {  	[sflag:s12] =	ssyncset.done $0x0  }
0x6f: {  	[sflag:s12] =	ssyncadd.s32 $0xFFFF3800  }
0x70: {  	[tilespmem:s9], [sflag:$0x4] =	stream.indirect.gather [hbm4b:s5+s4], $0x20, s4, s4, $0xb8;
	[tilespmem:$0x19C80] =	vst v63  }
0x71: {  	_ =	swait.ge [sflag:s10], $0xC800  }
0x72: {  	s15 =	sshll.u32 s15, $0x2;
	[sflag:s10] =	ssyncset.done $0x0  }
0x73: {  	s15 =	sadd.s32 s1, s15;
	[sflag:s10] =	ssyncadd.s32 $0xFFFF3800  }
0x74: {  	[hbm4b:s15+s2] =	stream.linear.scatter [tilespmem:s9], [sflag:$0x6], $0xC800, $0x38;
	[tilespmem:$0x19C80] =	vst v63  }
0x75: {  	s19 =	sadd.s32 $0x3840, s30;
	_ =	swait.ge [sflag:s3], $0x640  }
0x76: {  	s16 =	sshrl.u32 s19, $0x3;
	[sflag:s3] =	ssyncset.done $0x0  }
0x77: {  	s16 =	sadd.s32 s29, s16;
	[sflag:s3] =	ssyncadd.s32 $0xFFFFF9C0  }
0x78: {  	[tilespmem:s4], [sflag:$0x2] =	stream.linear.gather [hbm4b:s16+s2], $0x640, $0x38;
	[tilespmem:$0x19C80] =	vst v63  }
0x79: {  	_ =	swait.ge [sflag:s11], $0xC800  }
0x7a: {  	[sflag:s11] =	ssyncset.done $0x0  }
0x7b: {  	[sflag:s11] =	ssyncadd.s32 $0xFFFF3800  }
0x7c: {  	[tilespmem:s6], [sflag:$0x3] =	stream.indirect.gather [hbm4b:s5+s4], $0x20, s2, s4, $0xb8;
	[tilespmem:$0x19C80] =	vst v63  }
0x7d: {  	_ =	swait.ge [sflag:s7], $0xC800  }
0x7e: {  	s17 =	sshll.u32 s17, $0x2;
	[sflag:s7] =	ssyncset.done $0x0  }
0x7f: {  	s17 =	sadd.s32 s1, s17;
	[sflag:s7] =	ssyncadd.s32 $0xFFFF3800  }
0x80: {  	[hbm4b:s17+s2] =	stream.linear.scatter [tilespmem:s6], [sflag:$0x5], $0xC800, $0x38;
	[tilespmem:$0x19C80] =	vst v63  }
0x81: {  	s21 =	sadd.s32 $0x3E80, s30;
	_ =	swait.ge [sflag:s8], $0x640  }
0x82: {  	s18 =	sshrl.u32 s21, $0x3;
	[sflag:s8] =	ssyncset.done $0x0  }
0x83: {  	s18 =	sadd.s32 s29, s18;
	[sflag:s8] =	ssyncadd.s32 $0xFFFFF9C0  }
0x84: {  	[tilespmem:s2], [sflag:$0x1] =	stream.linear.gather [hbm4b:s18+s2], $0x640, $0x38;
	[tilespmem:$0x19C80] =	vst v63  }
0x85: {  	_ =	swait.ge [sflag:s12], $0xC800  }
0x86: {  	[sflag:s12] =	ssyncset.done $0x0  }
0x87: {  	[sflag:s12] =	ssyncadd.s32 $0xFFFF3800  }
0x88: {  	[tilespmem:s9], [sflag:$0x4] =	stream.indirect.gather [hbm4b:s5+s4], $0x20, s4, s4, $0xb8;
	[tilespmem:$0x19C80] =	vst v63  }
0x89: {  	_ =	swait.ge [sflag:s10], $0xC800  }
0x8a: {  	s19 =	sshll.u32 s19, $0x2;
	[sflag:s10] =	ssyncset.done $0x0  }
0x8b: {  	s19 =	sadd.s32 s1, s19;
	[sflag:s10] =	ssyncadd.s32 $0xFFFF3800  }
0x8c: {  	[hbm4b:s19+s2] =	stream.linear.scatter [tilespmem:s9], [sflag:$0x6], $0xC800, $0x38;
	[tilespmem:$0x19C80] =	vst v63  }
0x8d: {  	s23 =	sadd.s32 $0x44C0, s30;
	_ =	swait.ge [sflag:s3], $0x640  }
0x8e: {  	s20 =	sshrl.u32 s23, $0x3;
	[sflag:s3] =	ssyncset.done $0x0  }
0x8f: {  	s20 =	sadd.s32 s29, s20;
	[sflag:s3] =	ssyncadd.s32 $0xFFFFF9C0  }
0x90: {  	[tilespmem:s4], [sflag:$0x2] =	stream.linear.gather [hbm4b:s20+s2], $0x640, $0x38;
	[tilespmem:$0x19C80] =	vst v63  }
0x91: {  	_ =	swait.ge [sflag:s11], $0xC800  }
0x92: {  	[sflag:s11] =	ssyncset.done $0x0  }
0x93: {  	[sflag:s11] =	ssyncadd.s32 $0xFFFF3800  }
0x94: {  	[tilespmem:s6], [sflag:$0x3] =	stream.indirect.gather [hbm4b:s5+s4], $0x20, s2, s4, $0xb8;
	[tilespmem:$0x19C80] =	vst v63  }
0x95: {  	_ =	swait.ge [sflag:s7], $0xC800  }
0x96: {  	s21 =	sshll.u32 s21, $0x2;
	[sflag:s7] =	ssyncset.done $0x0  }
0x97: {  	s21 =	sadd.s32 s1, s21;
	[sflag:s7] =	ssyncadd.s32 $0xFFFF3800  }
0x98: {  	[hbm4b:s21+s2] =	stream.linear.scatter [tilespmem:s6], [sflag:$0x5], $0xC800, $0x38;
	[tilespmem:$0x19C80] =	vst v63  }
0x99: {  	s25 =	sadd.s32 $0x4B00, s30;
	_ =	swait.ge [sflag:s8], $0x640  }
0x9a: {  	s22 =	sshrl.u32 s25, $0x3;
	[sflag:s8] =	ssyncset.done $0x0  }
0x9b: {  	s22 =	sadd.s32 s29, s22;
	[sflag:s8] =	ssyncadd.s32 $0xFFFFF9C0  }
0x9c: {  	[tilespmem:s2], [sflag:$0x1] =	stream.linear.gather [hbm4b:s22+s2], $0x640, $0x38;
	[tilespmem:$0x19C80] =	vst v63  }
0x9d: {  	_ =	swait.ge [sflag:s12], $0xC800  }
0x9e: {  	[sflag:s12] =	ssyncset.done $0x0  }
0x9f: {  	[sflag:s12] =	ssyncadd.s32 $0xFFFF3800  }
0xa0: {  	[tilespmem:s9], [sflag:$0x4] =	stream.indirect.gather [hbm4b:s5+s4], $0x20, s4, s4, $0xb8;
	[tilespmem:$0x19C80] =	vst v63  }
0xa1: {  	_ =	swait.ge [sflag:s10], $0xC800  }
0xa2: {  	s23 =	sshll.u32 s23, $0x2;
	[sflag:s10] =	ssyncset.done $0x0  }
0xa3: {  	s23 =	sadd.s32 s1, s23;
	[sflag:s10] =	ssyncadd.s32 $0xFFFF3800  }
0xa4: {  	[hbm4b:s23+s2] =	stream.linear.scatter [tilespmem:s9], [sflag:$0x6], $0xC800, $0x38;
	[tilespmem:$0x19C80] =	vst v63  }
0xa5: {  	s28 =	sadd.s32 $0x5140, s30;
	_ =	swait.ge [sflag:s3], $0x640  }
0xa6: {  	s24 =	sshrl.u32 s28, $0x3;
	[sflag:s3] =	ssyncset.done $0x0  }
0xa7: {  	s24 =	sadd.s32 s29, s24;
	[sflag:s3] =	ssyncadd.s32 $0xFFFFF9C0  }
0xa8: {  	[tilespmem:s4], [sflag:$0x2] =	stream.linear.gather [hbm4b:s24+s2], $0x640, $0x38;
	[tilespmem:$0x19C80] =	vst v63  }
0xa9: {  	_ =	swait.ge [sflag:s11], $0xC800  }
0xaa: {  	[sflag:s11] =	ssyncset.done $0x0  }
0xab: {  	[sflag:s11] =	ssyncadd.s32 $0xFFFF3800  }
0xac: {  	[tilespmem:s6], [sflag:$0x3] =	stream.indirect.gather [hbm4b:s5+s4], $0x20, s2, s4, $0xb8;
	[tilespmem:$0x19C80] =	vst v63  }
0xad: {  	_ =	swait.ge [sflag:s7], $0xC800  }
0xae: {  	s25 =	sshll.u32 s25, $0x2;
	[sflag:s7] =	ssyncset.done $0x0  }
0xaf: {  	s25 =	sadd.s32 s1, s25;
	[sflag:s7] =	ssyncadd.s32 $0xFFFF3800  }
0xb0: {  	[hbm4b:s25+s2] =	stream.linear.scatter [tilespmem:s6], [sflag:$0x5], $0xC800, $0x38;
	[tilespmem:$0x19C80] =	vst v63  }
0xb1: {  	s31 =	sadd.s32 $0x5780, s30;
	_ =	swait.ge [sflag:s8], $0x640  }
0xb2: {  	s26 =	sshrl.u32 s31, $0x3;
	[sflag:s8] =	ssyncset.done $0x0  }
0xb3: {  	s26 =	sadd.s32 s29, s26;
	[sflag:s8] =	ssyncadd.s32 $0xFFFFF9C0  }
0xb4: {  	[tilespmem:s2], [sflag:$0x1] =	stream.linear.gather [hbm4b:s26+s2], $0x640, $0x38;
	[tilespmem:$0x19C80] =	vst v63  }
0xb5: {  	_ =	swait.ge [sflag:s12], $0xC800  }
0xb6: {  	[sflag:s12] =	ssyncset.done $0x0  }
0xb7: {  	[sflag:s12] =	ssyncadd.s32 $0xFFFF3800  }
0xb8: {  	[tilespmem:s9], [sflag:$0x4] =	stream.indirect.gather [hbm4b:s5+s4], $0x20, s4, s4, $0xb8;
	[tilespmem:$0x19C80] =	vst v63  }
0xb9: {  	_ =	swait.ge [sflag:s10], $0xC800  }
0xba: {  	s28 =	sshll.u32 s28, $0x2;
	[sflag:s10] =	ssyncset.done $0x0  }
0xbb: {  	s28 =	sadd.s32 s1, s28;
	[sflag:s10] =	ssyncadd.s32 $0xFFFF3800  }
0xbc: {  	[hbm4b:s28+s2] =	stream.linear.scatter [tilespmem:s9], [sflag:$0x6], $0xC800, $0x38;
	[tilespmem:$0x19C80] =	vst v63  }
0xbd: {  	s0 =	sadd.s32 $0x5DC0, s30;
	_ =	swait.ge [sflag:s3], $0x640  }
0xbe: {  	s30 =	sshrl.u32 s0, $0x3;
	[sflag:s3] =	ssyncset.done $0x0  }
0xbf: {  	s29 =	sadd.s32 s29, s30;
	[sflag:s3] =	ssyncadd.s32 $0xFFFFF9C0  }
0xc0: {  	[tilespmem:s4], [sflag:$0x2] =	stream.linear.gather [hbm4b:s29+s2], $0x640, $0x38;
	[tilespmem:$0x19C80] =	vst v63  }
0xc1: {  	_ =	swait.ge [sflag:s11], $0xC800  }
0xc2: {  	[sflag:s11] =	ssyncset.done $0x0  }
0xc3: {  	[sflag:s11] =	ssyncadd.s32 $0xFFFF3800  }
0xc4: {  	[tilespmem:s6], [sflag:$0x3] =	stream.indirect.gather [hbm4b:s5+s4], $0x20, s2, s4, $0xb8;
	[tilespmem:$0x19C80] =	vst v63  }
0xc5: {  	_ =	swait.ge [sflag:s7], $0xC800  }
0xc6: {  	s30 =	sshll.u32 s31, $0x2;
	[sflag:s7] =	ssyncset.done $0x0  }
0xc7: {  	s30 =	sadd.s32 s1, s30;
	[sflag:s7] =	ssyncadd.s32 $0xFFFF3800  }
0xc8: {  	[hbm4b:s30+s2] =	stream.linear.scatter [tilespmem:s6], [sflag:$0x5], $0xC800, $0x38;
	[tilespmem:$0x19C80] =	vst v63  }
0xc9: {  	_ =	swait.ge [sflag:s8], $0x640  }
0xca: {  	[sflag:s8] =	ssyncset.done $0x0  }
0xcb: {  	[sflag:s8] =	ssyncadd.s32 $0xFFFFF9C0  }
0xcc: {  	_ =	swait.ge [sflag:s12], $0xC800  }
0xcd: {  	[sflag:s12] =	ssyncset.done $0x0  }
0xce: {  	[sflag:s12] =	ssyncadd.s32 $0xFFFF3800  }
0xcf: {  	[tilespmem:s9], [sflag:$0x4] =	stream.indirect.gather [hbm4b:s5+s4], $0x20, s4, s4, $0xb8;
	[tilespmem:$0x19C80] =	vst v63  }
0xd0: {  	s0 =	sshll.u32 s0, $0x2;
	_ =	swait.ge [sflag:s10], $0xC800  }
0xd1: {  	s31 =	sadd.s32 s1, s0;
	[sflag:s10] =	ssyncset.done $0x0;
	s1 =	rddreg [dreg:$0x11]  }
0xd2: {  	s0 =	ssub.s32 $0x2, s1;
	[sflag:s10] =	ssyncadd.s32 $0xFFFF3800  }
0xd3: {  	[hbm4b:s31+s2] =	stream.linear.scatter [tilespmem:s9], [sflag:$0x6], $0xC800, $0x38;
	[tilespmem:$0x19C80] =	vst v63  }
0xd4: {  	s1 =	sshrl.u32 s0, $0x1  }
0xd5: {  	s0 =	ssub.s32 s0, s1  }
0xd6: {  	s0 =	smax.u32 s0, $0x1  }
0xd7: {  	p0 =	sne.s32 s0, $0x1  }
.Ltmp0:
0xd8: {  	_ =	swait.ge [sflag:s11], $0xC800;
	(pc) =	sbr.rel @!p0 .LBB2_2-.Ltmp0, $4  }
0xd9: {  	[sflag:s11] =	ssyncset.done $0x0  }
0xda: {  	[sflag:s11] =	ssyncadd.s32 $0xFFFF3800  }
0xdb: {  	_ =	swait.ge [sflag:s12], $0xC800  }
0xdc: {  	s1 =	sadd.s32 $0xFFFFFFFF, s0;
	[sflag:s12] =	ssyncset.done $0x0  }
.LBB2_1:
0xdd: {  	s0 =	rddreg [dreg:$0x3];
	[sflag:s12] =	ssyncadd.s32 $0xFFFF3800  }
0xde: {  	[tilespmem:s2], [sflag:$0x1] =	stream.linear.gather [hbm4b:s0+s2], $0x640, $0x38;
	[tilespmem:$0x19C80] =	vst v63  }
0xdf: {  	_ =	swait.ge [sflag:s3], $0x640  }
0xe0: {  	[sflag:s3] =	ssyncset.done $0x0  }
0xe1: {  	s0 =	rddreg [dreg:$0x4];
	[sflag:s3] =	ssyncadd.s32 $0xFFFFF9C0  }
0xe2: {  	[tilespmem:s4], [sflag:$0x2] =	stream.linear.gather [hbm4b:s0+s2], $0x640, $0x38;
	[tilespmem:$0x19C80] =	vst v63  }
0xe3: {  	_ = 	snop  }
0xe4: {  	[tilespmem:s6], [sflag:$0x3] =	stream.indirect.gather [hbm4b:s5+s4], $0x20, s2, s4, $0xb8;
	[tilespmem:$0x19C80] =	vst v63  }
0xe5: {  	_ =	swait.ge [sflag:s7], $0xC800  }
0xe6: {  	[sflag:s7] =	ssyncset.done $0x0  }
0xe7: {  	s0 =	rddreg [dreg:$0x5];
	[sflag:s7] =	ssyncadd.s32 $0xFFFF3800  }
0xe8: {  	[hbm4b:s0+s2] =	stream.linear.scatter [tilespmem:s6], [sflag:$0x5], $0xC800, $0x38;
	[tilespmem:$0x19C80] =	vst v63  }
0xe9: {  	_ =	swait.ge [sflag:s8], $0x640  }
0xea: {  	[sflag:s8] =	ssyncset.done $0x0  }
0xeb: {  	s0 =	rddreg [dreg:$0x6];
	[sflag:s8] =	ssyncadd.s32 $0xFFFFF9C0  }
0xec: {  	[tilespmem:s2], [sflag:$0x1] =	stream.linear.gather [hbm4b:s0+s2], $0x640, $0x38;
	[tilespmem:$0x19C80] =	vst v63  }
0xed: {  	_ = 	snop  }
0xee: {  	[tilespmem:s9], [sflag:$0x4] =	stream.indirect.gather [hbm4b:s5+s4], $0x20, s4, s4, $0xb8;
	[tilespmem:$0x19C80] =	vst v63  }
0xef: {  	_ =	swait.ge [sflag:s10], $0xC800  }
0xf0: {  	[sflag:s10] =	ssyncset.done $0x0  }
0xf1: {  	s0 =	rddreg [dreg:$0x7];
	[sflag:s10] =	ssyncadd.s32 $0xFFFF3800  }
0xf2: {  	[hbm4b:s0+s2] =	stream.linear.scatter [tilespmem:s9], [sflag:$0x6], $0xC800, $0x38;
	[tilespmem:$0x19C80] =	vst v63  }
0xf3: {  	_ =	swait.ge [sflag:s3], $0x640  }
0xf4: {  	[sflag:s3] =	ssyncset.done $0x0  }
0xf5: {  	s0 =	rddreg [dreg:$0x8];
	[sflag:s3] =	ssyncadd.s32 $0xFFFFF9C0  }
0xf6: {  	[tilespmem:s4], [sflag:$0x2] =	stream.linear.gather [hbm4b:s0+s2], $0x640, $0x38;
	[tilespmem:$0x19C80] =	vst v63  }
0xf7: {  	_ =	swait.ge [sflag:s11], $0xC800  }
0xf8: {  	[sflag:s11] =	ssyncset.done $0x0  }
0xf9: {  	[sflag:s11] =	ssyncadd.s32 $0xFFFF3800  }
0xfa: {  	[tilespmem:s6], [sflag:$0x3] =	stream.indirect.gather [hbm4b:s5+s4], $0x20, s2, s4, $0xb8;
	[tilespmem:$0x19C80] =	vst v63  }
0xfb: {  	_ =	swait.ge [sflag:s7], $0xC800  }
0xfc: {  	[sflag:s7] =	ssyncset.done $0x0  }
0xfd: {  	s0 =	rddreg [dreg:$0x9];
	[sflag:s7] =	ssyncadd.s32 $0xFFFF3800  }
0xfe: {  	[hbm4b:s0+s2] =	stream.linear.scatter [tilespmem:s6], [sflag:$0x5], $0xC800, $0x38;
	[tilespmem:$0x19C80] =	vst v63  }
0xff: {  	_ =	swait.ge [sflag:s8], $0x640  }
0x100: {  	[sflag:s8] =	ssyncset.done $0x0  }
0x101: {  	s0 =	rddreg [dreg:$0xa];
	[sflag:s8] =	ssyncadd.s32 $0xFFFFF9C0  }
0x102: {  	[tilespmem:s2], [sflag:$0x1] =	stream.linear.gather [hbm4b:s0+s2], $0x640, $0x38;
	[tilespmem:$0x19C80] =	vst v63  }
0x103: {  	_ =	swait.ge [sflag:s12], $0xC800  }
0x104: {  	[sflag:s12] =	ssyncset.done $0x0  }
0x105: {  	[sflag:s12] =	ssyncadd.s32 $0xFFFF3800  }
0x106: {  	[tilespmem:s9], [sflag:$0x4] =	stream.indirect.gather [hbm4b:s5+s4], $0x20, s4, s4, $0xb8;
	[tilespmem:$0x19C80] =	vst v63  }
0x107: {  	_ =	swait.ge [sflag:s10], $0xC800  }
0x108: {  	[sflag:s10] =	ssyncset.done $0x0  }
0x109: {  	s0 =	rddreg [dreg:$0xb];
	[sflag:s10] =	ssyncadd.s32 $0xFFFF3800  }
0x10a: {  	[hbm4b:s0+s2] =	stream.linear.scatter [tilespmem:s9], [sflag:$0x6], $0xC800, $0x38;
	[tilespmem:$0x19C80] =	vst v63  }
0x10b: {  	_ =	swait.ge [sflag:s3], $0x640  }
0x10c: {  	[sflag:s3] =	ssyncset.done $0x0  }
0x10d: {  	s0 =	rddreg [dreg:$0xc];
	[sflag:s3] =	ssyncadd.s32 $0xFFFFF9C0  }
0x10e: {  	[tilespmem:s4], [sflag:$0x2] =	stream.linear.gather [hbm4b:s0+s2], $0x640, $0x38;
	[tilespmem:$0x19C80] =	vst v63  }
0x10f: {  	_ =	swait.ge [sflag:s11], $0xC800  }
0x110: {  	[sflag:s11] =	ssyncset.done $0x0  }
0x111: {  	[sflag:s11] =	ssyncadd.s32 $0xFFFF3800  }
0x112: {  	[tilespmem:s6], [sflag:$0x3] =	stream.indirect.gather [hbm4b:s5+s4], $0x20, s2, s4, $0xb8;
	[tilespmem:$0x19C80] =	vst v63  }
0x113: {  	_ =	swait.ge [sflag:s7], $0xC800  }
0x114: {  	[sflag:s7] =	ssyncset.done $0x0  }
0x115: {  	s0 =	rddreg [dreg:$0xd];
	[sflag:s7] =	ssyncadd.s32 $0xFFFF3800  }
0x116: {  	[hbm4b:s0+s2] =	stream.linear.scatter [tilespmem:s6], [sflag:$0x5], $0xC800, $0x38;
	[tilespmem:$0x19C80] =	vst v63  }
0x117: {  	_ =	swait.ge [sflag:s8], $0x640  }
0x118: {  	[sflag:s8] =	ssyncset.done $0x0  }
0x119: {  	s0 =	rddreg [dreg:$0xe];
	[sflag:s8] =	ssyncadd.s32 $0xFFFFF9C0  }
0x11a: {  	[tilespmem:s2], [sflag:$0x1] =	stream.linear.gather [hbm4b:s0+s2], $0x640, $0x38;
	[tilespmem:$0x19C80] =	vst v63  }
0x11b: {  	_ =	swait.ge [sflag:s12], $0xC800  }
0x11c: {  	[sflag:s12] =	ssyncset.done $0x0  }
0x11d: {  	[sflag:s12] =	ssyncadd.s32 $0xFFFF3800  }
0x11e: {  	[tilespmem:s9], [sflag:$0x4] =	stream.indirect.gather [hbm4b:s5+s4], $0x20, s4, s4, $0xb8;
	[tilespmem:$0x19C80] =	vst v63  }
0x11f: {  	_ =	swait.ge [sflag:s10], $0xC800  }
0x120: {  	[sflag:s10] =	ssyncset.done $0x0  }
0x121: {  	s0 =	rddreg [dreg:$0xf];
	[sflag:s10] =	ssyncadd.s32 $0xFFFF3800  }
0x122: {  	[hbm4b:s0+s2] =	stream.linear.scatter [tilespmem:s9], [sflag:$0x6], $0xC800, $0x38;
	[tilespmem:$0x19C80] =	vst v63  }
0x123: {  	_ =	swait.ge [sflag:s3], $0x640  }
0x124: {  	[sflag:s3] =	ssyncset.done $0x0  }
0x125: {  	s0 =	rddreg [dreg:$0x10];
	[sflag:s3] =	ssyncadd.s32 $0xFFFFF9C0  }
0x126: {  	[tilespmem:s4], [sflag:$0x2] =	stream.linear.gather [hbm4b:s0+s2], $0x640, $0x38;
	[tilespmem:$0x19C80] =	vst v63  }
0x127: {  	_ =	swait.ge [sflag:s11], $0xC800  }
0x128: {  	[sflag:s11] =	ssyncset.done $0x0  }
0x129: {  	[sflag:s11] =	ssyncadd.s32 $0xFFFF3800  }
0x12a: {  	[tilespmem:s6], [sflag:$0x3] =	stream.indirect.gather [hbm4b:s5+s4], $0x20, s2, s4, $0xb8;
	[tilespmem:$0x19C80] =	vst v63  }
0x12b: {  	_ =	swait.ge [sflag:s7], $0xC800  }
0x12c: {  	[sflag:s7] =	ssyncset.done $0x0  }
0x12d: {  	[sflag:s7] =	ssyncadd.s32 $0xFFFF3800  }
0x12e: {  	[hbm4b:s13+s2] =	stream.linear.scatter [tilespmem:s6], [sflag:$0x5], $0xC800, $0x38;
	[tilespmem:$0x19C80] =	vst v63  }
0x12f: {  	_ =	swait.ge [sflag:s8], $0x640  }
0x130: {  	[sflag:s8] =	ssyncset.done $0x0  }
0x131: {  	[sflag:s8] =	ssyncadd.s32 $0xFFFFF9C0  }
0x132: {  	[tilespmem:s2], [sflag:$0x1] =	stream.linear.gather [hbm4b:s14+s2], $0x640, $0x38;
	[tilespmem:$0x19C80] =	vst v63  }
0x133: {  	_ =	swait.ge [sflag:s12], $0xC800  }
0x134: {  	[sflag:s12] =	ssyncset.done $0x0  }
0x135: {  	[sflag:s12] =	ssyncadd.s32 $0xFFFF3800  }
0x136: {  	[tilespmem:s9], [sflag:$0x4] =	stream.indirect.gather [hbm4b:s5+s4], $0x20, s4, s4, $0xb8;
	[tilespmem:$0x19C80] =	vst v63  }
0x137: {  	_ =	swait.ge [sflag:s10], $0xC800  }
0x138: {  	[sflag:s10] =	ssyncset.done $0x0  }
0x139: {  	[sflag:s10] =	ssyncadd.s32 $0xFFFF3800  }
0x13a: {  	[hbm4b:s15+s2] =	stream.linear.scatter [tilespmem:s9], [sflag:$0x6], $0xC800, $0x38;
	[tilespmem:$0x19C80] =	vst v63  }
0x13b: {  	_ =	swait.ge [sflag:s3], $0x640  }
0x13c: {  	[sflag:s3] =	ssyncset.done $0x0  }
0x13d: {  	[sflag:s3] =	ssyncadd.s32 $0xFFFFF9C0  }
0x13e: {  	[tilespmem:s4], [sflag:$0x2] =	stream.linear.gather [hbm4b:s16+s2], $0x640, $0x38;
	[tilespmem:$0x19C80] =	vst v63  }
0x13f: {  	_ =	swait.ge [sflag:s11], $0xC800  }
0x140: {  	[sflag:s11] =	ssyncset.done $0x0  }
0x141: {  	[sflag:s11] =	ssyncadd.s32 $0xFFFF3800  }
0x142: {  	[tilespmem:s6], [sflag:$0x3] =	stream.indirect.gather [hbm4b:s5+s4], $0x20, s2, s4, $0xb8;
	[tilespmem:$0x19C80] =	vst v63  }
0x143: {  	_ =	swait.ge [sflag:s7], $0xC800  }
0x144: {  	[sflag:s7] =	ssyncset.done $0x0  }
0x145: {  	[sflag:s7] =	ssyncadd.s32 $0xFFFF3800  }
0x146: {  	[hbm4b:s17+s2] =	stream.linear.scatter [tilespmem:s6], [sflag:$0x5], $0xC800, $0x38;
	[tilespmem:$0x19C80] =	vst v63  }
0x147: {  	_ =	swait.ge [sflag:s8], $0x640  }
0x148: {  	[sflag:s8] =	ssyncset.done $0x0  }
0x149: {  	[sflag:s8] =	ssyncadd.s32 $0xFFFFF9C0  }
0x14a: {  	[tilespmem:s2], [sflag:$0x1] =	stream.linear.gather [hbm4b:s18+s2], $0x640, $0x38;
	[tilespmem:$0x19C80] =	vst v63  }
0x14b: {  	_ =	swait.ge [sflag:s12], $0xC800  }
0x14c: {  	[sflag:s12] =	ssyncset.done $0x0  }
0x14d: {  	[sflag:s12] =	ssyncadd.s32 $0xFFFF3800  }
0x14e: {  	[tilespmem:s9], [sflag:$0x4] =	stream.indirect.gather [hbm4b:s5+s4], $0x20, s4, s4, $0xb8;
	[tilespmem:$0x19C80] =	vst v63  }
0x14f: {  	_ =	swait.ge [sflag:s10], $0xC800  }
0x150: {  	[sflag:s10] =	ssyncset.done $0x0  }
0x151: {  	[sflag:s10] =	ssyncadd.s32 $0xFFFF3800  }
0x152: {  	[hbm4b:s19+s2] =	stream.linear.scatter [tilespmem:s9], [sflag:$0x6], $0xC800, $0x38;
	[tilespmem:$0x19C80] =	vst v63  }
0x153: {  	_ =	swait.ge [sflag:s3], $0x640  }
0x154: {  	[sflag:s3] =	ssyncset.done $0x0  }
0x155: {  	[sflag:s3] =	ssyncadd.s32 $0xFFFFF9C0  }
0x156: {  	[tilespmem:s4], [sflag:$0x2] =	stream.linear.gather [hbm4b:s20+s2], $0x640, $0x38;
	[tilespmem:$0x19C80] =	vst v63  }
0x157: {  	_ =	swait.ge [sflag:s11], $0xC800  }
0x158: {  	[sflag:s11] =	ssyncset.done $0x0  }
0x159: {  	[sflag:s11] =	ssyncadd.s32 $0xFFFF3800  }
0x15a: {  	[tilespmem:s6], [sflag:$0x3] =	stream.indirect.gather [hbm4b:s5+s4], $0x20, s2, s4, $0xb8;
	[tilespmem:$0x19C80] =	vst v63  }
0x15b: {  	_ =	swait.ge [sflag:s7], $0xC800  }
0x15c: {  	[sflag:s7] =	ssyncset.done $0x0  }
0x15d: {  	[sflag:s7] =	ssyncadd.s32 $0xFFFF3800  }
0x15e: {  	[hbm4b:s21+s2] =	stream.linear.scatter [tilespmem:s6], [sflag:$0x5], $0xC800, $0x38;
	[tilespmem:$0x19C80] =	vst v63  }
0x15f: {  	_ =	swait.ge [sflag:s8], $0x640  }
0x160: {  	[sflag:s8] =	ssyncset.done $0x0  }
0x161: {  	[sflag:s8] =	ssyncadd.s32 $0xFFFFF9C0  }
0x162: {  	[tilespmem:s2], [sflag:$0x1] =	stream.linear.gather [hbm4b:s22+s2], $0x640, $0x38;
	[tilespmem:$0x19C80] =	vst v63  }
0x163: {  	_ =	swait.ge [sflag:s12], $0xC800  }
0x164: {  	[sflag:s12] =	ssyncset.done $0x0  }
0x165: {  	[sflag:s12] =	ssyncadd.s32 $0xFFFF3800  }
0x166: {  	[tilespmem:s9], [sflag:$0x4] =	stream.indirect.gather [hbm4b:s5+s4], $0x20, s4, s4, $0xb8;
	[tilespmem:$0x19C80] =	vst v63  }
0x167: {  	_ =	swait.ge [sflag:s10], $0xC800  }
0x168: {  	[sflag:s10] =	ssyncset.done $0x0  }
0x169: {  	[sflag:s10] =	ssyncadd.s32 $0xFFFF3800  }
0x16a: {  	[hbm4b:s23+s2] =	stream.linear.scatter [tilespmem:s9], [sflag:$0x6], $0xC800, $0x38;
	[tilespmem:$0x19C80] =	vst v63  }
0x16b: {  	_ =	swait.ge [sflag:s3], $0x640  }
0x16c: {  	[sflag:s3] =	ssyncset.done $0x0  }
0x16d: {  	[sflag:s3] =	ssyncadd.s32 $0xFFFFF9C0  }
0x16e: {  	[tilespmem:s4], [sflag:$0x2] =	stream.linear.gather [hbm4b:s24+s2], $0x640, $0x38;
	[tilespmem:$0x19C80] =	vst v63  }
0x16f: {  	_ =	swait.ge [sflag:s11], $0xC800  }
0x170: {  	[sflag:s11] =	ssyncset.done $0x0  }
0x171: {  	[sflag:s11] =	ssyncadd.s32 $0xFFFF3800  }
0x172: {  	[tilespmem:s6], [sflag:$0x3] =	stream.indirect.gather [hbm4b:s5+s4], $0x20, s2, s4, $0xb8;
	[tilespmem:$0x19C80] =	vst v63  }
0x173: {  	_ =	swait.ge [sflag:s7], $0xC800  }
0x174: {  	[sflag:s7] =	ssyncset.done $0x0  }
0x175: {  	[sflag:s7] =	ssyncadd.s32 $0xFFFF3800  }
0x176: {  	[hbm4b:s25+s2] =	stream.linear.scatter [tilespmem:s6], [sflag:$0x5], $0xC800, $0x38;
	[tilespmem:$0x19C80] =	vst v63  }
0x177: {  	_ =	swait.ge [sflag:s8], $0x640  }
0x178: {  	[sflag:s8] =	ssyncset.done $0x0  }
0x179: {  	[sflag:s8] =	ssyncadd.s32 $0xFFFFF9C0  }
0x17a: {  	[tilespmem:s2], [sflag:$0x1] =	stream.linear.gather [hbm4b:s26+s2], $0x640, $0x38;
	[tilespmem:$0x19C80] =	vst v63  }
0x17b: {  	_ =	swait.ge [sflag:s12], $0xC800  }
0x17c: {  	[sflag:s12] =	ssyncset.done $0x0  }
0x17d: {  	[sflag:s12] =	ssyncadd.s32 $0xFFFF3800  }
0x17e: {  	[tilespmem:s9], [sflag:$0x4] =	stream.indirect.gather [hbm4b:s5+s4], $0x20, s4, s4, $0xb8;
	[tilespmem:$0x19C80] =	vst v63  }
0x17f: {  	_ =	swait.ge [sflag:s10], $0xC800  }
0x180: {  	[sflag:s10] =	ssyncset.done $0x0  }
0x181: {  	[sflag:s10] =	ssyncadd.s32 $0xFFFF3800  }
0x182: {  	[hbm4b:s28+s2] =	stream.linear.scatter [tilespmem:s9], [sflag:$0x6], $0xC800, $0x38;
	[tilespmem:$0x19C80] =	vst v63  }
0x183: {  	_ =	swait.ge [sflag:s3], $0x640  }
0x184: {  	[sflag:s3] =	ssyncset.done $0x0  }
0x185: {  	[sflag:s3] =	ssyncadd.s32 $0xFFFFF9C0  }
0x186: {  	[tilespmem:s4], [sflag:$0x2] =	stream.linear.gather [hbm4b:s29+s2], $0x640, $0x38;
	[tilespmem:$0x19C80] =	vst v63  }
0x187: {  	_ =	swait.ge [sflag:s11], $0xC800  }
0x188: {  	[sflag:s11] =	ssyncset.done $0x0  }
0x189: {  	[sflag:s11] =	ssyncadd.s32 $0xFFFF3800  }
0x18a: {  	[tilespmem:s6], [sflag:$0x3] =	stream.indirect.gather [hbm4b:s5+s4], $0x20, s2, s4, $0xb8;
	[tilespmem:$0x19C80] =	vst v63  }
0x18b: {  	_ =	swait.ge [sflag:s7], $0xC800  }
0x18c: {  	[sflag:s7] =	ssyncset.done $0x0  }
0x18d: {  	[sflag:s7] =	ssyncadd.s32 $0xFFFF3800  }
0x18e: {  	[hbm4b:s30+s2] =	stream.linear.scatter [tilespmem:s6], [sflag:$0x5], $0xC800, $0x38;
	[tilespmem:$0x19C80] =	vst v63  }
0x18f: {  	_ =	swait.ge [sflag:s8], $0x640  }
0x190: {  	[sflag:s8] =	ssyncset.done $0x0  }
0x191: {  	[sflag:s8] =	ssyncadd.s32 $0xFFFFF9C0  }
0x192: {  	_ =	swait.ge [sflag:s12], $0xC800  }
0x193: {  	[sflag:s12] =	ssyncset.done $0x0  }
0x194: {  	[sflag:s12] =	ssyncadd.s32 $0xFFFF3800  }
0x195: {  	[tilespmem:s9], [sflag:$0x4] =	stream.indirect.gather [hbm4b:s5+s4], $0x20, s4, s4, $0xb8;
	[tilespmem:$0x19C80] =	vst v63  }
0x196: {  	_ =	swait.ge [sflag:s10], $0xC800  }
0x197: {  	[sflag:s10] =	ssyncset.done $0x0  }
0x198: {  	p0 =	sne.s32 s1, $0x1;
	[sflag:s10] =	ssyncadd.s32 $0xFFFF3800  }
0x199: {  	[hbm4b:s31+s2] =	stream.linear.scatter [tilespmem:s9], [sflag:$0x6], $0xC800, $0x38;
	[tilespmem:$0x19C80] =	vst v63  }
.Ltmp1:
0x19a: {  	_ =	swait.ge [sflag:s11], $0xC800;
	(pc) =	sbr.rel @p0 .LBB2_1-.Ltmp1, $4  }
0x19b: {  	[sflag:s11] =	ssyncset.done $0x0  }
0x19c: {  	[sflag:s11] =	ssyncadd.s32 $0xFFFF3800  }
0x19d: {  	_ =	swait.ge [sflag:s12], $0xC800  }
0x19e: {  	s1 =	sadd.s32 $0xFFFFFFFF, s1;
	[sflag:s12] =	ssyncset.done $0x0  }
.LBB2_2:
0x19f: {  	[sflag:s12] =	ssyncadd.s32 $0xFFFF3800  }
0x1a0: {  	_ =	sfence.sel $0x180000  }
0x1a1: {  	[bflag:$0x0] =	sbarrier.arrive $0xFFFF  }
0x1a2: {  	_ =	strace $0x90000047  }
0x1a3: {  	s0 =	stileid.u32;
	[bflag:$0x2] =	sbarrier.arrive $0xFFFF  }
0x1a4: {  	p0 =	sne.s32 s0, $0x0;
	s0 =	rddreg [dreg:$0x2]  }
0x1a5: {  	s0 =	sadd.s32 @!p0 $0x100000, s0  }
0x1a6: {  	[sflag:s0] =	ssyncadd.tile.s32 @!p0 $0x1;
	_ =	shalt  }
.Lfunc_end2:
_tile_overlayer_lowered:
.L_overlay_start_2:
0x1a7: {  	(tag) =	ssettag $0x2  }
0x1a8: {  	s0 =	rddreg [dreg:$0x0];
	s2 =	stileid.u32  }
0x1a9: {  	s1 =	rddreg [dreg:$0x1];
	p0 =	sne.s32 s2, $0x0  }
0x1aa: {  	s3 =	rddreg [dreg:$0x2];
	[bflag:$0x3] =	sbarrier.arrive $0xFFFF;
	s2 =	simm.s32 @!p0 $0x1C07  }
0x1ab: {  	[timem:s3], [sflag:s2] =	dma.local @!p0 [hbm:s0], s1  }
0x1ac: {  	s0 =	simm.s32 @!p0 $0x7  }
0x1ad: {  	_ =	swait.ge @!p0 [sflag:s0], s1  }
0x1ae: {  	s1 =	ssub.s32 @!p0 $0x0, s1;
	[sflag:s0] =	ssyncset.done @!p0 $0x0  }
0x1af: {  	[sflag:s0] =	ssyncadd.s32 @!p0 s1  }
0x1b0: {  	[bflag:$0x3] =	sbarrier.arrive $0xFFFF  }
0x1b1: {  	_ =	shalt  }

// kernel: sparse-core-data-format-call.1.cloned.1.call-start
scs
called_computation.1_lowered:
.L_overlay_start_0:
0x0: {  	s2 =	sld [smem:$0x3FD9]  }
0x1: {  	s3 =	sld [smem:$0x3FFE];
	_ =	sdelay $0x1  }
0x2: {  	s1 =	srdreg.scid  }
0x3: {  	s0 =	sand.u32 $0x1, s1  }
0x4: {  	s18 =	sshll.u32 s0, $0xA;
	s2 =	sadd.s32 s3, s2  }
0x5: {  	s2 =	sadd.s32 s2, s18  }
0x6: {  	[smem:$0x3FC6] =	sst s2  }
0x7: {  	_ = 	snop  }
0x8: {  	s2 =	sld [smem:$0x3FD0];
	(tm) =	ssettm $0x1  }
0x9: {  	s19 =	sld [smem:$0x3FFB];
	_ =	sdelay $0x3  }
0xa: {  	_ =	strace s19  }
0xb: {  	s3 =	sld [smem:$0x3FFC];
	_ =	sdelay $0x3  }
0xc: {  	_ =	strace s3  }
0xd: {  	s3 =	sld [smem:$0x3FFD];
	_ =	sdelay $0x3  }
0xe: {  	_ =	strace s3  }
0xf: {  	_ =	strace $0x8FFFFFFF  }
0x10: {  	s20 =	sld [smem:$0x3FDB];
	_ =	sdelay $0x1  }
0x11: {  	s4 =	simm.s32 $_scs_section_size  }
0x12: {  	s5 =	simm.s32 $_size__tile_overlayer_lowered;
	s6 =	simm.s32 $_tile_overlayer_lowered  }
0x13: {  	s23 =	simm.s32 $0x1BFF;
	s22 =	sshll.u32 s6, $0x1;
	s3 =	sadd.s32 s4, s20  }
0x14: {  	s7 =	simm.s32 $0x0;
	s21 =	sshll.u32 s5, $0x1;
	s5 =	sadd.s32 s22, s3  }
0x15: {  	[timem:s7], [sflag:s23] =	dma.local [hbm:s5], s21  }
0x16: {  	_ =	swait.ge [sflag:s23], s21  }
0x17: {  	s4 =	ssub.s32 $0x0, s21;
	[sflag:s23] =	ssyncset.done $0x0  }
0x18: {  	[sflag:s23] =	ssyncadd.s32 s4;
	_ =	sdelay $0x1  }
0x19: {  	s24 =	simm.s32 $0x1B8B  }
0x1a: {  	_ =	swait.ge [sflag:s24], $0x1  }
0x1b: {  	[sflag:s24] =	ssyncset.done $0x0  }
0x1c: {  	s26 =	simm.s32 $0x1B8E;
	s25 =	sld [smem:$0x3FFE];
	[sflag:s24] =	ssyncadd.s32 $0xFFFFFFFF  }
0x1d: {  	s27 =	simm.s32 $execute0_lowered;
	[smem:$0x3FD2] =	sst s26  }
0x1e: {  	s5 =	sshll.u32 s27, $0x1;
	_ =	strace $0x80000049;
	[dreg:$0x1] =	wrdreg $0xFFFFFFFF  }
0x1f: {  	s28 =	simm.s32 $_size_execute0_lowered;
	s3 =	sadd.s32 s3, s5;
	[dreg:$0x0] =	wrdreg $0x0  }
0x20: {  	s5 =	sshll.u32 s28, $0x1;
	[dreg:$0x2] =	wrdreg s3  }
0x21: {  	[dreg:$0x3] =	wrdreg s5  }
0x22: {  	[dreg:$0x4] =	wrdreg $0xC0  }
0x23: {  	_ =	task [dreg:s7], $0x5FFFF  }
0x24: {  	[dreg:$0x1] =	wrdreg $0xFFFFFFFF  }
0x25: {  	[dreg:$0x0] =	wrdreg $0x60  }
0x26: {  	[dreg:$0x2] =	wrdreg s25  }
0x27: {  	[dreg:$0x3] =	wrdreg s2  }
0x28: {  	[dreg:$0x4] =	wrdreg $0x9  }
0x29: {  	_ =	task.clear_ibuf [dreg:s7], $0x5FFFF;
	_ =	strace $0x90000049  }
0x2a: {  	s29 =	simm.s32 $0x9;
	_ =	strace $0x8000004B  }
0x2b: {  	_ =	swait.ge [sflag:s29], $0x1  }
0x2c: {  	[sflag:s29] =	ssyncadd.s32 $0xFFFFFFFF  }
0x2d: {  	_ =	strace $0x9000004B  }
0x2e: {  	_ =	sfence  }
0x2f: {  	s30 =	sld [smem:$0x0];
	_ =	sdelay $0x2  }
0x30: {  	s31 =	sshll.u32 s1, $0xD;
	s1 =	sshrl.u32 s1, $0x2  }
0x31: {  	s3 =	sand.u32 $0x4000, s31;
	s1 =	sadd.s32 s1, s30  }
0x32: {  	s0 =	sor.u32 s3, s0;
	s1 =	sshll.u32 s1, $0x11  }
0x33: {  	s0 =	sor.u32 s1, s0  }
0x34: {  	s0 =	sadd.s32 $0x8F2B, s0  }
0x35: {  	[sflag:s0] =	ssyncadd.remote.s32 $0x1  }
0x36: {  	_ =	sfence.sel $0xFFFF  }
0x37: {  	[dreg:$0x0] =	wrdreg $0xFFFFFFFF;
	(pc) =	sbr.abs _section_cstart, $3  }
0x38: {  	[dreg:$0x1] =	wrdreg $0xFFFFFFFF  }
0x39: {  	_ =	task.clear_ibuf [dreg:s7], $0x2FFFF;
	_ =	strace $0x9FFFFFFF  }
0x3a: {  	(tm) =	ssettm $0x7FFFFFFF  }
0x3b: {  	_ =	shalt  }
tec
execute0_lowered:
.L_overlay_start_1:
0x0: {  	(tag) =	ssettag $0x1  }
0x1: {  	s0 =	srdreg.scid  }
0x2: {  	s1 =	sshll.u32 s0, $0x4  }
0x3: {  	s4 =	rddreg [dreg:$0x0];
	s0 =	stileid.u32;
	s1 =	sand.u32 $0x10, s1  }
0x4: {  	s2 =	rddreg [dreg:$0x1];
	s7 =	simm.s32 $0x1;
	s1 =	sor.u32 s0, s1  }
0x5: {  	s8 =	simm.s32 $0x2;
	s11 =	simm.s32 $0x0;
	s3 =	sshll.u32 s1, $0x7  }
0x6: {  	s10 =	simm.s32 $0x0;
	s4 =	sadd.s32 $0xE00, s4;
	s6 =	ssub.s32 $0xC8000, s3  }
.Ltmp0:
0x7: {  	s1 =	rddreg [dreg:$0x2];
	s5 =	sand.u32 $0xF80, s6;
	(pc) =	sbr.rel .LBB1_1-.Ltmp0, $4  }
0x8: {  	_ =	strace $0x8000004A;
	s9 =	smov.u32 s3;
	p0 =	sne.s32 s5, $0x0  }
0x9: {  	s6 =	sshrl.u32 s6, $0xC;
	s5 =	simm.s32 $0x1;
	s7 =	simm.s32 @!p0 $0x0  }
0xa: {  	[sflag:s5] =	ssyncpa.u1 $0x0;
	p0 =	por $0x0, $0x0;
	s6 =	sadd.s32 s7, s6  }
0xb: {  	[sflag:s8] =	ssyncpa.u1 $0x0;
	s8 =	simm.s32 $0x640000;
	s7 =	sadd.s32 $0x1, s6  }
.LBB1_4:
0xc: {  	s14 =	sshll.u32 s11, $0x3  }
0xd: {  	s30 =	sand.u32 $0x7F, s11;
	s15 =	sand.u32 $0xFFFFFC00, s14  }
0xe: {  	s11 =	sor.u32 s30, s15  }
0xf: {  	s15 =	smulhi.u32 $0x51EB851F, s11  }
0x10: {  	s14 =	smulhi.u32 $0x51EB851F, s14  }
0x11: {  	s15 =	sshrl.u32 s15, $0x12  }
0x12: {  	s14 =	sshrl.u32 s14, $0x12;
	s15 =	smul.u32 $0xC8000, s15  }
0x13: {  	s14 =	sand.u32 $0x1F, s14  }
0x14: {  	s14 =	smul.u32 $0x19000, s14;
	s11 =	ssub.s32 s11, s15  }
0x15: {  	s15 =	sand.u32 $0x7, s11  }
0x16: {  	s14 =	sadd.s32 s2, s14;
	s11 =	sshrl.u32 s11, $0x3;
	s15 =	sshll.u32 s15, $0x12  }
0x17: {  	[tilespmem:s13+$0x0 ss:$0x81] =	vst.msk $0xffff, v0;
	s11 =	sadd.s32 s11, s14;
	s31 =	sor.u32 $0x400, s15  }
0x18: {  	[hbm4b:s11+s31] =	stream.strided.scatter [tilespmem:s12], [sflag:$0x2], $0x1000, s8, s31, $0x20;
	[tilespmem:$0x4040] =	vst v63  }
.LBB1_5:
0x19: {  	s13 =	sadd.s32 $0x1000, s9  }
0x1a: {  	p2 =	sgt.s32 s13, $0xC7FFF  }
0x1b: {  	s13 =	smov.u32 @p2 s3;
	p2 =	sne.s32 s10, s7  }
.Ltmp1:
0x1c: {  	p1 =	slt.u32 s10, $0x2;
	(pc) =	sbr.rel @!p2 .LBB1_6-.Ltmp1, $4  }
0x1d: {  	s12 =	simm.s32 @!p1 $0x2  }
0x1e: {  	s14 =	sadd.s32 $0x1, s10;
	_ =	swait.ge @!p1 [sflag:s12], $0x1000  }
0x1f: {  	s11 =	smov.u32 s9;
	p0 =	por !p0, !p0;
	[sflag:s12] =	ssyncset.done @!p1 $0x0  }
0x20: {  	s10 =	smov.u32 s14;
	s9 =	smov.u32 s13;
	[sflag:s12] =	ssyncadd.s32 @!p1 $0xFFFFF000  }
.LBB1_1:
0x21: {  	p1 =	sge.u32 s10, s6  }
0x22: {  	s12 =	sand.u32 @!p1 $0x1FFFFFF, s9  }
0x23: {  	s13 =	smulhi.u32 @!p1 $0x147AE15, s12;
	_ =	sdelay $0x1  }
0x24: {  	s13 =	sshrl.u32 @!p1 s13, $0xC  }
0x25: {  	s13 =	smul.u32 @!p1 $0xC8000, s13;
	_ =	sdelay $0x1  }
0x26: {  	s31 =	sadd.s32 $0xFFFFFFFF, s10;
	s14 =	sxor.u32 @!p1 $0xFFFFFFFF, s10;
	s12 =	ssub.s32 @!p1 s12, s13  }
0x27: {  	s15 =	simm.s32 @!p1 $0x80;
	s14 =	sshll.u32 @!p1 s14, $0xC;
	s12 =	sshll.u32 @!p1 s12, $0x4  }
0x28: {  	s13 =	sand.u32 @!p1 $0x1000, s14;
	s14 =	simm.s32 @!p1 $0x20;
	s12 =	sadd.s32 @!p1 s4, s12  }
0x29: {  	[tilespmem:s13], [sflag:$0x1] =	stream.strided.gather @!p1 [hbm4b:s12+s14], $0x1000, s15, s14, $0x38;
	[tilespmem:$0x4040] =	vst v63  }
0x2a: {  	p1 =	sge.u32 s31, s6  }
.Ltmp2:
0x2b: {  	_ = 	snop;
	(pc) =	sbr.rel @p1 .LBB1_5-.Ltmp2, $1  }
0x2c: {  	_ =	sdelay $0x3  }
0x2d: {  	s12 =	simm.s32 $0x1  }
0x2e: {  	_ =	swait.ge [sflag:s5], $0x1000;
	s12 =	simm.s32 @!p0 $0x0  }
0x2f: {  	[sflag:s5] =	ssyncset.done $0x0;
	s13 =	sshll.u32 s12, $0xC  }
0x30: {  	[sflag:s5] =	ssyncadd.s32 $0xFFFFF000;
	s16 =	sor.u32 $0x10, s13  }
0x31: {  	s12 =	smul.u32 $0x4080, s12;
	v1 =	vld [tilespmem:s16+$0x0]  }
0x32: {  	s30 =	sand.u32 $0x1, s10;
	v0 =	vld [tilespmem:s16+$0xFFFFFFF0]  }
0x33: {  	s13 =	smul.u32 $0x4080, s30;
	s12 =	sshrl.u32 s12, $0x2  }
0x34: {  	s14 =	sor.u32 $0x2000, s12  }
0x35: {  	s31 =	sshrl.u32 s13, $0x2;
	s13 =	sadd.s32 $0x0, s14  }
0x36: {  	s15 =	simm.s32 $0x4;
	s16 =	sadd.s32 $0x20, s16;
	s12 =	sor.u32 $0x2000, s31;
	[tilespmem:s13+$0x810 ss:$0x81] =	vst.msk $0xffff, v1  }
.LBB1_3:
0x37: {  	v1 =	vld [tilespmem:s16+$0x0];
	p1 =	sne.s32 s15, $0x1FC;
	[tilespmem:s13+$0x0 ss:$0x81] =	vst.msk $0xffff, v0;
	s13 =	smov.u32 s15;
	s15 =	sadd.s32 $0x4, s15  }
.Ltmp3:
0x38: {  	v0 =	vld [tilespmem:s16+$0xFFFFFFF0];
	(pc) =	sbr.rel @p1 .LBB1_3-.Ltmp3, $4  }
0x39: {  	_ = 	snop  }
0x3a: {  	s13 =	sshra.s32 s13, $0x2  }
0x3b: {  	s13 =	sadd.s32 s13, s14  }
0x3c: {  	s16 =	sadd.s32 $0x20, s16;
	[tilespmem:s13+$0x810 ss:$0x81] =	vst.msk $0xffff, v1  }
.Ltmp4:
0x3d: {  	_ = 	snop;
	(pc) =	sbr.rel .LBB1_4-.Ltmp4, $1  }
0x3e: {  	_ =	sdelay $0x3  }
.LBB1_6:
0x3f: {  	_ =	sfence.sel $0x180000  }
0x40: {  	s2 =	simm.s32 $0x1;
	[bflag:$0x0] =	sbarrier.arrive $0xFFFF  }
0x41: {  	s31 =	simm.s32 $0x2;
	[sflag:s2] =	ssyncpa.u1 $0x1  }
0x42: {  	[sflag:s31] =	ssyncpa.u1 $0x1  }
0x43: {  	p0 =	sne.s32 s0, $0x0;
	_ =	strace $0x9000004A  }
0x44: {  	s0 =	sadd.s32 @!p0 $0x100000, s1;
	[bflag:$0x2] =	sbarrier.arrive $0xFFFF  }
0x45: {  	[sflag:s0] =	ssyncadd.tile.s32 @!p0 $0x1;
	_ =	shalt  }
.Lfunc_end1:
_tile_overlayer_lowered:
.L_overlay_start_2:
0x46: {  	(tag) =	ssettag $0x2  }
0x47: {  	s0 =	rddreg [dreg:$0x0];
	s2 =	stileid.u32  }
0x48: {  	s1 =	rddreg [dreg:$0x1];
	p0 =	sne.s32 s2, $0x0  }
0x49: {  	s3 =	rddreg [dreg:$0x2];
	[bflag:$0x3] =	sbarrier.arrive $0xFFFF;
	s2 =	simm.s32 @!p0 $0x1C01  }
0x4a: {  	[timem:s3], [sflag:s2] =	dma.local @!p0 [hbm:s0], s1  }
0x4b: {  	s0 =	simm.s32 @!p0 $0x1  }
0x4c: {  	_ =	swait.ge @!p0 [sflag:s0], s1  }
0x4d: {  	s1 =	ssub.s32 @!p0 $0x0, s1;
	[sflag:s0] =	ssyncset.done @!p0 $0x0  }
0x4e: {  	[sflag:s0] =	ssyncadd.s32 @!p0 s1  }
0x4f: {  	[bflag:$0x3] =	sbarrier.arrive $0xFFFF  }
0x50: {  	_ =	shalt  }

// kernel: sparse-core-data-format-call.cloned.1.call-start
scs
called_computation_lowered:
.L_overlay_start_0:
0x0: {  	s2 =	sld [smem:$0x3FD9]  }
0x1: {  	s3 =	sld [smem:$0x3FFE];
	_ =	sdelay $0x1  }
0x2: {  	s1 =	srdreg.scid  }
0x3: {  	s0 =	sand.u32 $0x1, s1  }
0x4: {  	s18 =	sshll.u32 s0, $0xA;
	s2 =	sadd.s32 s3, s2  }
0x5: {  	s2 =	sadd.s32 s2, s18  }
0x6: {  	[smem:$0x3FC6] =	sst s2  }
0x7: {  	_ = 	snop  }
0x8: {  	s2 =	sld [smem:$0x3FD0];
	(tm) =	ssettm $0x1  }
0x9: {  	s19 =	sld [smem:$0x3FFB];
	_ =	sdelay $0x3  }
0xa: {  	_ =	strace s19  }
0xb: {  	s3 =	sld [smem:$0x3FFC];
	_ =	sdelay $0x3  }
0xc: {  	_ =	strace s3  }
0xd: {  	s3 =	sld [smem:$0x3FFD];
	_ =	sdelay $0x3  }
0xe: {  	_ =	strace s3  }
0xf: {  	_ =	strace $0x8FFFFFFF  }
0x10: {  	s20 =	sld [smem:$0x3FDB];
	_ =	sdelay $0x1  }
0x11: {  	s4 =	simm.s32 $_scs_section_size  }
0x12: {  	s5 =	simm.s32 $_size__tile_overlayer_lowered;
	s6 =	simm.s32 $_tile_overlayer_lowered  }
0x13: {  	s23 =	simm.s32 $0x1BFF;
	s22 =	sshll.u32 s6, $0x1;
	s3 =	sadd.s32 s4, s20  }
0x14: {  	s7 =	simm.s32 $0x0;
	s21 =	sshll.u32 s5, $0x1;
	s5 =	sadd.s32 s22, s3  }
0x15: {  	[timem:s7], [sflag:s23] =	dma.local [hbm:s5], s21  }
0x16: {  	_ =	swait.ge [sflag:s23], s21  }
0x17: {  	s4 =	ssub.s32 $0x0, s21;
	[sflag:s23] =	ssyncset.done $0x0  }
0x18: {  	[sflag:s23] =	ssyncadd.s32 s4;
	_ =	sdelay $0x1  }
0x19: {  	s24 =	simm.s32 $0x1B8B  }
0x1a: {  	_ =	swait.ge [sflag:s24], $0x1  }
0x1b: {  	[sflag:s24] =	ssyncset.done $0x0  }
0x1c: {  	s26 =	simm.s32 $0x1B8E;
	s25 =	sld [smem:$0x3FFE];
	[sflag:s24] =	ssyncadd.s32 $0xFFFFFFFF  }
0x1d: {  	s27 =	simm.s32 $execute0_lowered;
	[smem:$0x3FD2] =	sst s26  }
0x1e: {  	s5 =	sshll.u32 s27, $0x1;
	_ =	strace $0x8000004C;
	[dreg:$0x1] =	wrdreg $0xFFFFFFFF  }
0x1f: {  	s28 =	simm.s32 $_size_execute0_lowered;
	s3 =	sadd.s32 s3, s5;
	[dreg:$0x0] =	wrdreg $0x0  }
0x20: {  	s5 =	sshll.u32 s28, $0x1;
	[dreg:$0x2] =	wrdreg s3  }
0x21: {  	[dreg:$0x3] =	wrdreg s5  }
0x22: {  	[dreg:$0x4] =	wrdreg $0xC0  }
0x23: {  	_ =	task [dreg:s7], $0x5FFFF  }
0x24: {  	[dreg:$0x1] =	wrdreg $0xFFFFFFFF  }
0x25: {  	[dreg:$0x0] =	wrdreg $0x60  }
0x26: {  	[dreg:$0x2] =	wrdreg s25  }
0x27: {  	[dreg:$0x3] =	wrdreg s2  }
0x28: {  	[dreg:$0x4] =	wrdreg $0x9  }
0x29: {  	_ =	task.clear_ibuf [dreg:s7], $0x5FFFF;
	_ =	strace $0x9000004C  }
0x2a: {  	s29 =	simm.s32 $0x9;
	_ =	strace $0x8000004E  }
0x2b: {  	_ =	swait.ge [sflag:s29], $0x1  }
0x2c: {  	[sflag:s29] =	ssyncadd.s32 $0xFFFFFFFF  }
0x2d: {  	_ =	strace $0x9000004E  }
0x2e: {  	_ =	sfence  }
0x2f: {  	s30 =	sld [smem:$0x0];
	_ =	sdelay $0x2  }
0x30: {  	s31 =	sshll.u32 s1, $0xD;
	s1 =	sshrl.u32 s1, $0x2  }
0x31: {  	s3 =	sand.u32 $0x4000, s31;
	s1 =	sadd.s32 s1, s30  }
0x32: {  	s0 =	sor.u32 s3, s0;
	s1 =	sshll.u32 s1, $0x11  }
0x33: {  	s0 =	sor.u32 s1, s0  }
0x34: {  	s0 =	sadd.s32 $0x8F2B, s0  }
0x35: {  	[sflag:s0] =	ssyncadd.remote.s32 $0x1  }
0x36: {  	_ =	sfence.sel $0xFFFF  }
0x37: {  	[dreg:$0x0] =	wrdreg $0xFFFFFFFF;
	(pc) =	sbr.abs _section_cstart, $3  }
0x38: {  	[dreg:$0x1] =	wrdreg $0xFFFFFFFF  }
0x39: {  	_ =	task.clear_ibuf [dreg:s7], $0x2FFFF;
	_ =	strace $0x9FFFFFFF  }
0x3a: {  	(tm) =	ssettm $0x7FFFFFFF  }
0x3b: {  	_ =	shalt  }
tec
execute0_lowered:
.L_overlay_start_1:
0x0: {  	(tag) =	ssettag $0x1  }
0x1: {  	s8 =	rddreg [dreg:$0x0]  }
0x2: {  	s2 =	rddreg [dreg:$0x1];
	s1 =	stileid.u32  }
0x3: {  	s4 =	srdreg.scid;
	s0 =	rddreg [dreg:$0x2];
	_ =	strace $0x8000004D  }
0x4: {  	s9 =	simm.s32 $0x1;
	s31 =	simm.s32 $0x2;
	s16 =	simm.s32 $0x0  }
0x5: {  	s17 =	simm.s32 $0x0;
	s11 =	simm.s32 $0x0;
	s12 =	simm.s32 $0x0  }
0x6: {  	s15 =	simm.s32 $0x0;
	s3 =	sshll.u32 s1, $0x1;
	s4 =	sshll.u32 s4, $0x7  }
0x7: {  	s4 =	sand.u32 $0x80, s4;
	s5 =	ssub.s32 $0x20, s3;
	s14 =	smov.u32 s3  }
0x8: {  	s6 =	sshrl.u32 s5, $0x5;
	s5 =	sand.u32 $0x1E, s5;
	s7 =	ssub.s32 $0x4000, s4  }
0x9: {  	p0 =	sne.s32 s5, $0x0;
	s30 =	sshrl.u32 s7, $0x7;
	s7 =	sshrl.u32 s7, $0x8  }
.Ltmp0:
0xa: {  	s9 =	simm.s32 @!p0 $0x0;
	s10 =	sand.u32 $0x1, s30;
	(pc) =	sbr.rel .LBB1_1-.Ltmp0, $4  }
0xb: {  	s5 =	simm.s32 $0x1;
	s6 =	sadd.s32 s9, s6;
	s7 =	sadd.s32 s7, s10  }
0xc: {  	s13 =	smov.u32 s4;
	[sflag:s5] =	ssyncpa.u1 $0x0;
	s6 =	smul.u32 s6, s7  }
0xd: {  	p0 =	por $0x0, $0x0;
	[sflag:s31] =	ssyncpa.u1 $0x0;
	s10 =	simm.s32 $0x80000  }
0xe: {  	s7 =	sadd.s32 $0xE00, s8;
	s8 =	sadd.s32 $0x40E00, s8;
	s9 =	sadd.s32 $0x1, s6  }
.LBB1_7:
0xf: {  	p1 =	slt.u32 s15, $0x2  }
0x10: {  	s19 =	smov.u32 s17;
	p2 =	sgt.s32 @!p1 s17, $0x1E;
	s18 =	sshra.s32 @!p1 s17, $0x1F  }
0x11: {  	p3 =	sgt.s32 @!p1 s16, $0x3F80;
	s20 =	sshra.s32 @!p1 s16, $0x1F;
	p2 =	por !p2, p1  }
0x12: {  	s17 =	sand.u32 @!p1 s18, s17;
	p3 =	por !p3, p1;
	s18 =	smov.u32 s16  }
0x13: {  	s16 =	sand.u32 @!p1 s20, s16;
	s19 =	simm.s32 @p2 $0x1E;
	s18 =	simm.s32 @p3 $0x3F80  }
0x14: {  	s20 =	smov.u32 s14;
	s17 =	ssub.s32 @!p1 s19, s17;
	s16 =	ssub.s32 @!p1 s18, s16  }
0x15: {  	s18 =	sadd.s32 @!p1 $0xFFFFFFE2, s17;
	s17 =	ssub.s32 @!p1 $0x20, s17;
	s19 =	sadd.s32 @!p1 $0xFFFFC080, s16  }
0x16: {  	p2 =	sgt.s32 @!p1 s18, $0x1;
	s17 =	smul.u32 @!p1 $0x32, s17;
	p3 =	sgt.s32 @!p1 s19, $0x7F  }
0x17: {  	s16 =	ssub.s32 @!p1 $0x4000, s16;
	p2 =	por !p2, p1;
	p3 =	por !p3, p1  }
0x18: {  	s18 =	sadd.s32 $0x100, s13;
	s17 =	simm.s32 @!p2 $0x0;
	s16 =	simm.s32 @!p3 $0x0  }
0x19: {  	p2 =	sgt.s32 s18, $0x3FFF;
	s16 =	smul.u32 @!p1 s16, s17;
	s17 =	sadd.s32 $0x20, s14  }
0x1a: {  	s20 =	smov.u32 @p2 s17  }
0x1b: {  	s18 =	smov.u32 @p2 s4;
	p2 =	sgt.s32 s20, $0x1F  }
0x1c: {  	s20 =	smov.u32 @p2 s3;
	p2 =	sne.s32 s15, s9  }
.Ltmp1:
0x1d: {  	p0 =	por !p0, !p0;
	s19 =	simm.s32 @!p1 $0x2;
	(pc) =	sbr.rel @!p2 .LBB1_8-.Ltmp1, $4  }
0x1e: {  	s17 =	smov.u32 s12;
	s12 =	smov.u32 s14;
	s16 =	sand.u32 @!p1 $0x3FFFFFFE, s16  }
0x1f: {  	_ =	swait.ge @!p1 [sflag:s19], s16;
	s21 =	ssub.s32 @!p1 $0x0, s16;
	s16 =	smov.u32 s11  }
0x20: {  	s15 =	sadd.s32 $0x1, s15;
	s11 =	smov.u32 s13;
	[sflag:s19] =	ssyncset.done @!p1 $0x0  }
0x21: {  	s13 =	smov.u32 s18;
	s14 =	smov.u32 s20;
	[sflag:s19] =	ssyncadd.s32 @!p1 s21  }
.LBB1_1:
0x22: {  	p1 =	sge.u32 s15, s6  }
0x23: {  	s18 =	sxor.u32 @!p1 $0xFFFFFFFF, s15;
	s19 =	sshll.u32 @!p1 s14, $0x12  }
0x24: {  	s20 =	sshll.u32 @!p1 s13, $0x4;
	s22 =	simm.s32 @!p1 $0x40;
	s23 =	simm.s32 @!p1 $0x80  }
0x25: {  	s18 =	sshll.u32 @!p1 s18, $0xE;
	s20 =	sand.u32 @!p1 $0x3FFF0, s20;
	s21 =	sadd.s32 @!p1 s7, s19  }
0x26: {  	s19 =	sadd.s32 @!p1 s19, s8;
	s18 =	sand.u32 @!p1 $0x4000, s18;
	s21 =	sadd.s32 @!p1 s20, s21  }
0x27: {  	[tilespmem:s18], [sflag:$0x1] =	stream.strided.gather @!p1 [hbm4b:s21+s22], $0x2000, s23, s22, $0x38;
	[tilespmem:$0x10100] =	vst v63  }
0x28: {  	s31 =	sadd.s32 $0xFFFFFFFF, s15;
	s19 =	sadd.s32 @!p1 s20, s19;
	s18 =	sor.u32 @!p1 $0x2000, s18  }
0x29: {  	[tilespmem:s18], [sflag:$0x1] =	stream.strided.gather @!p1 [hbm4b:s19+s22], $0x2000, s23, s22, $0x38;
	[tilespmem:$0x10100] =	vst v63  }
0x2a: {  	p1 =	sge.u32 s31, s6  }
.Ltmp2:
0x2b: {  	_ = 	snop;
	(pc) =	sbr.rel @p1 .LBB1_7-.Ltmp2, $1  }
0x2c: {  	_ =	sdelay $0x3  }
0x2d: {  	s18 =	simm.s32 $0x1;
	s20 =	sand.u32 $0x1, s15  }
0x2e: {  	_ =	swait.ge [sflag:s5], $0x4000;
	s18 =	simm.s32 @!p0 $0x0;
	s20 =	smul.u32 $0x10200, s20  }
0x2f: {  	p2 =	por $0x1, $0x1;
	[sflag:s5] =	ssyncset.done $0x0;
	s19 =	smul.u32 $0x10200, s18  }
0x30: {  	s21 =	sshll.u32 s18, $0x10;
	[sflag:s5] =	ssyncadd.s32 $0xFFFFC000;
	s30 =	sshrl.u32 s20, $0x2  }
0x31: {  	s31 =	sshrl.u32 s21, $0x2;
	s21 =	simm.s32 $0x0;
	s19 =	sshrl.u32 s19, $0x2  }
0x32: {  	s18 =	sor.u32 $0x8000, s30;
	s20 =	sadd.s32 $0x20, s31;
	s19 =	sor.u32 $0x8000, s19  }
.LBB1_3:
0x33: {  	s22 =	sshll.u32 s21, $0xD  }
0x34: {  	s22 =	sand.u32 $0x3FFFE000, s22  }
0x35: {  	s24 =	sadd.s32 s22, s20  }
0x36: {  	s31 =	smul.u32 $0x204, s21;
	v3 =	vld [tilespmem:s24+$0x10]  }
0x37: {  	v1 =	vld [tilespmem:s24+$0xFFFFFFF0]  }
0x38: {  	s21 =	sshra.s32 s31, $0x2;
	v0 =	vld [tilespmem:s24+$0x0]  }
0x39: {  	s21 =	sadd.s32 s21, s19;
	v2 =	vld [tilespmem:s24+$0xFFFFFFE0]  }
0x3a: {  	s22 =	sadd.s32 $0x0, s21  }
0x3b: {  	p1 =	por p2, p2;
	s23 =	simm.s32 $0x4;
	s24 =	sadd.s32 $0x40, s24;
	[tilespmem:s22+$0x3060 ss:$0x102] =	vst.msk $0xffff, v3  }
.LBB1_4:
0x3c: {  	v3 =	vld [tilespmem:s24+$0x10];
	p2 =	sne.s32 s23, $0x1FC;
	[tilespmem:s22+$0x1020 ss:$0x102] =	vst.msk $0xffff, v1;
	s25 =	smov.u32 s23;
	s23 =	sadd.s32 $0x4, s23  }
.Ltmp3:
0x3d: {  	v1 =	vld [tilespmem:s24+$0xFFFFFFF0];
	[tilespmem:s22+$0x2040 ss:$0x102] =	vst.msk $0xffff, v0;
	(pc) =	sbr.rel @p2 .LBB1_4-.Ltmp3, $4  }
0x3e: {  	v0 =	vld [tilespmem:s24+$0x0];
	[tilespmem:s22+$0x0 ss:$0x102] =	vst.msk $0xffff, v2  }
0x3f: {  	s22 =	sshra.s32 s25, $0x2;
	v2 =	vld [tilespmem:s24+$0xFFFFFFE0]  }
0x40: {  	s22 =	sadd.s32 s22, s21  }
0x41: {  	s24 =	sadd.s32 $0x40, s24;
	[tilespmem:s22+$0x3060 ss:$0x102] =	vst.msk $0xffff, v3  }
.Ltmp4:
0x42: {  	(pc) =	sbr.rel @p1 .LBB1_3-.Ltmp4, $4  }
0x43: {  	_ = 	snop  }
0x44: {  	[tilespmem:s22+$0x1020 ss:$0x102] =	vst.msk $0xffff, v1  }
0x45: {  	[tilespmem:s22+$0x2040 ss:$0x102] =	vst.msk $0xffff, v0  }
0x46: {  	s21 =	simm.s32 $0x1;
	p2 =	por $0x0, $0x0;
	[tilespmem:s22+$0x0 ss:$0x102] =	vst.msk $0xffff, v2  }
0x47: {  	s19 =	sand.u32 $0x78, s11;
	p1 =	sgt.s32 s12, $0x1E;
	s20 =	smov.u32 s12  }
0x48: {  	s21 =	sshra.s32 s12, $0x1F;
	s22 =	sshll.u32 s12, $0xE;
	s23 =	sshll.u32 s11, $0x3  }
0x49: {  	s30 =	sshra.s32 s11, $0x1F;
	s25 =	sshll.u32 s12, $0x7;
	s20 =	simm.s32 @!p1 $0x1E  }
0x4a: {  	s21 =	sand.u32 s21, s12;
	s22 =	sand.u32 $0x60000, s22;
	p1 =	sgt.s32 s11, $0x3F80  }
0x4b: {  	s25 =	sand.u32 $0x380, s25;
	s20 =	ssub.s32 s20, s21;
	s21 =	smov.u32 s11  }
0x4c: {  	s22 =	sadd.s32 s22, s23;
	s24 =	sadd.s32 $0xFFFFFFE2, s20;
	s21 =	simm.s32 @!p1 $0x3F80  }
0x4d: {  	s20 =	ssub.s32 $0x20, s20;
	p1 =	sgt.s32 s24, $0x1;
	s24 =	sand.u32 s30, s11  }
0x4e: {  	s23 =	sand.u32 $0x3C00, s23;
	s20 =	smul.u32 $0x32, s20;
	s21 =	ssub.s32 s21, s24  }
0x4f: {  	s19 =	sor.u32 s25, s19;
	s22 =	sand.u32 $0x7C000, s22;
	s24 =	sadd.s32 $0xFFFFC080, s21  }
0x50: {  	s20 =	simm.s32 @p1 $0x0;
	s21 =	ssub.s32 $0x4000, s21;
	p1 =	sgt.s32 s24, $0x7F  }
.Ltmp5:
0x51: {  	s19 =	sor.u32 s23, s19;
	s21 =	simm.s32 @p1 $0x0;
	(pc) =	sbr.rel .LBB1_7-.Ltmp5, $4  }
0x52: {  	s31 =	sand.u32 $0x7, s11;
	s19 =	sor.u32 s22, s19;
	s20 =	smul.u32 s21, s20  }
0x53: {  	s19 =	sshrl.u32 s19, $0x3;
	s21 =	sshll.u32 s31, $0x12  }
0x54: {  	s19 =	sadd.s32 s2, s19;
	s21 =	sor.u32 $0x100, s21;
	s20 =	sand.u32 $0x3FFFFFFE, s20  }
0x55: {  	[hbm4b:s19+s21] =	stream.strided.scatter [tilespmem:s18], [sflag:$0x2], s20, s10, s21, $0x20;
	[tilespmem:$0x10100] =	vst v63  }
.LBB1_8:
0x56: {  	_ =	sfence.sel $0x180000  }
0x57: {  	s2 =	simm.s32 $0x1;
	[bflag:$0x0] =	sbarrier.arrive $0xFFFF  }
0x58: {  	s31 =	simm.s32 $0x2;
	[sflag:s2] =	ssyncpa.u1 $0x1  }
0x59: {  	[sflag:s31] =	ssyncpa.u1 $0x1  }
0x5a: {  	p0 =	sne.s32 s1, $0x0;
	_ =	strace $0x9000004D  }
0x5b: {  	s0 =	sadd.s32 @!p0 $0x100000, s0;
	[bflag:$0x2] =	sbarrier.arrive $0xFFFF  }
0x5c: {  	[sflag:s0] =	ssyncadd.tile.s32 @!p0 $0x1;
	_ =	shalt  }
.Lfunc_end1:
_tile_overlayer_lowered:
.L_overlay_start_2:
0x5d: {  	(tag) =	ssettag $0x2  }
0x5e: {  	s0 =	rddreg [dreg:$0x0];
	s2 =	stileid.u32  }
0x5f: {  	s1 =	rddreg [dreg:$0x1];
	p0 =	sne.s32 s2, $0x0  }
0x60: {  	s3 =	rddreg [dreg:$0x2];
	[bflag:$0x3] =	sbarrier.arrive $0xFFFF;
	s2 =	simm.s32 @!p0 $0x1C01  }
0x61: {  	[timem:s3], [sflag:s2] =	dma.local @!p0 [hbm:s0], s1  }
0x62: {  	s0 =	simm.s32 @!p0 $0x1  }
0x63: {  	_ =	swait.ge @!p0 [sflag:s0], s1  }
0x64: {  	s1 =	ssub.s32 @!p0 $0x0, s1;
	[sflag:s0] =	ssyncset.done @!p0 $0x0  }
0x65: {  	[sflag:s0] =	ssyncadd.s32 @!p0 s1  }
0x66: {  	[bflag:$0x3] =	sbarrier.arrive $0xFFFF  }
0x67: {  	_ =	shalt  }

</sc_bundles>
